<compile_context>
chip_gen: v7x
topology: tpu7x:2x2x1
jax: 0.10.2.dev20260603
libtpu: 0.0.44.dev20260713+nightly
codegen_flags: <defaults>
</compile_context>

<pallas_src>
import functools

import jax
import jax.numpy as jnp
from jax import lax
from jax.experimental import pallas as pl
from jax.experimental.pallas import tpu as pltpu
from jax.experimental.pallas import tpu_sc as plsc

E = 8
B = 256
NW = 32
LB = 16


def _routing(ids, T, K, NBLK):
    N = T * K
    CH = 128
    NCH = N // CH
    oh = (ids[:, None] == jnp.arange(E, dtype=ids.dtype)[None, :]).astype(jnp.float32)
    ohc = oh.reshape(NCH, CH, E)
    tril = jnp.tril(jnp.ones((CH, CH), jnp.float32))
    intra = jax.lax.dot_general(tril, ohc, (((1,), (1,)), ((), ())),
                                preferred_element_type=jnp.float32)
    intra = intra.transpose(1, 0, 2)
    chunk_tot = intra[:, CH - 1, :]
    excl_tril = jnp.tril(jnp.ones((NCH, NCH), jnp.float32), -1)
    chunk_pre = excl_tril @ chunk_tot
    csum = intra + chunk_pre[:, None, :]
    counts = (chunk_pre[-1] + chunk_tot[-1]).astype(jnp.int32)
    excl = (csum.reshape(N, E) - oh) * oh
    padded = ((counts + B - 1) // B) * B
    poff = jnp.concatenate([jnp.zeros((1,), jnp.int32),
                            jnp.cumsum(padded).astype(jnp.int32)])[:E]
    pos = ((excl + oh * poff[None, :].astype(jnp.float32)).sum(axis=1)
           ).astype(jnp.int32)
    pos_eo = (pos.reshape(T, K).T.reshape(K, NW, T // NW).transpose(1, 0, 2))
    blk_e = ((jnp.arange(NBLK, dtype=jnp.int32)[:, None] * B
              >= poff[None, :]).sum(axis=1) - 1).astype(jnp.int32)
    return pos_eo, blk_e


def _sc_dispatch(xb, pos_eo, *, T, K, P, d):
    tpw = T // NW
    mesh = plsc.VectorSubcoreMesh(core_axis_name="c", subcore_axis_name="s")

    @functools.partial(
        pl.kernel,
        out_type=jax.ShapeDtypeStruct((P, d), jnp.float32),
        mesh=mesh,
        scratch_types=[
            pltpu.VMEM((K, tpw), jnp.int32),
            pltpu.VMEM((tpw, d), jnp.float32),
            pltpu.SemaphoreType.DMA,
            pltpu.SemaphoreType.DMA,
        ],
    )
    def k(xb_hbm, pos_hbm, xg_hbm, pos_v, rows_v, sem0, sem1):
        wid = lax.axis_index("s") * 2 + lax.axis_index("c")
        base = wid * tpw
        cp = pltpu.async_copy(pos_hbm.at[wid], pos_v, sem0)
        cr = pltpu.async_copy(xb_hbm.at[pl.ds(base, tpw)], rows_v, sem1)
        cp.wait()
        cr.wait()
        c0 = pltpu.async_copy(rows_v, xg_hbm.at[pos_v.at[0]], sem0)
        c1 = pltpu.async_copy(rows_v, xg_hbm.at[pos_v.at[1]], sem1)
        c0.wait()
        c1.wait()

    return k(xb, pos_eo)


def _sc_combine(yg, pos_eo, *, T, K, P, d):
    tpw = T // NW
    nv = d // LB
    mesh = plsc.VectorSubcoreMesh(core_axis_name="c", subcore_axis_name="s")

    @functools.partial(
        pl.kernel,
        out_type=jax.ShapeDtypeStruct((T, d), jnp.float32),
        mesh=mesh,
        scratch_types=[
            pltpu.VMEM((K, tpw), jnp.int32),
            pltpu.VMEM((tpw, d), jnp.float32),
            pltpu.VMEM((tpw, d), jnp.float32),
            pltpu.SemaphoreType.DMA,
            pltpu.SemaphoreType.DMA,
            pltpu.SemaphoreType.DMA,
            pltpu.SemaphoreType.DMA,
            pltpu.SemaphoreType.DMA,
        ],
    )
    def k(yg_hbm, pos_hbm, out_hbm, pos_v, buf_a, buf_b,
          sa0, sb0, sa1, sb1, so):
        wid = lax.axis_index("s") * 2 + lax.axis_index("c")
        base = wid * tpw
        H = tpw // 2
        gsems = [(sa0, sb0), (sa1, sb1)]
        pltpu.sync_copy(pos_hbm.at[wid], pos_v)
        halves = []
        for h in range(2):
            r0 = h * H
            ca = pltpu.async_copy(yg_hbm.at[pos_v.at[0, pl.ds(r0, H)]],
                                  buf_a.at[pl.ds(r0, H)], gsems[h][0])
            cb = pltpu.async_copy(yg_hbm.at[pos_v.at[1, pl.ds(r0, H)]],
                                  buf_b.at[pl.ds(r0, H)], gsems[h][1])
            halves.append((ca, cb))

        def row(r, _):
            for j in range(nv):
                sl = pl.ds(j * LB, LB)
                buf_a[r, sl] = buf_a[r, sl] + buf_b[r, sl]
            return 0

        outs = []
        for h in range(2):
            r0 = h * H
            ca, cb = halves[h]
            ca.wait()
            cb.wait()
            lax.fori_loop(r0, r0 + H, row, 0)
            outs.append(pltpu.async_copy(
                buf_a.at[pl.ds(r0, H)], out_hbm.at[pl.ds(base + r0, H)], so))
        for c in outs:
            c.wait()

    return k(yg, pos_eo)


def _gemm_body(be_ref, xg_ref, w_ref, out_ref):
    xb = xg_ref[...].astype(jnp.bfloat16)
    wb = w_ref[0].astype(jnp.bfloat16)
    out_ref[...] = jnp.dot(xb, wb, preferred_element_type=jnp.float32)


def _grouped_gemm(blk_e, xg, experts_b, NBLK, d_in, d_out):
    grid_spec = pltpu.PrefetchScalarGridSpec(
        num_scalar_prefetch=1,
        grid=(NBLK,),
        in_specs=[
            pl.BlockSpec((B, d_in), lambda i, s: (i, 0)),
            pl.BlockSpec((1, d_in, d_out), lambda i, s: (s[i], 0, 0)),
        ],
        out_specs=pl.BlockSpec((B, d_out), lambda i, s: (i, 0)),
    )
    return pl.pallas_call(
        _gemm_body,
        grid_spec=grid_spec,
        out_shape=jax.ShapeDtypeStruct((NBLK * B, d_out), jnp.float32),
    )(blk_e, xg, experts_b)


def kernel(x, topk_indices, experts):
    b, s, d_in = x.shape
    d_out = experts.shape[2]
    T = b * s
    K = topk_indices.shape[-1]
    N = T * K
    NBLK = N // B + E
    P = NBLK * B

    xb = x.reshape(T, d_in)
    ids = topk_indices.reshape(N).astype(jnp.int32)

    pos_eo, blk_e = _routing(ids, T, K, NBLK)
    xg = _sc_dispatch(xb, pos_eo, T=T, K=K, P=P, d=d_in)
    yg = _grouped_gemm(blk_e, xg, experts, NBLK, d_in, d_out)
    out = _sc_combine(yg, pos_eo, T=T, K=K, P=P, d=d_out)
    return out.reshape(b, s, d_out)

# --- scband reference (transcript-rebuilt; emitter-appended) ---
"""Pipeline reference for scband-group-gemmmo-e-28750511080033 (READ-ONLY COPY).

The authoritative reference and input builder live on the scoring server;
editing this copy changes nothing except your own understanding.
"""

import jax, jax.numpy as jnp
import numpy as np

NUM_EXPERTS = 8
INPUT_SIZE = 768
OUTPUT_SIZE = 768
BATCH = 1
SEQ = 2048
TOPK = 2


def setup_inputs(seed: int = 0) -> dict:
    key = jax.random.key(seed)
    k1, k2, k3 = jax.random.split(key, 3)
    x = jax.random.normal(k1, (BATCH, SEQ, INPUT_SIZE), dtype=jnp.float32)
    topk_indices = jax.random.randint(k2, (BATCH, SEQ, TOPK), 0, NUM_EXPERTS)
    experts = jax.random.normal(k3, (NUM_EXPERTS, INPUT_SIZE, OUTPUT_SIZE), dtype=jnp.float32)
    return {"x": x, "topk_indices": topk_indices, "experts": experts}


def reference(x, topk_indices, experts):
    # x: [b, s, d_in]; topk_indices: [b, s, k]; experts: [E, d_in, d_out]
    b, s, d_in = x.shape
    E = experts.shape[0]
    k = topk_indices.shape[-1]
    T = b * s
    xt = x.reshape(T, d_in)
    idx = topk_indices.reshape(T, k)
    # combine[t, e] = number of times expert e appears in token t's top-k
    # (sum of expert outputs over the k routed experts)
    combine = jax.nn.one_hot(idx, E, dtype=x.dtype).sum(axis=1)  # [T, E]
    # grouped GEMM (dense equivalent): every token through every expert,
    # then combine with the routing weights (0/1/multiplicity mask)
    all_out = jnp.einsum('td,edo->teo', xt, experts)  # [T, E, d_out]
    out = jnp.einsum('te,teo->to', combine, all_out)  # [T, d_out]
    return out.reshape(b, s, -1)

if __name__ == "__main__":
    import jax
    _d = setup_inputs()
    print(jax.jit(kernel)(*tuple(_d.values())))

</pallas_src>

<mosaic_0001>
#map = affine_map<(d0, d1) -> (0, 0)>
#map1 = affine_map<(d0, d1) -> (0, 0, 0)>
module attributes {stable_mosaic.version = 14 : i64} {
  func.func @k(%arg0: i32, %arg1: i32, %arg2: memref<6144x768xf32, #tpu.memory_space<hbm>>, %arg3: memref<32x2x64xi32, #tpu.memory_space<hbm>>, %arg4: memref<2048x768xf32, #tpu.memory_space<hbm>>, %arg5: memref<2x64xi32, #tpu.memory_space<vmem>>, %arg6: memref<64x768xf32, #tpu.memory_space<vmem>>, %arg7: memref<64x768xf32, #tpu.memory_space<vmem>>, %arg8: memref<!tpu.dma_semaphore, #tpu.memory_space<semaphore_mem>>, %arg9: memref<!tpu.dma_semaphore, #tpu.memory_space<semaphore_mem>>, %arg10: memref<!tpu.dma_semaphore, #tpu.memory_space<semaphore_mem>>, %arg11: memref<!tpu.dma_semaphore, #tpu.memory_space<semaphore_mem>>, %arg12: memref<!tpu.dma_semaphore, #tpu.memory_space<semaphore_mem>>) attributes {dimension_semantics = [#tpu.dimension_semantics<core_parallel>, #tpu.dimension_semantics<subcore_parallel>], iteration_bounds = array<i64: 2, 16>, scalar_prefetch = 0 : i64, scratch_operands = 8 : i64, tpu.core_type = #tpu.core_type<sc_vector_subcore>, window_params = [{transform_indices = #map}, {transform_indices = #map1}, {transform_indices = #map}]} {
    %mul3A = arith.constant 2 : i32
    %mul3A_0 = arith.muli %arg1, %mul3A : i32
    %add3A = arith.addi %mul3A_0, %arg0 : i32
    %mul3A_1 = arith.constant 64 : i32
    %mul3A_2 = arith.muli %add3A, %mul3A_1 : i32
    "tpu.region"() ({
      %run_scoped3A = tpu.sem_alloc : memref<!tpu.dma_semaphore, #tpu.memory_space<semaphore_mem>>
      %dma_start3A_138 = arith.constant 0 : i32
      %dma_start3A_139 = arith.constant 0 : i32
      %dma_start3A_140 = tpu.memref_slice %arg3[%add3A, %dma_start3A_138, %dma_start3A_139] : memref<32x2x64xi32, #tpu.memory_space<hbm>> -> memref<1x2x64xi32, #tpu.memory_space<hbm>>
      %dma_start3A_141 = tpu.memref_squeeze %dma_start3A_140 : memref<1x2x64xi32, #tpu.memory_space<hbm>> -> memref<2x64xi32, #tpu.memory_space<hbm>>
      %dma_start3A_142 = arith.constant 0 : i32
      %dma_start3A_143 = arith.constant 0 : i32
      %dma_start3A_144 = tpu.memref_slice %arg3[%add3A, %dma_start3A_142, %dma_start3A_143] : memref<32x2x64xi32, #tpu.memory_space<hbm>> -> memref<1x2x64xi32, #tpu.memory_space<hbm>>
      %dma_start3A_145 = tpu.memref_squeeze %dma_start3A_144 : memref<1x2x64xi32, #tpu.memory_space<hbm>> -> memref<2x64xi32, #tpu.memory_space<hbm>>
      tpu.enqueue_dma source(%dma_start3A_145 : memref<2x64xi32, #tpu.memory_space<hbm>>) target(%arg5 : memref<2x64xi32, #tpu.memory_space<vmem>>) target_semaphore(%run_scoped3A : memref<!tpu.dma_semaphore, #tpu.memory_space<semaphore_mem>>)
      %dma_wait3A_146 = arith.constant 0 : i32
      %dma_wait3A_147 = arith.constant 0 : i32
      %dma_wait3A_148 = tpu.memref_slice %arg3[%add3A, %dma_wait3A_146, %dma_wait3A_147] : memref<32x2x64xi32, #tpu.memory_space<hbm>> -> memref<1x2x64xi32, #tpu.memory_space<hbm>>
      %dma_wait3A_149 = tpu.memref_squeeze %dma_wait3A_148 : memref<1x2x64xi32, #tpu.memory_space<hbm>> -> memref<2x64xi32, #tpu.memory_space<hbm>>
      %dma_wait3A_150 = arith.constant 0 : i32
      %dma_wait3A_151 = arith.constant 0 : i32
      %dma_wait3A_152 = tpu.memref_slice %arg3[%add3A, %dma_wait3A_150, %dma_wait3A_151] : memref<32x2x64xi32, #tpu.memory_space<hbm>> -> memref<1x2x64xi32, #tpu.memory_space<hbm>>
      %dma_wait3A_153 = tpu.memref_squeeze %dma_wait3A_152 : memref<1x2x64xi32, #tpu.memory_space<hbm>> -> memref<2x64xi32, #tpu.memory_space<hbm>>
      tpu.wait_dma2 semaphore(%run_scoped3A : memref<!tpu.dma_semaphore, #tpu.memory_space<semaphore_mem>>) src(%dma_wait3A_153 : memref<2x64xi32, #tpu.memory_space<hbm>>) dst(%arg5 : memref<2x64xi32, #tpu.memory_space<vmem>>)
      tpu.yield
    }) : () -> ()
    %dma_start3A = arith.constant 0 : i32
    %dma_start3A_3 = arith.constant 0 : i32
    %dma_start3A_4 = arith.constant 0 : i32
    %dma_start3A_5 = tpu.memref_slice %arg6[%dma_start3A_3, %dma_start3A_4] : memref<64x768xf32, #tpu.memory_space<vmem>> -> memref<32x768xf32, #tpu.memory_space<vmem>>
    %dma_start3A_6 = arith.constant 0 : i32
    %dma_start3A_7 = tpu.memref_slice %arg5[%dma_start3A, %dma_start3A_6] : memref<2x64xi32, #tpu.memory_space<vmem>> -> memref<1x32xi32, #tpu.memory_space<vmem>>
    %dma_start3A_8 = tpu.memref_squeeze %dma_start3A_7 : memref<1x32xi32, #tpu.memory_space<vmem>> -> memref<32xi32, #tpu.memory_space<vmem>>
    %dma_start3A_9 = arith.constant 0 : i32
    %dma_start3A_10 = arith.constant 0 : i32
    %dma_start3A_11 = tpu.memref_slice %arg2[%dma_start3A_9, %dma_start3A_10] : memref<6144x768xf32, #tpu.memory_space<hbm>> -> memref<6144x768xf32, #tpu.memory_space<hbm>>
    tpu.enqueue_indirect_dma source(%dma_start3A_11 : memref<6144x768xf32, #tpu.memory_space<hbm>>) target(%dma_start3A_5 : memref<32x768xf32, #tpu.memory_space<vmem>>) offsets(%dma_start3A_8 : memref<32xi32, #tpu.memory_space<vmem>>) semaphore(%arg8 : memref<!tpu.dma_semaphore, #tpu.memory_space<semaphore_mem>>)
    %dma_start3A_12 = arith.constant 1 : i32
    %dma_start3A_13 = arith.constant 0 : i32
    %dma_start3A_14 = arith.constant 0 : i32
    %dma_start3A_15 = tpu.memref_slice %arg7[%dma_start3A_13, %dma_start3A_14] : memref<64x768xf32, #tpu.memory_space<vmem>> -> memref<32x768xf32, #tpu.memory_space<vmem>>
    %dma_start3A_16 = arith.constant 0 : i32
    %dma_start3A_17 = tpu.memref_slice %arg5[%dma_start3A_12, %dma_start3A_16] : memref<2x64xi32, #tpu.memory_space<vmem>> -> memref<1x32xi32, #tpu.memory_space<vmem>>
    %dma_start3A_18 = tpu.memref_squeeze %dma_start3A_17 : memref<1x32xi32, #tpu.memory_space<vmem>> -> memref<32xi32, #tpu.memory_space<vmem>>
    %dma_start3A_19 = arith.constant 0 : i32
    %dma_start3A_20 = arith.constant 0 : i32
    %dma_start3A_21 = tpu.memref_slice %arg2[%dma_start3A_19, %dma_start3A_20] : memref<6144x768xf32, #tpu.memory_space<hbm>> -> memref<6144x768xf32, #tpu.memory_space<hbm>>
    tpu.enqueue_indirect_dma source(%dma_start3A_21 : memref<6144x768xf32, #tpu.memory_space<hbm>>) target(%dma_start3A_15 : memref<32x768xf32, #tpu.memory_space<vmem>>) offsets(%dma_start3A_18 : memref<32xi32, #tpu.memory_space<vmem>>) semaphore(%arg9 : memref<!tpu.dma_semaphore, #tpu.memory_space<semaphore_mem>>)
    %dma_start3A_22 = arith.constant 0 : i32
    %dma_start3A_23 = arith.constant 32 : i32
    %dma_start3A_24 = arith.constant 0 : i32
    %dma_start3A_25 = tpu.memref_slice %arg6[%dma_start3A_23, %dma_start3A_24] : memref<64x768xf32, #tpu.memory_space<vmem>> -> memref<32x768xf32, #tpu.memory_space<vmem>>
    %dma_start3A_26 = arith.constant 32 : i32
    %dma_start3A_27 = tpu.memref_slice %arg5[%dma_start3A_22, %dma_start3A_26] : memref<2x64xi32, #tpu.memory_space<vmem>> -> memref<1x32xi32, #tpu.memory_space<vmem>>
    %dma_start3A_28 = tpu.memref_squeeze %dma_start3A_27 : memref<1x32xi32, #tpu.memory_space<vmem>> -> memref<32xi32, #tpu.memory_space<vmem>>
    %dma_start3A_29 = arith.constant 0 : i32
    %dma_start3A_30 = arith.constant 0 : i32
    %dma_start3A_31 = tpu.memref_slice %arg2[%dma_start3A_29, %dma_start3A_30] : memref<6144x768xf32, #tpu.memory_space<hbm>> -> memref<6144x768xf32, #tpu.memory_space<hbm>>
    tpu.enqueue_indirect_dma source(%dma_start3A_31 : memref<6144x768xf32, #tpu.memory_space<hbm>>) target(%dma_start3A_25 : memref<32x768xf32, #tpu.memory_space<vmem>>) offsets(%dma_start3A_28 : memref<32xi32, #tpu.memory_space<vmem>>) semaphore(%arg10 : memref<!tpu.dma_semaphore, #tpu.memory_space<semaphore_mem>>)
    %dma_start3A_32 = arith.constant 1 : i32
    %dma_start3A_33 = arith.constant 32 : i32
    %dma_start3A_34 = arith.constant 0 : i32
    %dma_start3A_35 = tpu.memref_slice %arg7[%dma_start3A_33, %dma_start3A_34] : memref<64x768xf32, #tpu.memory_space<vmem>> -> memref<32x768xf32, #tpu.memory_space<vmem>>
    %dma_start3A_36 = arith.constant 32 : i32
    %dma_start3A_37 = tpu.memref_slice %arg5[%dma_start3A_32, %dma_start3A_36] : memref<2x64xi32, #tpu.memory_space<vmem>> -> memref<1x32xi32, #tpu.memory_space<vmem>>
    %dma_start3A_38 = tpu.memref_squeeze %dma_start3A_37 : memref<1x32xi32, #tpu.memory_space<vmem>> -> memref<32xi32, #tpu.memory_space<vmem>>
    %dma_start3A_39 = arith.constant 0 : i32
    %dma_start3A_40 = arith.constant 0 : i32
    %dma_start3A_41 = tpu.memref_slice %arg2[%dma_start3A_39, %dma_start3A_40] : memref<6144x768xf32, #tpu.memory_space<hbm>> -> memref<6144x768xf32, #tpu.memory_space<hbm>>
    tpu.enqueue_indirect_dma source(%dma_start3A_41 : memref<6144x768xf32, #tpu.memory_space<hbm>>) target(%dma_start3A_35 : memref<32x768xf32, #tpu.memory_space<vmem>>) offsets(%dma_start3A_38 : memref<32xi32, #tpu.memory_space<vmem>>) semaphore(%arg11 : memref<!tpu.dma_semaphore, #tpu.memory_space<semaphore_mem>>)
    %dma_wait3A = arith.constant 0 : i32
    %dma_wait3A_42 = arith.constant 0 : i32
    %dma_wait3A_43 = arith.constant 0 : i32
    %dma_wait3A_44 = tpu.memref_slice %arg6[%dma_wait3A_42, %dma_wait3A_43] : memref<64x768xf32, #tpu.memory_space<vmem>> -> memref<32x768xf32, #tpu.memory_space<vmem>>
    %dma_wait3A_45 = arith.constant 0 : i32
    %dma_wait3A_46 = tpu.memref_slice %arg5[%dma_wait3A, %dma_wait3A_45] : memref<2x64xi32, #tpu.memory_space<vmem>> -> memref<1x32xi32, #tpu.memory_space<vmem>>
    %dma_wait3A_47 = tpu.memref_squeeze %dma_wait3A_46 : memref<1x32xi32, #tpu.memory_space<vmem>> -> memref<32xi32, #tpu.memory_space<vmem>>
    %dma_wait3A_48 = arith.constant 0 : i32
    %dma_wait3A_49 = arith.constant 0 : i32
    %dma_wait3A_50 = tpu.memref_slice %arg2[%dma_wait3A_48, %dma_wait3A_49] : memref<6144x768xf32, #tpu.memory_space<hbm>> -> memref<6144x768xf32, #tpu.memory_space<hbm>>
    tpu.wait_indirect_dma semaphore(%arg8 : memref<!tpu.dma_semaphore, #tpu.memory_space<semaphore_mem>>) src(%dma_wait3A_50 : memref<6144x768xf32, #tpu.memory_space<hbm>>) dst(%dma_wait3A_44 : memref<32x768xf32, #tpu.memory_space<vmem>>)
    %dma_wait3A_51 = arith.constant 1 : i32
    %dma_wait3A_52 = arith.constant 0 : i32
    %dma_wait3A_53 = arith.constant 0 : i32
    %dma_wait3A_54 = tpu.memref_slice %arg7[%dma_wait3A_52, %dma_wait3A_53] : memref<64x768xf32, #tpu.memory_space<vmem>> -> memref<32x768xf32, #tpu.memory_space<vmem>>
    %dma_wait3A_55 = arith.constant 0 : i32
    %dma_wait3A_56 = tpu.memref_slice %arg5[%dma_wait3A_51, %dma_wait3A_55] : memref<2x64xi32, #tpu.memory_space<vmem>> -> memref<1x32xi32, #tpu.memory_space<vmem>>
    %dma_wait3A_57 = tpu.memref_squeeze %dma_wait3A_56 : memref<1x32xi32, #tpu.memory_space<vmem>> -> memref<32xi32, #tpu.memory_space<vmem>>
    %dma_wait3A_58 = arith.constant 0 : i32
    %dma_wait3A_59 = arith.constant 0 : i32
    %dma_wait3A_60 = tpu.memref_slice %arg2[%dma_wait3A_58, %dma_wait3A_59] : memref<6144x768xf32, #tpu.memory_space<hbm>> -> memref<6144x768xf32, #tpu.memory_space<hbm>>
    tpu.wait_indirect_dma semaphore(%arg9 : memref<!tpu.dma_semaphore, #tpu.memory_space<semaphore_mem>>) src(%dma_wait3A_60 : memref<6144x768xf32, #tpu.memory_space<hbm>>) dst(%dma_wait3A_54 : memref<32x768xf32, #tpu.memory_space<vmem>>)
    %scan3A = arith.constant 0 : i32
    %scan3A_61 = arith.constant 0 : i32
    %scan3A_62 = arith.constant 32 : i32
    %scan3A_63 = arith.addi %scan3A_61, %scan3A_62 : i32
    %scan3A_64 = arith.constant 1 : i32
    %scan3A_65 = scf.for %scan3A_138 = %scan3A_61 to %scan3A_63 step %scan3A_64 iter_args(%scan3A_139 = %scan3A) -> (i32)  : i32 {
      %get3A = arith.index_cast %scan3A_138 : i32 to index
      %get3A_140 = arith.constant 0 : index
      %get3A_141 = tpu.vector_load %arg6[%get3A, %get3A_140] {strides = array<i32>} : memref<64x768xf32, #tpu.memory_space<vmem>>, vector<1x16xf32>,
      %get3A_142 = vector.shape_cast %get3A_141 : vector<1x16xf32> to vector<16xf32>
      %get3A_143 = arith.index_cast %scan3A_138 : i32 to index
      %get3A_144 = arith.constant 0 : index
      %get3A_145 = tpu.vector_load %arg7[%get3A_143, %get3A_144] {strides = array<i32>} : memref<64x768xf32, #tpu.memory_space<vmem>>, vector<1x16xf32>,
      %get3A_146 = vector.shape_cast %get3A_145 : vector<1x16xf32> to vector<16xf32>
      %add3A_147 = arith.addf %get3A_142, %get3A_146 : vector<16xf32>
      %swap3A = arith.index_cast %scan3A_138 : i32 to index
      %swap3A_148 = arith.constant 0 : index
      %swap3A_149 = tpu.vector_load %arg6[%swap3A, %swap3A_148] {strides = array<i32>} : memref<64x768xf32, #tpu.memory_space<vmem>>, vector<1x16xf32>,
      %swap3A_150 = vector.shape_cast %swap3A_149 : vector<1x16xf32> to vector<16xf32>
      %swap3A_151 = vector.shape_cast %add3A_147 : vector<16xf32> to vector<1x16xf32>
      tpu.vector_store %arg6[%swap3A, %swap3A_148], %swap3A_151 {strides = array<i32>} : memref<64x768xf32, #tpu.memory_space<vmem>>, vector<1x16xf32>,
      %get3A_152 = arith.index_cast %scan3A_138 : i32 to index
      %get3A_153 = arith.constant 16 : index
      %get3A_154 = tpu.vector_load %arg6[%get3A_152, %get3A_153] {strides = array<i32>} : memref<64x768xf32, #tpu.memory_space<vmem>>, vector<1x16xf32>,
      %get3A_155 = vector.shape_cast %get3A_154 : vector<1x16xf32> to vector<16xf32>
      %get3A_156 = arith.index_cast %scan3A_138 : i32 to index
      %get3A_157 = arith.constant 16 : index
      %get3A_158 = tpu.vector_load %arg7[%get3A_156, %get3A_157] {strides = array<i32>} : memref<64x768xf32, #tpu.memory_space<vmem>>, vector<1x16xf32>,
      %get3A_159 = vector.shape_cast %get3A_158 : vector<1x16xf32> to vector<16xf32>
      %add3A_160 = arith.addf %get3A_155, %get3A_159 : vector<16xf32>
      %swap3A_161 = arith.index_cast %scan3A_138 : i32 to index
      %swap3A_162 = arith.constant 16 : index
      %swap3A_163 = tpu.vector_load %arg6[%swap3A_161, %swap3A_162] {strides = array<i32>} : memref<64x768xf32, #tpu.memory_space<vmem>>, vector<1x16xf32>,
      %swap3A_164 = vector.shape_cast %swap3A_163 : vector<1x16xf32> to vector<16xf32>
      %swap3A_165 = vector.shape_cast %add3A_160 : vector<16xf32> to vector<1x16xf32>
      tpu.vector_store %arg6[%swap3A_161, %swap3A_162], %swap3A_165 {strides = array<i32>} : memref<64x768xf32, #tpu.memory_space<vmem>>, vector<1x16xf32>,
      %get3A_166 = arith.index_cast %scan3A_138 : i32 to index
      %get3A_167 = arith.constant 32 : index
      %get3A_168 = tpu.vector_load %arg6[%get3A_166, %get3A_167] {strides = array<i32>} : memref<64x768xf32, #tpu.memory_space<vmem>>, vector<1x16xf32>,
      %get3A_169 = vector.shape_cast %get3A_168 : vector<1x16xf32> to vector<16xf32>
      %get3A_170 = arith.index_cast %scan3A_138 : i32 to index
      %get3A_171 = arith.constant 32 : index
      %get3A_172 = tpu.vector_load %arg7[%get3A_170, %get3A_171] {strides = array<i32>} : memref<64x768xf32, #tpu.memory_space<vmem>>, vector<1x16xf32>,
      %get3A_173 = vector.shape_cast %get3A_172 : vector<1x16xf32> to vector<16xf32>
      %add3A_174 = arith.addf %get3A_169, %get3A_173 : vector<16xf32>
      %swap3A_175 = arith.index_cast %scan3A_138 : i32 to index
      %swap3A_176 = arith.constant 32 : index
      %swap3A_177 = tpu.vector_load %arg6[%swap3A_175, %swap3A_176] {strides = array<i32>} : memref<64x768xf32, #tpu.memory_space<vmem>>, vector<1x16xf32>,
      %swap3A_178 = vector.shape_cast %swap3A_177 : vector<1x16xf32> to vector<16xf32>
      %swap3A_179 = vector.shape_cast %add3A_174 : vector<16xf32> to vector<1x16xf32>
      tpu.vector_store %arg6[%swap3A_175, %swap3A_176], %swap3A_179 {strides = array<i32>} : memref<64x768xf32, #tpu.memory_space<vmem>>, vector<1x16xf32>,
      %get3A_180 = arith.index_cast %scan3A_138 : i32 to index
      %get3A_181 = arith.constant 48 : index
      %get3A_182 = tpu.vector_load %arg6[%get3A_180, %get3A_181] {strides = array<i32>} : memref<64x768xf32, #tpu.memory_space<vmem>>, vector<1x16xf32>,
      %get3A_183 = vector.shape_cast %get3A_182 : vector<1x16xf32> to vector<16xf32>
      %get3A_184 = arith.index_cast %scan3A_138 : i32 to index
      %get3A_185 = arith.constant 48 : index
      %get3A_186 = tpu.vector_load %arg7[%get3A_184, %get3A_185] {strides = array<i32>} : memref<64x768xf32, #tpu.memory_space<vmem>>, vector<1x16xf32>,
      %get3A_187 = vector.shape_cast %get3A_186 : vector<1x16xf32> to vector<16xf32>
      %add3A_188 = arith.addf %get3A_183, %get3A_187 : vector<16xf32>
      %swap3A_189 = arith.index_cast %scan3A_138 : i32 to index
      %swap3A_190 = arith.constant 48 : index
      %swap3A_191 = tpu.vector_load %arg6[%swap3A_189, %swap3A_190] {strides = array<i32>} : memref<64x768xf32, #tpu.memory_space<vmem>>, vector<1x16xf32>,
      %swap3A_192 = vector.shape_cast %swap3A_191 : vector<1x16xf32> to vector<16xf32>
      %swap3A_193 = vector.shape_cast %add3A_188 : vector<16xf32> to vector<1x16xf32>
      tpu.vector_store %arg6[%swap3A_189, %swap3A_190], %swap3A_193 {strides = array<i32>} : memref<64x768xf32, #tpu.memory_space<vmem>>, vector<1x16xf32>,
      %get3A_194 = arith.index_cast %scan3A_138 : i32 to index
      %get3A_195 = arith.constant 64 : index
      %get3A_196 = tpu.vector_load %arg6[%get3A_194, %get3A_195] {strides = array<i32>} : memref<64x768xf32, #tpu.memory_space<vmem>>, vector<1x16xf32>,
      %get3A_197 = vector.shape_cast %get3A_196 : vector<1x16xf32> to vector<16xf32>
      %get3A_198 = arith.index_cast %scan3A_138 : i32 to index
      %get3A_199 = arith.constant 64 : index
      %get3A_200 = tpu.vector_load %arg7[%get3A_198, %get3A_199] {strides = array<i32>} : memref<64x768xf32, #tpu.memory_space<vmem>>, vector<1x16xf32>,
      %get3A_201 = vector.shape_cast %get3A_200 : vector<1x16xf32> to vector<16xf32>
      %add3A_202 = arith.addf %get3A_197, %get3A_201 : vector<16xf32>
      %swap3A_203 = arith.index_cast %scan3A_138 : i32 to index
      %swap3A_204 = arith.constant 64 : index
      %swap3A_205 = tpu.vector_load %arg6[%swap3A_203, %swap3A_204] {strides = array<i32>} : memref<64x768xf32, #tpu.memory_space<vmem>>, vector<1x16xf32>,
      %swap3A_206 = vector.shape_cast %swap3A_205 : vector<1x16xf32> to vector<16xf32>
      %swap3A_207 = vector.shape_cast %add3A_202 : vector<16xf32> to vector<1x16xf32>
      tpu.vector_store %arg6[%swap3A_203, %swap3A_204], %swap3A_207 {strides = array<i32>} : memref<64x768xf32, #tpu.memory_space<vmem>>, vector<1x16xf32>,
      %get3A_208 = arith.index_cast %scan3A_138 : i32 to index
      %get3A_209 = arith.constant 80 : index
      %get3A_210 = tpu.vector_load %arg6[%get3A_208, %get3A_209] {strides = array<i32>} : memref<64x768xf32, #tpu.memory_space<vmem>>, vector<1x16xf32>,
      %get3A_211 = vector.shape_cast %get3A_210 : vector<1x16xf32> to vector<16xf32>
      %get3A_212 = arith.index_cast %scan3A_138 : i32 to index
      %get3A_213 = arith.constant 80 : index
      %get3A_214 = tpu.vector_load %arg7[%get3A_212, %get3A_213] {strides = array<i32>} : memref<64x768xf32, #tpu.memory_space<vmem>>, vector<1x16xf32>,
      %get3A_215 = vector.shape_cast %get3A_214 : vector<1x16xf32> to vector<16xf32>
      %add3A_216 = arith.addf %get3A_211, %get3A_215 : vector<16xf32>
      %swap3A_217 = arith.index_cast %scan3A_138 : i32 to index
      %swap3A_218 = arith.constant 80 : index
      %swap3A_219 = tpu.vector_load %arg6[%swap3A_217, %swap3A_218] {strides = array<i32>} : memref<64x768xf32, #tpu.memory_space<vmem>>, vector<1x16xf32>,
      %swap3A_220 = vector.shape_cast %swap3A_219 : vector<1x16xf32> to vector<16xf32>
      %swap3A_221 = vector.shape_cast %add3A_216 : vector<16xf32> to vector<1x16xf32>
      tpu.vector_store %arg6[%swap3A_217, %swap3A_218], %swap3A_221 {strides = array<i32>} : memref<64x768xf32, #tpu.memory_space<vmem>>, vector<1x16xf32>,
      %get3A_222 = arith.index_cast %scan3A_138 : i32 to index
      %get3A_223 = arith.constant 96 : index
      %get3A_224 = tpu.vector_load %arg6[%get3A_222, %get3A_223] {strides = array<i32>} : memref<64x768xf32, #tpu.memory_space<vmem>>, vector<1x16xf32>,
      %get3A_225 = vector.shape_cast %get3A_224 : vector<1x16xf32> to vector<16xf32>
      %get3A_226 = arith.index_cast %scan3A_138 : i32 to index
      %get3A_227 = arith.constant 96 : index
      %get3A_228 = tpu.vector_load %arg7[%get3A_226, %get3A_227] {strides = array<i32>} : memref<64x768xf32, #tpu.memory_space<vmem>>, vector<1x16xf32>,
      %get3A_229 = vector.shape_cast %get3A_228 : vector<1x16xf32> to vector<16xf32>
      %add3A_230 = arith.addf %get3A_225, %get3A_229 : vector<16xf32>
      %swap3A_231 = arith.index_cast %scan3A_138 : i32 to index
      %swap3A_232 = arith.constant 96 : index
      %swap3A_233 = tpu.vector_load %arg6[%swap3A_231, %swap3A_232] {strides = array<i32>} : memref<64x768xf32, #tpu.memory_space<vmem>>, vector<1x16xf32>,
      %swap3A_234 = vector.shape_cast %swap3A_233 : vector<1x16xf32> to vector<16xf32>
      %swap3A_235 = vector.shape_cast %add3A_230 : vector<16xf32> to vector<1x16xf32>
      tpu.vector_store %arg6[%swap3A_231, %swap3A_232], %swap3A_235 {strides = array<i32>} : memref<64x768xf32, #tpu.memory_space<vmem>>, vector<1x16xf32>,
      %get3A_236 = arith.index_cast %scan3A_138 : i32 to index
      %get3A_237 = arith.constant 112 : index
      %get3A_238 = tpu.vector_load %arg6[%get3A_236, %get3A_237] {strides = array<i32>} : memref<64x768xf32, #tpu.memory_space<vmem>>, vector<1x16xf32>,
      %get3A_239 = vector.shape_cast %get3A_238 : vector<1x16xf32> to vector<16xf32>
      %get3A_240 = arith.index_cast %scan3A_138 : i32 to index
      %get3A_241 = arith.constant 112 : index
      %get3A_242 = tpu.vector_load %arg7[%get3A_240, %get3A_241] {strides = array<i32>} : memref<64x768xf32, #tpu.memory_space<vmem>>, vector<1x16xf32>,
      %get3A_243 = vector.shape_cast %get3A_242 : vector<1x16xf32> to vector<16xf32>
      %add3A_244 = arith.addf %get3A_239, %get3A_243 : vector<16xf32>
      %swap3A_245 = arith.index_cast %scan3A_138 : i32 to index
      %swap3A_246 = arith.constant 112 : index
      %swap3A_247 = tpu.vector_load %arg6[%swap3A_245, %swap3A_246] {strides = array<i32>} : memref<64x768xf32, #tpu.memory_space<vmem>>, vector<1x16xf32>,
      %swap3A_248 = vector.shape_cast %swap3A_247 : vector<1x16xf32> to vector<16xf32>
      %swap3A_249 = vector.shape_cast %add3A_244 : vector<16xf32> to vector<1x16xf32>
      tpu.vector_store %arg6[%swap3A_245, %swap3A_246], %swap3A_249 {strides = array<i32>} : memref<64x768xf32, #tpu.memory_space<vmem>>, vector<1x16xf32>,
      %get3A_250 = arith.index_cast %scan3A_138 : i32 to index
      %get3A_251 = arith.constant 128 : index
      %get3A_252 = tpu.vector_load %arg6[%get3A_250, %get3A_251] {strides = array<i32>} : memref<64x768xf32, #tpu.memory_space<vmem>>, vector<1x16xf32>,
      %get3A_253 = vector.shape_cast %get3A_252 : vector<1x16xf32> to vector<16xf32>
      %get3A_254 = arith.index_cast %scan3A_138 : i32 to index
      %get3A_255 = arith.constant 128 : index
      %get3A_256 = tpu.vector_load %arg7[%get3A_254, %get3A_255] {strides = array<i32>} : memref<64x768xf32, #tpu.memory_space<vmem>>, vector<1x16xf32>,
      %get3A_257 = vector.shape_cast %get3A_256 : vector<1x16xf32> to vector<16xf32>
      %add3A_258 = arith.addf %get3A_253, %get3A_257 : vector<16xf32>
      %swap3A_259 = arith.index_cast %scan3A_138 : i32 to index
      %swap3A_260 = arith.constant 128 : index
      %swap3A_261 = tpu.vector_load %arg6[%swap3A_259, %swap3A_260] {strides = array<i32>} : memref<64x768xf32, #tpu.memory_space<vmem>>, vector<1x16xf32>,
      %swap3A_262 = vector.shape_cast %swap3A_261 : vector<1x16xf32> to vector<16xf32>
      %swap3A_263 = vector.shape_cast %add3A_258 : vector<16xf32> to vector<1x16xf32>
      tpu.vector_store %arg6[%swap3A_259, %swap3A_260], %swap3A_263 {strides = array<i32>} : memref<64x768xf32, #tpu.memory_space<vmem>>, vector<1x16xf32>,
      %get3A_264 = arith.index_cast %scan3A_138 : i32 to index
      %get3A_265 = arith.constant 144 : index
      %get3A_266 = tpu.vector_load %arg6[%get3A_264, %get3A_265] {strides = array<i32>} : memref<64x768xf32, #tpu.memory_space<vmem>>, vector<1x16xf32>,
      %get3A_267 = vector.shape_cast %get3A_266 : vector<1x16xf32> to vector<16xf32>
      %get3A_268 = arith.index_cast %scan3A_138 : i32 to index
      %get3A_269 = arith.constant 144 : index
      %get3A_270 = tpu.vector_load %arg7[%get3A_268, %get3A_269] {strides = array<i32>} : memref<64x768xf32, #tpu.memory_space<vmem>>, vector<1x16xf32>,
      %get3A_271 = vector.shape_cast %get3A_270 : vector<1x16xf32> to vector<16xf32>
      %add3A_272 = arith.addf %get3A_267, %get3A_271 : vector<16xf32>
      %swap3A_273 = arith.index_cast %scan3A_138 : i32 to index
      %swap3A_274 = arith.constant 144 : index
      %swap3A_275 = tpu.vector_load %arg6[%swap3A_273, %swap3A_274] {strides = array<i32>} : memref<64x768xf32, #tpu.memory_space<vmem>>, vector<1x16xf32>,
      %swap3A_276 = vector.shape_cast %swap3A_275 : vector<1x16xf32> to vector<16xf32>
      %swap3A_277 = vector.shape_cast %add3A_272 : vector<16xf32> to vector<1x16xf32>
      tpu.vector_store %arg6[%swap3A_273, %swap3A_274], %swap3A_277 {strides = array<i32>} : memref<64x768xf32, #tpu.memory_space<vmem>>, vector<1x16xf32>,
      %get3A_278 = arith.index_cast %scan3A_138 : i32 to index
      %get3A_279 = arith.constant 160 : index
      %get3A_280 = tpu.vector_load %arg6[%get3A_278, %get3A_279] {strides = array<i32>} : memref<64x768xf32, #tpu.memory_space<vmem>>, vector<1x16xf32>,
      %get3A_281 = vector.shape_cast %get3A_280 : vector<1x16xf32> to vector<16xf32>
      %get3A_282 = arith.index_cast %scan3A_138 : i32 to index
      %get3A_283 = arith.constant 160 : index
      %get3A_284 = tpu.vector_load %arg7[%get3A_282, %get3A_283] {strides = array<i32>} : memref<64x768xf32, #tpu.memory_space<vmem>>, vector<1x16xf32>,
      %get3A_285 = vector.shape_cast %get3A_284 : vector<1x16xf32> to vector<16xf32>
      %add3A_286 = arith.addf %get3A_281, %get3A_285 : vector<16xf32>
      %swap3A_287 = arith.index_cast %scan3A_138 : i32 to index
      %swap3A_288 = arith.constant 160 : index
      %swap3A_289 = tpu.vector_load %arg6[%swap3A_287, %swap3A_288] {strides = array<i32>} : memref<64x768xf32, #tpu.memory_space<vmem>>, vector<1x16xf32>,
      %swap3A_290 = vector.shape_cast %swap3A_289 : vector<1x16xf32> to vector<16xf32>
      %swap3A_291 = vector.shape_cast %add3A_286 : vector<16xf32> to vector<1x16xf32>
      tpu.vector_store %arg6[%swap3A_287, %swap3A_288], %swap3A_291 {strides = array<i32>} : memref<64x768xf32, #tpu.memory_space<vmem>>, vector<1x16xf32>,
      %get3A_292 = arith.index_cast %scan3A_138 : i32 to index
      %get3A_293 = arith.constant 176 : index
      %get3A_294 = tpu.vector_load %arg6[%get3A_292, %get3A_293] {strides = array<i32>} : memref<64x768xf32, #tpu.memory_space<vmem>>, vector<1x16xf32>,
      %get3A_295 = vector.shape_cast %get3A_294 : vector<1x16xf32> to vector<16xf32>
      %get3A_296 = arith.index_cast %scan3A_138 : i32 to index
      %get3A_297 = arith.constant 176 : index
      %get3A_298 = tpu.vector_load %arg7[%get3A_296, %get3A_297] {strides = array<i32>} : memref<64x768xf32, #tpu.memory_space<vmem>>, vector<1x16xf32>,
      %get3A_299 = vector.shape_cast %get3A_298 : vector<1x16xf32> to vector<16xf32>
      %add3A_300 = arith.addf %get3A_295, %get3A_299 : vector<16xf32>
      %swap3A_301 = arith.index_cast %scan3A_138 : i32 to index
      %swap3A_302 = arith.constant 176 : index
      %swap3A_303 = tpu.vector_load %arg6[%swap3A_301, %swap3A_302] {strides = array<i32>} : memref<64x768xf32, #tpu.memory_space<vmem>>, vector<1x16xf32>,
      %swap3A_304 = vector.shape_cast %swap3A_303 : vector<1x16xf32> to vector<16xf32>
      %swap3A_305 = vector.shape_cast %add3A_300 : vector<16xf32> to vector<1x16xf32>
      tpu.vector_store %arg6[%swap3A_301, %swap3A_302], %swap3A_305 {strides = array<i32>} : memref<64x768xf32, #tpu.memory_space<vmem>>, vector<1x16xf32>,
      %get3A_306 = arith.index_cast %scan3A_138 : i32 to index
      %get3A_307 = arith.constant 192 : index
      %get3A_308 = tpu.vector_load %arg6[%get3A_306, %get3A_307] {strides = array<i32>} : memref<64x768xf32, #tpu.memory_space<vmem>>, vector<1x16xf32>,
      %get3A_309 = vector.shape_cast %get3A_308 : vector<1x16xf32> to vector<16xf32>
      %get3A_310 = arith.index_cast %scan3A_138 : i32 to index
      %get3A_311 = arith.constant 192 : index
      %get3A_312 = tpu.vector_load %arg7[%get3A_310, %get3A_311] {strides = array<i32>} : memref<64x768xf32, #tpu.memory_space<vmem>>, vector<1x16xf32>,
      %get3A_313 = vector.shape_cast %get3A_312 : vector<1x16xf32> to vector<16xf32>
      %add3A_314 = arith.addf %get3A_309, %get3A_313 : vector<16xf32>
      %swap3A_315 = arith.index_cast %scan3A_138 : i32 to index
      %swap3A_316 = arith.constant 192 : index
      %swap3A_317 = tpu.vector_load %arg6[%swap3A_315, %swap3A_316] {strides = array<i32>} : memref<64x768xf32, #tpu.memory_space<vmem>>, vector<1x16xf32>,
      %swap3A_318 = vector.shape_cast %swap3A_317 : vector<1x16xf32> to vector<16xf32>
      %swap3A_319 = vector.shape_cast %add3A_314 : vector<16xf32> to vector<1x16xf32>
      tpu.vector_store %arg6[%swap3A_315, %swap3A_316], %swap3A_319 {strides = array<i32>} : memref<64x768xf32, #tpu.memory_space<vmem>>, vector<1x16xf32>,
      %get3A_320 = arith.index_cast %scan3A_138 : i32 to index
      %get3A_321 = arith.constant 208 : index
      %get3A_322 = tpu.vector_load %arg6[%get3A_320, %get3A_321] {strides = array<i32>} : memref<64x768xf32, #tpu.memory_space<vmem>>, vector<1x16xf32>,
      %get3A_323 = vector.shape_cast %get3A_322 : vector<1x16xf32> to vector<16xf32>
      %get3A_324 = arith.index_cast %scan3A_138 : i32 to index
      %get3A_325 = arith.constant 208 : index
      %get3A_326 = tpu.vector_load %arg7[%get3A_324, %get3A_325] {strides = array<i32>} : memref<64x768xf32, #tpu.memory_space<vmem>>, vector<1x16xf32>,
      %get3A_327 = vector.shape_cast %get3A_326 : vector<1x16xf32> to vector<16xf32>
      %add3A_328 = arith.addf %get3A_323, %get3A_327 : vector<16xf32>
      %swap3A_329 = arith.index_cast %scan3A_138 : i32 to index
      %swap3A_330 = arith.constant 208 : index
      %swap3A_331 = tpu.vector_load %arg6[%swap3A_329, %swap3A_330] {strides = array<i32>} : memref<64x768xf32, #tpu.memory_space<vmem>>, vector<1x16xf32>,
      %swap3A_332 = vector.shape_cast %swap3A_331 : vector<1x16xf32> to vector<16xf32>
      %swap3A_333 = vector.shape_cast %add3A_328 : vector<16xf32> to vector<1x16xf32>
      tpu.vector_store %arg6[%swap3A_329, %swap3A_330], %swap3A_333 {strides = array<i32>} : memref<64x768xf32, #tpu.memory_space<vmem>>, vector<1x16xf32>,
      %get3A_334 = arith.index_cast %scan3A_138 : i32 to index
      %get3A_335 = arith.constant 224 : index
      %get3A_336 = tpu.vector_load %arg6[%get3A_334, %get3A_335] {strides = array<i32>} : memref<64x768xf32, #tpu.memory_space<vmem>>, vector<1x16xf32>,
      %get3A_337 = vector.shape_cast %get3A_336 : vector<1x16xf32> to vector<16xf32>
      %get3A_338 = arith.index_cast %scan3A_138 : i32 to index
      %get3A_339 = arith.constant 224 : index
      %get3A_340 = tpu.vector_load %arg7[%get3A_338, %get3A_339] {strides = array<i32>} : memref<64x768xf32, #tpu.memory_space<vmem>>, vector<1x16xf32>,
      %get3A_341 = vector.shape_cast %get3A_340 : vector<1x16xf32> to vector<16xf32>
      %add3A_342 = arith.addf %get3A_337, %get3A_341 : vector<16xf32>
      %swap3A_343 = arith.index_cast %scan3A_138 : i32 to index
      %swap3A_344 = arith.constant 224 : index
      %swap3A_345 = tpu.vector_load %arg6[%swap3A_343, %swap3A_344] {strides = array<i32>} : memref<64x768xf32, #tpu.memory_space<vmem>>, vector<1x16xf32>,
      %swap3A_346 = vector.shape_cast %swap3A_345 : vector<1x16xf32> to vector<16xf32>
      %swap3A_347 = vector.shape_cast %add3A_342 : vector<16xf32> to vector<1x16xf32>
      tpu.vector_store %arg6[%swap3A_343, %swap3A_344], %swap3A_347 {strides = array<i32>} : memref<64x768xf32, #tpu.memory_space<vmem>>, vector<1x16xf32>,
      %get3A_348 = arith.index_cast %scan3A_138 : i32 to index
      %get3A_349 = arith.constant 240 : index
      %get3A_350 = tpu.vector_load %arg6[%get3A_348, %get3A_349] {strides = array<i32>} : memref<64x768xf32, #tpu.memory_space<vmem>>, vector<1x16xf32>,
      %get3A_351 = vector.shape_cast %get3A_350 : vector<1x16xf32> to vector<16xf32>
      %get3A_352 = arith.index_cast %scan3A_138 : i32 to index
      %get3A_353 = arith.constant 240 : index
      %get3A_354 = tpu.vector_load %arg7[%get3A_352, %get3A_353] {strides = array<i32>} : memref<64x768xf32, #tpu.memory_space<vmem>>, vector<1x16xf32>,
      %get3A_355 = vector.shape_cast %get3A_354 : vector<1x16xf32> to vector<16xf32>
      %add3A_356 = arith.addf %get3A_351, %get3A_355 : vector<16xf32>
      %swap3A_357 = arith.index_cast %scan3A_138 : i32 to index
      %swap3A_358 = arith.constant 240 : index
      %swap3A_359 = tpu.vector_load %arg6[%swap3A_357, %swap3A_358] {strides = array<i32>} : memref<64x768xf32, #tpu.memory_space<vmem>>, vector<1x16xf32>,
      %swap3A_360 = vector.shape_cast %swap3A_359 : vector<1x16xf32> to vector<16xf32>
      %swap3A_361 = vector.shape_cast %add3A_356 : vector<16xf32> to vector<1x16xf32>
      tpu.vector_store %arg6[%swap3A_357, %swap3A_358], %swap3A_361 {strides = array<i32>} : memref<64x768xf32, #tpu.memory_space<vmem>>, vector<1x16xf32>,
      %get3A_362 = arith.index_cast %scan3A_138 : i32 to index
      %get3A_363 = arith.constant 256 : index
      %get3A_364 = tpu.vector_load %arg6[%get3A_362, %get3A_363] {strides = array<i32>} : memref<64x768xf32, #tpu.memory_space<vmem>>, vector<1x16xf32>,
      %get3A_365 = vector.shape_cast %get3A_364 : vector<1x16xf32> to vector<16xf32>
      %get3A_366 = arith.index_cast %scan3A_138 : i32 to index
      %get3A_367 = arith.constant 256 : index
      %get3A_368 = tpu.vector_load %arg7[%get3A_366, %get3A_367] {strides = array<i32>} : memref<64x768xf32, #tpu.memory_space<vmem>>, vector<1x16xf32>,
      %get3A_369 = vector.shape_cast %get3A_368 : vector<1x16xf32> to vector<16xf32>
      %add3A_370 = arith.addf %get3A_365, %get3A_369 : vector<16xf32>
      %swap3A_371 = arith.index_cast %scan3A_138 : i32 to index
      %swap3A_372 = arith.constant 256 : index
      %swap3A_373 = tpu.vector_load %arg6[%swap3A_371, %swap3A_372] {strides = array<i32>} : memref<64x768xf32, #tpu.memory_space<vmem>>, vector<1x16xf32>,
      %swap3A_374 = vector.shape_cast %swap3A_373 : vector<1x16xf32> to vector<16xf32>
      %swap3A_375 = vector.shape_cast %add3A_370 : vector<16xf32> to vector<1x16xf32>
      tpu.vector_store %arg6[%swap3A_371, %swap3A_372], %swap3A_375 {strides = array<i32>} : memref<64x768xf32, #tpu.memory_space<vmem>>, vector<1x16xf32>,
      %get3A_376 = arith.index_cast %scan3A_138 : i32 to index
      %get3A_377 = arith.constant 272 : index
      %get3A_378 = tpu.vector_load %arg6[%get3A_376, %get3A_377] {strides = array<i32>} : memref<64x768xf32, #tpu.memory_space<vmem>>, vector<1x16xf32>,
      %get3A_379 = vector.shape_cast %get3A_378 : vector<1x16xf32> to vector<16xf32>
      %get3A_380 = arith.index_cast %scan3A_138 : i32 to index
      %get3A_381 = arith.constant 272 : index
      %get3A_382 = tpu.vector_load %arg7[%get3A_380, %get3A_381] {strides = array<i32>} : memref<64x768xf32, #tpu.memory_space<vmem>>, vector<1x16xf32>,
      %get3A_383 = vector.shape_cast %get3A_382 : vector<1x16xf32> to vector<16xf32>
      %add3A_384 = arith.addf %get3A_379, %get3A_383 : vector<16xf32>
      %swap3A_385 = arith.index_cast %scan3A_138 : i32 to index
      %swap3A_386 = arith.constant 272 : index
      %swap3A_387 = tpu.vector_load %arg6[%swap3A_385, %swap3A_386] {strides = array<i32>} : memref<64x768xf32, #tpu.memory_space<vmem>>, vector<1x16xf32>,
      %swap3A_388 = vector.shape_cast %swap3A_387 : vector<1x16xf32> to vector<16xf32>
      %swap3A_389 = vector.shape_cast %add3A_384 : vector<16xf32> to vector<1x16xf32>
      tpu.vector_store %arg6[%swap3A_385, %swap3A_386], %swap3A_389 {strides = array<i32>} : memref<64x768xf32, #tpu.memory_space<vmem>>, vector<1x16xf32>,
      %get3A_390 = arith.index_cast %scan3A_138 : i32 to index
      %get3A_391 = arith.constant 288 : index
      %get3A_392 = tpu.vector_load %arg6[%get3A_390, %get3A_391] {strides = array<i32>} : memref<64x768xf32, #tpu.memory_space<vmem>>, vector<1x16xf32>,
      %get3A_393 = vector.shape_cast %get3A_392 : vector<1x16xf32> to vector<16xf32>
      %get3A_394 = arith.index_cast %scan3A_138 : i32 to index
      %get3A_395 = arith.constant 288 : index
      %get3A_396 = tpu.vector_load %arg7[%get3A_394, %get3A_395] {strides = array<i32>} : memref<64x768xf32, #tpu.memory_space<vmem>>, vector<1x16xf32>,
      %get3A_397 = vector.shape_cast %get3A_396 : vector<1x16xf32> to vector<16xf32>
      %add3A_398 = arith.addf %get3A_393, %get3A_397 : vector<16xf32>
      %swap3A_399 = arith.index_cast %scan3A_138 : i32 to index
      %swap3A_400 = arith.constant 288 : index
      %swap3A_401 = tpu.vector_load %arg6[%swap3A_399, %swap3A_400] {strides = array<i32>} : memref<64x768xf32, #tpu.memory_space<vmem>>, vector<1x16xf32>,
      %swap3A_402 = vector.shape_cast %swap3A_401 : vector<1x16xf32> to vector<16xf32>
      %swap3A_403 = vector.shape_cast %add3A_398 : vector<16xf32> to vector<1x16xf32>
      tpu.vector_store %arg6[%swap3A_399, %swap3A_400], %swap3A_403 {strides = array<i32>} : memref<64x768xf32, #tpu.memory_space<vmem>>, vector<1x16xf32>,
      %get3A_404 = arith.index_cast %scan3A_138 : i32 to index
      %get3A_405 = arith.constant 304 : index
      %get3A_406 = tpu.vector_load %arg6[%get3A_404, %get3A_405] {strides = array<i32>} : memref<64x768xf32, #tpu.memory_space<vmem>>, vector<1x16xf32>,
      %get3A_407 = vector.shape_cast %get3A_406 : vector<1x16xf32> to vector<16xf32>
      %get3A_408 = arith.index_cast %scan3A_138 : i32 to index
      %get3A_409 = arith.constant 304 : index
      %get3A_410 = tpu.vector_load %arg7[%get3A_408, %get3A_409] {strides = array<i32>} : memref<64x768xf32, #tpu.memory_space<vmem>>, vector<1x16xf32>,
      %get3A_411 = vector.shape_cast %get3A_410 : vector<1x16xf32> to vector<16xf32>
      %add3A_412 = arith.addf %get3A_407, %get3A_411 : vector<16xf32>
      %swap3A_413 = arith.index_cast %scan3A_138 : i32 to index
      %swap3A_414 = arith.constant 304 : index
      %swap3A_415 = tpu.vector_load %arg6[%swap3A_413, %swap3A_414] {strides = array<i32>} : memref<64x768xf32, #tpu.memory_space<vmem>>, vector<1x16xf32>,
      %swap3A_416 = vector.shape_cast %swap3A_415 : vector<1x16xf32> to vector<16xf32>
      %swap3A_417 = vector.shape_cast %add3A_412 : vector<16xf32> to vector<1x16xf32>
      tpu.vector_store %arg6[%swap3A_413, %swap3A_414], %swap3A_417 {strides = array<i32>} : memref<64x768xf32, #tpu.memory_space<vmem>>, vector<1x16xf32>,
      %get3A_418 = arith.index_cast %scan3A_138 : i32 to index
      %get3A_419 = arith.constant 320 : index
      %get3A_420 = tpu.vector_load %arg6[%get3A_418, %get3A_419] {strides = array<i32>} : memref<64x768xf32, #tpu.memory_space<vmem>>, vector<1x16xf32>,
      %get3A_421 = vector.shape_cast %get3A_420 : vector<1x16xf32> to vector<16xf32>
      %get3A_422 = arith.index_cast %scan3A_138 : i32 to index
      %get3A_423 = arith.constant 320 : index
      %get3A_424 = tpu.vector_load %arg7[%get3A_422, %get3A_423] {strides = array<i32>} : memref<64x768xf32, #tpu.memory_space<vmem>>, vector<1x16xf32>,
      %get3A_425 = vector.shape_cast %get3A_424 : vector<1x16xf32> to vector<16xf32>
      %add3A_426 = arith.addf %get3A_421, %get3A_425 : vector<16xf32>
      %swap3A_427 = arith.index_cast %scan3A_138 : i32 to index
      %swap3A_428 = arith.constant 320 : index
      %swap3A_429 = tpu.vector_load %arg6[%swap3A_427, %swap3A_428] {strides = array<i32>} : memref<64x768xf32, #tpu.memory_space<vmem>>, vector<1x16xf32>,
      %swap3A_430 = vector.shape_cast %swap3A_429 : vector<1x16xf32> to vector<16xf32>
      %swap3A_431 = vector.shape_cast %add3A_426 : vector<16xf32> to vector<1x16xf32>
      tpu.vector_store %arg6[%swap3A_427, %swap3A_428], %swap3A_431 {strides = array<i32>} : memref<64x768xf32, #tpu.memory_space<vmem>>, vector<1x16xf32>,
      %get3A_432 = arith.index_cast %scan3A_138 : i32 to index
      %get3A_433 = arith.constant 336 : index
      %get3A_434 = tpu.vector_load %arg6[%get3A_432, %get3A_433] {strides = array<i32>} : memref<64x768xf32, #tpu.memory_space<vmem>>, vector<1x16xf32>,
      %get3A_435 = vector.shape_cast %get3A_434 : vector<1x16xf32> to vector<16xf32>
      %get3A_436 = arith.index_cast %scan3A_138 : i32 to index
      %get3A_437 = arith.constant 336 : index
      %get3A_438 = tpu.vector_load %arg7[%get3A_436, %get3A_437] {strides = array<i32>} : memref<64x768xf32, #tpu.memory_space<vmem>>, vector<1x16xf32>,
      %get3A_439 = vector.shape_cast %get3A_438 : vector<1x16xf32> to vector<16xf32>
      %add3A_440 = arith.addf %get3A_435, %get3A_439 : vector<16xf32>
      %swap3A_441 = arith.index_cast %scan3A_138 : i32 to index
      %swap3A_442 = arith.constant 336 : index
      %swap3A_443 = tpu.vector_load %arg6[%swap3A_441, %swap3A_442] {strides = array<i32>} : memref<64x768xf32, #tpu.memory_space<vmem>>, vector<1x16xf32>,
      %swap3A_444 = vector.shape_cast %swap3A_443 : vector<1x16xf32> to vector<16xf32>
      %swap3A_445 = vector.shape_cast %add3A_440 : vector<16xf32> to vector<1x16xf32>
      tpu.vector_store %arg6[%swap3A_441, %swap3A_442], %swap3A_445 {strides = array<i32>} : memref<64x768xf32, #tpu.memory_space<vmem>>, vector<1x16xf32>,
      %get3A_446 = arith.index_cast %scan3A_138 : i32 to index
      %get3A_447 = arith.constant 352 : index
      %get3A_448 = tpu.vector_load %arg6[%get3A_446, %get3A_447] {strides = array<i32>} : memref<64x768xf32, #tpu.memory_space<vmem>>, vector<1x16xf32>,
      %get3A_449 = vector.shape_cast %get3A_448 : vector<1x16xf32> to vector<16xf32>
      %get3A_450 = arith.index_cast %scan3A_138 : i32 to index
      %get3A_451 = arith.constant 352 : index
      %get3A_452 = tpu.vector_load %arg7[%get3A_450, %get3A_451] {strides = array<i32>} : memref<64x768xf32, #tpu.memory_space<vmem>>, vector<1x16xf32>,
      %get3A_453 = vector.shape_cast %get3A_452 : vector<1x16xf32> to vector<16xf32>
      %add3A_454 = arith.addf %get3A_449, %get3A_453 : vector<16xf32>
      %swap3A_455 = arith.index_cast %scan3A_138 : i32 to index
      %swap3A_456 = arith.constant 352 : index
      %swap3A_457 = tpu.vector_load %arg6[%swap3A_455, %swap3A_456] {strides = array<i32>} : memref<64x768xf32, #tpu.memory_space<vmem>>, vector<1x16xf32>,
      %swap3A_458 = vector.shape_cast %swap3A_457 : vector<1x16xf32> to vector<16xf32>
      %swap3A_459 = vector.shape_cast %add3A_454 : vector<16xf32> to vector<1x16xf32>
      tpu.vector_store %arg6[%swap3A_455, %swap3A_456], %swap3A_459 {strides = array<i32>} : memref<64x768xf32, #tpu.memory_space<vmem>>, vector<1x16xf32>,
      %get3A_460 = arith.index_cast %scan3A_138 : i32 to index
      %get3A_461 = arith.constant 368 : index
      %get3A_462 = tpu.vector_load %arg6[%get3A_460, %get3A_461] {strides = array<i32>} : memref<64x768xf32, #tpu.memory_space<vmem>>, vector<1x16xf32>,
      %get3A_463 = vector.shape_cast %get3A_462 : vector<1x16xf32> to vector<16xf32>
      %get3A_464 = arith.index_cast %scan3A_138 : i32 to index
      %get3A_465 = arith.constant 368 : index
      %get3A_466 = tpu.vector_load %arg7[%get3A_464, %get3A_465] {strides = array<i32>} : memref<64x768xf32, #tpu.memory_space<vmem>>, vector<1x16xf32>,
      %get3A_467 = vector.shape_cast %get3A_466 : vector<1x16xf32> to vector<16xf32>
      %add3A_468 = arith.addf %get3A_463, %get3A_467 : vector<16xf32>
      %swap3A_469 = arith.index_cast %scan3A_138 : i32 to index
      %swap3A_470 = arith.constant 368 : index
      %swap3A_471 = tpu.vector_load %arg6[%swap3A_469, %swap3A_470] {strides = array<i32>} : memref<64x768xf32, #tpu.memory_space<vmem>>, vector<1x16xf32>,
      %swap3A_472 = vector.shape_cast %swap3A_471 : vector<1x16xf32> to vector<16xf32>
      %swap3A_473 = vector.shape_cast %add3A_468 : vector<16xf32> to vector<1x16xf32>
      tpu.vector_store %arg6[%swap3A_469, %swap3A_470], %swap3A_473 {strides = array<i32>} : memref<64x768xf32, #tpu.memory_space<vmem>>, vector<1x16xf32>,
      %get3A_474 = arith.index_cast %scan3A_138 : i32 to index
      %get3A_475 = arith.constant 384 : index
      %get3A_476 = tpu.vector_load %arg6[%get3A_474, %get3A_475] {strides = array<i32>} : memref<64x768xf32, #tpu.memory_space<vmem>>, vector<1x16xf32>,
      %get3A_477 = vector.shape_cast %get3A_476 : vector<1x16xf32> to vector<16xf32>
      %get3A_478 = arith.index_cast %scan3A_138 : i32 to index
      %get3A_479 = arith.constant 384 : index
      %get3A_480 = tpu.vector_load %arg7[%get3A_478, %get3A_479] {strides = array<i32>} : memref<64x768xf32, #tpu.memory_space<vmem>>, vector<1x16xf32>,
      %get3A_481 = vector.shape_cast %get3A_480 : vector<1x16xf32> to vector<16xf32>
      %add3A_482 = arith.addf %get3A_477, %get3A_481 : vector<16xf32>
      %swap3A_483 = arith.index_cast %scan3A_138 : i32 to index
      %swap3A_484 = arith.constant 384 : index
      %swap3A_485 = tpu.vector_load %arg6[%swap3A_483, %swap3A_484] {strides = array<i32>} : memref<64x768xf32, #tpu.memory_space<vmem>>, vector<1x16xf32>,
      %swap3A_486 = vector.shape_cast %swap3A_485 : vector<1x16xf32> to vector<16xf32>
      %swap3A_487 = vector.shape_cast %add3A_482 : vector<16xf32> to vector<1x16xf32>
      tpu.vector_store %arg6[%swap3A_483, %swap3A_484], %swap3A_487 {strides = array<i32>} : memref<64x768xf32, #tpu.memory_space<vmem>>, vector<1x16xf32>,
      %get3A_488 = arith.index_cast %scan3A_138 : i32 to index
      %get3A_489 = arith.constant 400 : index
      %get3A_490 = tpu.vector_load %arg6[%get3A_488, %get3A_489] {strides = array<i32>} : memref<64x768xf32, #tpu.memory_space<vmem>>, vector<1x16xf32>,
      %get3A_491 = vector.shape_cast %get3A_490 : vector<1x16xf32> to vector<16xf32>
      %get3A_492 = arith.index_cast %scan3A_138 : i32 to index
      %get3A_493 = arith.constant 400 : index
      %get3A_494 = tpu.vector_load %arg7[%get3A_492, %get3A_493] {strides = array<i32>} : memref<64x768xf32, #tpu.memory_space<vmem>>, vector<1x16xf32>,
      %get3A_495 = vector.shape_cast %get3A_494 : vector<1x16xf32> to vector<16xf32>
      %add3A_496 = arith.addf %get3A_491, %get3A_495 : vector<16xf32>
      %swap3A_497 = arith.index_cast %scan3A_138 : i32 to index
      %swap3A_498 = arith.constant 400 : index
      %swap3A_499 = tpu.vector_load %arg6[%swap3A_497, %swap3A_498] {strides = array<i32>} : memref<64x768xf32, #tpu.memory_space<vmem>>, vector<1x16xf32>,
      %swap3A_500 = vector.shape_cast %swap3A_499 : vector<1x16xf32> to vector<16xf32>
      %swap3A_501 = vector.shape_cast %add3A_496 : vector<16xf32> to vector<1x16xf32>
      tpu.vector_store %arg6[%swap3A_497, %swap3A_498], %swap3A_501 {strides = array<i32>} : memref<64x768xf32, #tpu.memory_space<vmem>>, vector<1x16xf32>,
      %get3A_502 = arith.index_cast %scan3A_138 : i32 to index
      %get3A_503 = arith.constant 416 : index
      %get3A_504 = tpu.vector_load %arg6[%get3A_502, %get3A_503] {strides = array<i32>} : memref<64x768xf32, #tpu.memory_space<vmem>>, vector<1x16xf32>,
      %get3A_505 = vector.shape_cast %get3A_504 : vector<1x16xf32> to vector<16xf32>
      %get3A_506 = arith.index_cast %scan3A_138 : i32 to index
      %get3A_507 = arith.constant 416 : index
      %get3A_508 = tpu.vector_load %arg7[%get3A_506, %get3A_507] {strides = array<i32>} : memref<64x768xf32, #tpu.memory_space<vmem>>, vector<1x16xf32>,
      %get3A_509 = vector.shape_cast %get3A_508 : vector<1x16xf32> to vector<16xf32>
      %add3A_510 = arith.addf %get3A_505, %get3A_509 : vector<16xf32>
      %swap3A_511 = arith.index_cast %scan3A_138 : i32 to index
      %swap3A_512 = arith.constant 416 : index
      %swap3A_513 = tpu.vector_load %arg6[%swap3A_511, %swap3A_512] {strides = array<i32>} : memref<64x768xf32, #tpu.memory_space<vmem>>, vector<1x16xf32>,
      %swap3A_514 = vector.shape_cast %swap3A_513 : vector<1x16xf32> to vector<16xf32>
      %swap3A_515 = vector.shape_cast %add3A_510 : vector<16xf32> to vector<1x16xf32>
      tpu.vector_store %arg6[%swap3A_511, %swap3A_512], %swap3A_515 {strides = array<i32>} : memref<64x768xf32, #tpu.memory_space<vmem>>, vector<1x16xf32>,
      %get3A_516 = arith.index_cast %scan3A_138 : i32 to index
      %get3A_517 = arith.constant 432 : index
      %get3A_518 = tpu.vector_load %arg6[%get3A_516, %get3A_517] {strides = array<i32>} : memref<64x768xf32, #tpu.memory_space<vmem>>, vector<1x16xf32>,
      %get3A_519 = vector.shape_cast %get3A_518 : vector<1x16xf32> to vector<16xf32>
      %get3A_520 = arith.index_cast %scan3A_138 : i32 to index
      %get3A_521 = arith.constant 432 : index
      %get3A_522 = tpu.vector_load %arg7[%get3A_520, %get3A_521] {strides = array<i32>} : memref<64x768xf32, #tpu.memory_space<vmem>>, vector<1x16xf32>,
      %get3A_523 = vector.shape_cast %get3A_522 : vector<1x16xf32> to vector<16xf32>
      %add3A_524 = arith.addf %get3A_519, %get3A_523 : vector<16xf32>
      %swap3A_525 = arith.index_cast %scan3A_138 : i32 to index
      %swap3A_526 = arith.constant 432 : index
      %swap3A_527 = tpu.vector_load %arg6[%swap3A_525, %swap3A_526] {strides = array<i32>} : memref<64x768xf32, #tpu.memory_space<vmem>>, vector<1x16xf32>,
      %swap3A_528 = vector.shape_cast %swap3A_527 : vector<1x16xf32> to vector<16xf32>
      %swap3A_529 = vector.shape_cast %add3A_524 : vector<16xf32> to vector<1x16xf32>
      tpu.vector_store %arg6[%swap3A_525, %swap3A_526], %swap3A_529 {strides = array<i32>} : memref<64x768xf32, #tpu.memory_space<vmem>>, vector<1x16xf32>,
      %get3A_530 = arith.index_cast %scan3A_138 : i32 to index
      %get3A_531 = arith.constant 448 : index
      %get3A_532 = tpu.vector_load %arg6[%get3A_530, %get3A_531] {strides = array<i32>} : memref<64x768xf32, #tpu.memory_space<vmem>>, vector<1x16xf32>,
      %get3A_533 = vector.shape_cast %get3A_532 : vector<1x16xf32> to vector<16xf32>
      %get3A_534 = arith.index_cast %scan3A_138 : i32 to index
      %get3A_535 = arith.constant 448 : index
      %get3A_536 = tpu.vector_load %arg7[%get3A_534, %get3A_535] {strides = array<i32>} : memref<64x768xf32, #tpu.memory_space<vmem>>, vector<1x16xf32>,
      %get3A_537 = vector.shape_cast %get3A_536 : vector<1x16xf32> to vector<16xf32>
      %add3A_538 = arith.addf %get3A_533, %get3A_537 : vector<16xf32>
      %swap3A_539 = arith.index_cast %scan3A_138 : i32 to index
      %swap3A_540 = arith.constant 448 : index
      %swap3A_541 = tpu.vector_load %arg6[%swap3A_539, %swap3A_540] {strides = array<i32>} : memref<64x768xf32, #tpu.memory_space<vmem>>, vector<1x16xf32>,
      %swap3A_542 = vector.shape_cast %swap3A_541 : vector<1x16xf32> to vector<16xf32>
      %swap3A_543 = vector.shape_cast %add3A_538 : vector<16xf32> to vector<1x16xf32>
      tpu.vector_store %arg6[%swap3A_539, %swap3A_540], %swap3A_543 {strides = array<i32>} : memref<64x768xf32, #tpu.memory_space<vmem>>, vector<1x16xf32>,
      %get3A_544 = arith.index_cast %scan3A_138 : i32 to index
      %get3A_545 = arith.constant 464 : index
      %get3A_546 = tpu.vector_load %arg6[%get3A_544, %get3A_545] {strides = array<i32>} : memref<64x768xf32, #tpu.memory_space<vmem>>, vector<1x16xf32>,
      %get3A_547 = vector.shape_cast %get3A_546 : vector<1x16xf32> to vector<16xf32>
      %get3A_548 = arith.index_cast %scan3A_138 : i32 to index
      %get3A_549 = arith.constant 464 : index
      %get3A_550 = tpu.vector_load %arg7[%get3A_548, %get3A_549] {strides = array<i32>} : memref<64x768xf32, #tpu.memory_space<vmem>>, vector<1x16xf32>,
      %get3A_551 = vector.shape_cast %get3A_550 : vector<1x16xf32> to vector<16xf32>
      %add3A_552 = arith.addf %get3A_547, %get3A_551 : vector<16xf32>
      %swap3A_553 = arith.index_cast %scan3A_138 : i32 to index
      %swap3A_554 = arith.constant 464 : index
      %swap3A_555 = tpu.vector_load %arg6[%swap3A_553, %swap3A_554] {strides = array<i32>} : memref<64x768xf32, #tpu.memory_space<vmem>>, vector<1x16xf32>,
      %swap3A_556 = vector.shape_cast %swap3A_555 : vector<1x16xf32> to vector<16xf32>
      %swap3A_557 = vector.shape_cast %add3A_552 : vector<16xf32> to vector<1x16xf32>
      tpu.vector_store %arg6[%swap3A_553, %swap3A_554], %swap3A_557 {strides = array<i32>} : memref<64x768xf32, #tpu.memory_space<vmem>>, vector<1x16xf32>,
      %get3A_558 = arith.index_cast %scan3A_138 : i32 to index
      %get3A_559 = arith.constant 480 : index
      %get3A_560 = tpu.vector_load %arg6[%get3A_558, %get3A_559] {strides = array<i32>} : memref<64x768xf32, #tpu.memory_space<vmem>>, vector<1x16xf32>,
      %get3A_561 = vector.shape_cast %get3A_560 : vector<1x16xf32> to vector<16xf32>
      %get3A_562 = arith.index_cast %scan3A_138 : i32 to index
      %get3A_563 = arith.constant 480 : index
      %get3A_564 = tpu.vector_load %arg7[%get3A_562, %get3A_563] {strides = array<i32>} : memref<64x768xf32, #tpu.memory_space<vmem>>, vector<1x16xf32>,
      %get3A_565 = vector.shape_cast %get3A_564 : vector<1x16xf32> to vector<16xf32>
      %add3A_566 = arith.addf %get3A_561, %get3A_565 : vector<16xf32>
      %swap3A_567 = arith.index_cast %scan3A_138 : i32 to index
      %swap3A_568 = arith.constant 480 : index
      %swap3A_569 = tpu.vector_load %arg6[%swap3A_567, %swap3A_568] {strides = array<i32>} : memref<64x768xf32, #tpu.memory_space<vmem>>, vector<1x16xf32>,
      %swap3A_570 = vector.shape_cast %swap3A_569 : vector<1x16xf32> to vector<16xf32>
      %swap3A_571 = vector.shape_cast %add3A_566 : vector<16xf32> to vector<1x16xf32>
      tpu.vector_store %arg6[%swap3A_567, %swap3A_568], %swap3A_571 {strides = array<i32>} : memref<64x768xf32, #tpu.memory_space<vmem>>, vector<1x16xf32>,
      %get3A_572 = arith.index_cast %scan3A_138 : i32 to index
      %get3A_573 = arith.constant 496 : index
      %get3A_574 = tpu.vector_load %arg6[%get3A_572, %get3A_573] {strides = array<i32>} : memref<64x768xf32, #tpu.memory_space<vmem>>, vector<1x16xf32>,
      %get3A_575 = vector.shape_cast %get3A_574 : vector<1x16xf32> to vector<16xf32>
      %get3A_576 = arith.index_cast %scan3A_138 : i32 to index
      %get3A_577 = arith.constant 496 : index
      %get3A_578 = tpu.vector_load %arg7[%get3A_576, %get3A_577] {strides = array<i32>} : memref<64x768xf32, #tpu.memory_space<vmem>>, vector<1x16xf32>,
      %get3A_579 = vector.shape_cast %get3A_578 : vector<1x16xf32> to vector<16xf32>
      %add3A_580 = arith.addf %get3A_575, %get3A_579 : vector<16xf32>
      %swap3A_581 = arith.index_cast %scan3A_138 : i32 to index
      %swap3A_582 = arith.constant 496 : index
      %swap3A_583 = tpu.vector_load %arg6[%swap3A_581, %swap3A_582] {strides = array<i32>} : memref<64x768xf32, #tpu.memory_space<vmem>>, vector<1x16xf32>,
      %swap3A_584 = vector.shape_cast %swap3A_583 : vector<1x16xf32> to vector<16xf32>
      %swap3A_585 = vector.shape_cast %add3A_580 : vector<16xf32> to vector<1x16xf32>
      tpu.vector_store %arg6[%swap3A_581, %swap3A_582], %swap3A_585 {strides = array<i32>} : memref<64x768xf32, #tpu.memory_space<vmem>>, vector<1x16xf32>,
      %get3A_586 = arith.index_cast %scan3A_138 : i32 to index
      %get3A_587 = arith.constant 512 : index
      %get3A_588 = tpu.vector_load %arg6[%get3A_586, %get3A_587] {strides = array<i32>} : memref<64x768xf32, #tpu.memory_space<vmem>>, vector<1x16xf32>,
      %get3A_589 = vector.shape_cast %get3A_588 : vector<1x16xf32> to vector<16xf32>
      %get3A_590 = arith.index_cast %scan3A_138 : i32 to index
      %get3A_591 = arith.constant 512 : index
      %get3A_592 = tpu.vector_load %arg7[%get3A_590, %get3A_591] {strides = array<i32>} : memref<64x768xf32, #tpu.memory_space<vmem>>, vector<1x16xf32>,
      %get3A_593 = vector.shape_cast %get3A_592 : vector<1x16xf32> to vector<16xf32>
      %add3A_594 = arith.addf %get3A_589, %get3A_593 : vector<16xf32>
      %swap3A_595 = arith.index_cast %scan3A_138 : i32 to index
      %swap3A_596 = arith.constant 512 : index
      %swap3A_597 = tpu.vector_load %arg6[%swap3A_595, %swap3A_596] {strides = array<i32>} : memref<64x768xf32, #tpu.memory_space<vmem>>, vector<1x16xf32>,
      %swap3A_598 = vector.shape_cast %swap3A_597 : vector<1x16xf32> to vector<16xf32>
      %swap3A_599 = vector.shape_cast %add3A_594 : vector<16xf32> to vector<1x16xf32>
      tpu.vector_store %arg6[%swap3A_595, %swap3A_596], %swap3A_599 {strides = array<i32>} : memref<64x768xf32, #tpu.memory_space<vmem>>, vector<1x16xf32>,
      %get3A_600 = arith.index_cast %scan3A_138 : i32 to index
      %get3A_601 = arith.constant 528 : index
      %get3A_602 = tpu.vector_load %arg6[%get3A_600, %get3A_601] {strides = array<i32>} : memref<64x768xf32, #tpu.memory_space<vmem>>, vector<1x16xf32>,
      %get3A_603 = vector.shape_cast %get3A_602 : vector<1x16xf32> to vector<16xf32>
      %get3A_604 = arith.index_cast %scan3A_138 : i32 to index
      %get3A_605 = arith.constant 528 : index
      %get3A_606 = tpu.vector_load %arg7[%get3A_604, %get3A_605] {strides = array<i32>} : memref<64x768xf32, #tpu.memory_space<vmem>>, vector<1x16xf32>,
      %get3A_607 = vector.shape_cast %get3A_606 : vector<1x16xf32> to vector<16xf32>
      %add3A_608 = arith.addf %get3A_603, %get3A_607 : vector<16xf32>
      %swap3A_609 = arith.index_cast %scan3A_138 : i32 to index
      %swap3A_610 = arith.constant 528 : index
      %swap3A_611 = tpu.vector_load %arg6[%swap3A_609, %swap3A_610] {strides = array<i32>} : memref<64x768xf32, #tpu.memory_space<vmem>>, vector<1x16xf32>,
      %swap3A_612 = vector.shape_cast %swap3A_611 : vector<1x16xf32> to vector<16xf32>
      %swap3A_613 = vector.shape_cast %add3A_608 : vector<16xf32> to vector<1x16xf32>
      tpu.vector_store %arg6[%swap3A_609, %swap3A_610], %swap3A_613 {strides = array<i32>} : memref<64x768xf32, #tpu.memory_space<vmem>>, vector<1x16xf32>,
      %get3A_614 = arith.index_cast %scan3A_138 : i32 to index
      %get3A_615 = arith.constant 544 : index
      %get3A_616 = tpu.vector_load %arg6[%get3A_614, %get3A_615] {strides = array<i32>} : memref<64x768xf32, #tpu.memory_space<vmem>>, vector<1x16xf32>,
      %get3A_617 = vector.shape_cast %get3A_616 : vector<1x16xf32> to vector<16xf32>
      %get3A_618 = arith.index_cast %scan3A_138 : i32 to index
      %get3A_619 = arith.constant 544 : index
      %get3A_620 = tpu.vector_load %arg7[%get3A_618, %get3A_619] {strides = array<i32>} : memref<64x768xf32, #tpu.memory_space<vmem>>, vector<1x16xf32>,
      %get3A_621 = vector.shape_cast %get3A_620 : vector<1x16xf32> to vector<16xf32>
      %add3A_622 = arith.addf %get3A_617, %get3A_621 : vector<16xf32>
      %swap3A_623 = arith.index_cast %scan3A_138 : i32 to index
      %swap3A_624 = arith.constant 544 : index
      %swap3A_625 = tpu.vector_load %arg6[%swap3A_623, %swap3A_624] {strides = array<i32>} : memref<64x768xf32, #tpu.memory_space<vmem>>, vector<1x16xf32>,
      %swap3A_626 = vector.shape_cast %swap3A_625 : vector<1x16xf32> to vector<16xf32>
      %swap3A_627 = vector.shape_cast %add3A_622 : vector<16xf32> to vector<1x16xf32>
      tpu.vector_store %arg6[%swap3A_623, %swap3A_624], %swap3A_627 {strides = array<i32>} : memref<64x768xf32, #tpu.memory_space<vmem>>, vector<1x16xf32>,
      %get3A_628 = arith.index_cast %scan3A_138 : i32 to index
      %get3A_629 = arith.constant 560 : index
      %get3A_630 = tpu.vector_load %arg6[%get3A_628, %get3A_629] {strides = array<i32>} : memref<64x768xf32, #tpu.memory_space<vmem>>, vector<1x16xf32>,
      %get3A_631 = vector.shape_cast %get3A_630 : vector<1x16xf32> to vector<16xf32>
      %get3A_632 = arith.index_cast %scan3A_138 : i32 to index
      %get3A_633 = arith.constant 560 : index
      %get3A_634 = tpu.vector_load %arg7[%get3A_632, %get3A_633] {strides = array<i32>} : memref<64x768xf32, #tpu.memory_space<vmem>>, vector<1x16xf32>,
      %get3A_635 = vector.shape_cast %get3A_634 : vector<1x16xf32> to vector<16xf32>
      %add3A_636 = arith.addf %get3A_631, %get3A_635 : vector<16xf32>
      %swap3A_637 = arith.index_cast %scan3A_138 : i32 to index
      %swap3A_638 = arith.constant 560 : index
      %swap3A_639 = tpu.vector_load %arg6[%swap3A_637, %swap3A_638] {strides = array<i32>} : memref<64x768xf32, #tpu.memory_space<vmem>>, vector<1x16xf32>,
      %swap3A_640 = vector.shape_cast %swap3A_639 : vector<1x16xf32> to vector<16xf32>
      %swap3A_641 = vector.shape_cast %add3A_636 : vector<16xf32> to vector<1x16xf32>
      tpu.vector_store %arg6[%swap3A_637, %swap3A_638], %swap3A_641 {strides = array<i32>} : memref<64x768xf32, #tpu.memory_space<vmem>>, vector<1x16xf32>,
      %get3A_642 = arith.index_cast %scan3A_138 : i32 to index
      %get3A_643 = arith.constant 576 : index
      %get3A_644 = tpu.vector_load %arg6[%get3A_642, %get3A_643] {strides = array<i32>} : memref<64x768xf32, #tpu.memory_space<vmem>>, vector<1x16xf32>,
      %get3A_645 = vector.shape_cast %get3A_644 : vector<1x16xf32> to vector<16xf32>
      %get3A_646 = arith.index_cast %scan3A_138 : i32 to index
      %get3A_647 = arith.constant 576 : index
      %get3A_648 = tpu.vector_load %arg7[%get3A_646, %get3A_647] {strides = array<i32>} : memref<64x768xf32, #tpu.memory_space<vmem>>, vector<1x16xf32>,
      %get3A_649 = vector.shape_cast %get3A_648 : vector<1x16xf32> to vector<16xf32>
      %add3A_650 = arith.addf %get3A_645, %get3A_649 : vector<16xf32>
      %swap3A_651 = arith.index_cast %scan3A_138 : i32 to index
      %swap3A_652 = arith.constant 576 : index
      %swap3A_653 = tpu.vector_load %arg6[%swap3A_651, %swap3A_652] {strides = array<i32>} : memref<64x768xf32, #tpu.memory_space<vmem>>, vector<1x16xf32>,
      %swap3A_654 = vector.shape_cast %swap3A_653 : vector<1x16xf32> to vector<16xf32>
      %swap3A_655 = vector.shape_cast %add3A_650 : vector<16xf32> to vector<1x16xf32>
      tpu.vector_store %arg6[%swap3A_651, %swap3A_652], %swap3A_655 {strides = array<i32>} : memref<64x768xf32, #tpu.memory_space<vmem>>, vector<1x16xf32>,
      %get3A_656 = arith.index_cast %scan3A_138 : i32 to index
      %get3A_657 = arith.constant 592 : index
      %get3A_658 = tpu.vector_load %arg6[%get3A_656, %get3A_657] {strides = array<i32>} : memref<64x768xf32, #tpu.memory_space<vmem>>, vector<1x16xf32>,
      %get3A_659 = vector.shape_cast %get3A_658 : vector<1x16xf32> to vector<16xf32>
      %get3A_660 = arith.index_cast %scan3A_138 : i32 to index
      %get3A_661 = arith.constant 592 : index
      %get3A_662 = tpu.vector_load %arg7[%get3A_660, %get3A_661] {strides = array<i32>} : memref<64x768xf32, #tpu.memory_space<vmem>>, vector<1x16xf32>,
      %get3A_663 = vector.shape_cast %get3A_662 : vector<1x16xf32> to vector<16xf32>
      %add3A_664 = arith.addf %get3A_659, %get3A_663 : vector<16xf32>
      %swap3A_665 = arith.index_cast %scan3A_138 : i32 to index
      %swap3A_666 = arith.constant 592 : index
      %swap3A_667 = tpu.vector_load %arg6[%swap3A_665, %swap3A_666] {strides = array<i32>} : memref<64x768xf32, #tpu.memory_space<vmem>>, vector<1x16xf32>,
      %swap3A_668 = vector.shape_cast %swap3A_667 : vector<1x16xf32> to vector<16xf32>
      %swap3A_669 = vector.shape_cast %add3A_664 : vector<16xf32> to vector<1x16xf32>
      tpu.vector_store %arg6[%swap3A_665, %swap3A_666], %swap3A_669 {strides = array<i32>} : memref<64x768xf32, #tpu.memory_space<vmem>>, vector<1x16xf32>,
      %get3A_670 = arith.index_cast %scan3A_138 : i32 to index
      %get3A_671 = arith.constant 608 : index
      %get3A_672 = tpu.vector_load %arg6[%get3A_670, %get3A_671] {strides = array<i32>} : memref<64x768xf32, #tpu.memory_space<vmem>>, vector<1x16xf32>,
      %get3A_673 = vector.shape_cast %get3A_672 : vector<1x16xf32> to vector<16xf32>
      %get3A_674 = arith.index_cast %scan3A_138 : i32 to index
      %get3A_675 = arith.constant 608 : index
      %get3A_676 = tpu.vector_load %arg7[%get3A_674, %get3A_675] {strides = array<i32>} : memref<64x768xf32, #tpu.memory_space<vmem>>, vector<1x16xf32>,
      %get3A_677 = vector.shape_cast %get3A_676 : vector<1x16xf32> to vector<16xf32>
      %add3A_678 = arith.addf %get3A_673, %get3A_677 : vector<16xf32>
      %swap3A_679 = arith.index_cast %scan3A_138 : i32 to index
      %swap3A_680 = arith.constant 608 : index
      %swap3A_681 = tpu.vector_load %arg6[%swap3A_679, %swap3A_680] {strides = array<i32>} : memref<64x768xf32, #tpu.memory_space<vmem>>, vector<1x16xf32>,
      %swap3A_682 = vector.shape_cast %swap3A_681 : vector<1x16xf32> to vector<16xf32>
      %swap3A_683 = vector.shape_cast %add3A_678 : vector<16xf32> to vector<1x16xf32>
      tpu.vector_store %arg6[%swap3A_679, %swap3A_680], %swap3A_683 {strides = array<i32>} : memref<64x768xf32, #tpu.memory_space<vmem>>, vector<1x16xf32>,
      %get3A_684 = arith.index_cast %scan3A_138 : i32 to index
      %get3A_685 = arith.constant 624 : index
      %get3A_686 = tpu.vector_load %arg6[%get3A_684, %get3A_685] {strides = array<i32>} : memref<64x768xf32, #tpu.memory_space<vmem>>, vector<1x16xf32>,
      %get3A_687 = vector.shape_cast %get3A_686 : vector<1x16xf32> to vector<16xf32>
      %get3A_688 = arith.index_cast %scan3A_138 : i32 to index
      %get3A_689 = arith.constant 624 : index
      %get3A_690 = tpu.vector_load %arg7[%get3A_688, %get3A_689] {strides = array<i32>} : memref<64x768xf32, #tpu.memory_space<vmem>>, vector<1x16xf32>,
      %get3A_691 = vector.shape_cast %get3A_690 : vector<1x16xf32> to vector<16xf32>
      %add3A_692 = arith.addf %get3A_687, %get3A_691 : vector<16xf32>
      %swap3A_693 = arith.index_cast %scan3A_138 : i32 to index
      %swap3A_694 = arith.constant 624 : index
      %swap3A_695 = tpu.vector_load %arg6[%swap3A_693, %swap3A_694] {strides = array<i32>} : memref<64x768xf32, #tpu.memory_space<vmem>>, vector<1x16xf32>,
      %swap3A_696 = vector.shape_cast %swap3A_695 : vector<1x16xf32> to vector<16xf32>
      %swap3A_697 = vector.shape_cast %add3A_692 : vector<16xf32> to vector<1x16xf32>
      tpu.vector_store %arg6[%swap3A_693, %swap3A_694], %swap3A_697 {strides = array<i32>} : memref<64x768xf32, #tpu.memory_space<vmem>>, vector<1x16xf32>,
      %get3A_698 = arith.index_cast %scan3A_138 : i32 to index
      %get3A_699 = arith.constant 640 : index
      %get3A_700 = tpu.vector_load %arg6[%get3A_698, %get3A_699] {strides = array<i32>} : memref<64x768xf32, #tpu.memory_space<vmem>>, vector<1x16xf32>,
      %get3A_701 = vector.shape_cast %get3A_700 : vector<1x16xf32> to vector<16xf32>
      %get3A_702 = arith.index_cast %scan3A_138 : i32 to index
      %get3A_703 = arith.constant 640 : index
      %get3A_704 = tpu.vector_load %arg7[%get3A_702, %get3A_703] {strides = array<i32>} : memref<64x768xf32, #tpu.memory_space<vmem>>, vector<1x16xf32>,
      %get3A_705 = vector.shape_cast %get3A_704 : vector<1x16xf32> to vector<16xf32>
      %add3A_706 = arith.addf %get3A_701, %get3A_705 : vector<16xf32>
      %swap3A_707 = arith.index_cast %scan3A_138 : i32 to index
      %swap3A_708 = arith.constant 640 : index
      %swap3A_709 = tpu.vector_load %arg6[%swap3A_707, %swap3A_708] {strides = array<i32>} : memref<64x768xf32, #tpu.memory_space<vmem>>, vector<1x16xf32>,
      %swap3A_710 = vector.shape_cast %swap3A_709 : vector<1x16xf32> to vector<16xf32>
      %swap3A_711 = vector.shape_cast %add3A_706 : vector<16xf32> to vector<1x16xf32>
      tpu.vector_store %arg6[%swap3A_707, %swap3A_708], %swap3A_711 {strides = array<i32>} : memref<64x768xf32, #tpu.memory_space<vmem>>, vector<1x16xf32>,
      %get3A_712 = arith.index_cast %scan3A_138 : i32 to index
      %get3A_713 = arith.constant 656 : index
      %get3A_714 = tpu.vector_load %arg6[%get3A_712, %get3A_713] {strides = array<i32>} : memref<64x768xf32, #tpu.memory_space<vmem>>, vector<1x16xf32>,
      %get3A_715 = vector.shape_cast %get3A_714 : vector<1x16xf32> to vector<16xf32>
      %get3A_716 = arith.index_cast %scan3A_138 : i32 to index
      %get3A_717 = arith.constant 656 : index
      %get3A_718 = tpu.vector_load %arg7[%get3A_716, %get3A_717] {strides = array<i32>} : memref<64x768xf32, #tpu.memory_space<vmem>>, vector<1x16xf32>,
      %get3A_719 = vector.shape_cast %get3A_718 : vector<1x16xf32> to vector<16xf32>
      %add3A_720 = arith.addf %get3A_715, %get3A_719 : vector<16xf32>
      %swap3A_721 = arith.index_cast %scan3A_138 : i32 to index
      %swap3A_722 = arith.constant 656 : index
      %swap3A_723 = tpu.vector_load %arg6[%swap3A_721, %swap3A_722] {strides = array<i32>} : memref<64x768xf32, #tpu.memory_space<vmem>>, vector<1x16xf32>,
      %swap3A_724 = vector.shape_cast %swap3A_723 : vector<1x16xf32> to vector<16xf32>
      %swap3A_725 = vector.shape_cast %add3A_720 : vector<16xf32> to vector<1x16xf32>
      tpu.vector_store %arg6[%swap3A_721, %swap3A_722], %swap3A_725 {strides = array<i32>} : memref<64x768xf32, #tpu.memory_space<vmem>>, vector<1x16xf32>,
      %get3A_726 = arith.index_cast %scan3A_138 : i32 to index
      %get3A_727 = arith.constant 672 : index
      %get3A_728 = tpu.vector_load %arg6[%get3A_726, %get3A_727] {strides = array<i32>} : memref<64x768xf32, #tpu.memory_space<vmem>>, vector<1x16xf32>,
      %get3A_729 = vector.shape_cast %get3A_728 : vector<1x16xf32> to vector<16xf32>
      %get3A_730 = arith.index_cast %scan3A_138 : i32 to index
      %get3A_731 = arith.constant 672 : index
      %get3A_732 = tpu.vector_load %arg7[%get3A_730, %get3A_731] {strides = array<i32>} : memref<64x768xf32, #tpu.memory_space<vmem>>, vector<1x16xf32>,
      %get3A_733 = vector.shape_cast %get3A_732 : vector<1x16xf32> to vector<16xf32>
      %add3A_734 = arith.addf %get3A_729, %get3A_733 : vector<16xf32>
      %swap3A_735 = arith.index_cast %scan3A_138 : i32 to index
      %swap3A_736 = arith.constant 672 : index
      %swap3A_737 = tpu.vector_load %arg6[%swap3A_735, %swap3A_736] {strides = array<i32>} : memref<64x768xf32, #tpu.memory_space<vmem>>, vector<1x16xf32>,
      %swap3A_738 = vector.shape_cast %swap3A_737 : vector<1x16xf32> to vector<16xf32>
      %swap3A_739 = vector.shape_cast %add3A_734 : vector<16xf32> to vector<1x16xf32>
      tpu.vector_store %arg6[%swap3A_735, %swap3A_736], %swap3A_739 {strides = array<i32>} : memref<64x768xf32, #tpu.memory_space<vmem>>, vector<1x16xf32>,
      %get3A_740 = arith.index_cast %scan3A_138 : i32 to index
      %get3A_741 = arith.constant 688 : index
      %get3A_742 = tpu.vector_load %arg6[%get3A_740, %get3A_741] {strides = array<i32>} : memref<64x768xf32, #tpu.memory_space<vmem>>, vector<1x16xf32>,
      %get3A_743 = vector.shape_cast %get3A_742 : vector<1x16xf32> to vector<16xf32>
      %get3A_744 = arith.index_cast %scan3A_138 : i32 to index
      %get3A_745 = arith.constant 688 : index
      %get3A_746 = tpu.vector_load %arg7[%get3A_744, %get3A_745] {strides = array<i32>} : memref<64x768xf32, #tpu.memory_space<vmem>>, vector<1x16xf32>,
      %get3A_747 = vector.shape_cast %get3A_746 : vector<1x16xf32> to vector<16xf32>
      %add3A_748 = arith.addf %get3A_743, %get3A_747 : vector<16xf32>
      %swap3A_749 = arith.index_cast %scan3A_138 : i32 to index
      %swap3A_750 = arith.constant 688 : index
      %swap3A_751 = tpu.vector_load %arg6[%swap3A_749, %swap3A_750] {strides = array<i32>} : memref<64x768xf32, #tpu.memory_space<vmem>>, vector<1x16xf32>,
      %swap3A_752 = vector.shape_cast %swap3A_751 : vector<1x16xf32> to vector<16xf32>
      %swap3A_753 = vector.shape_cast %add3A_748 : vector<16xf32> to vector<1x16xf32>
      tpu.vector_store %arg6[%swap3A_749, %swap3A_750], %swap3A_753 {strides = array<i32>} : memref<64x768xf32, #tpu.memory_space<vmem>>, vector<1x16xf32>,
      %get3A_754 = arith.index_cast %scan3A_138 : i32 to index
      %get3A_755 = arith.constant 704 : index
      %get3A_756 = tpu.vector_load %arg6[%get3A_754, %get3A_755] {strides = array<i32>} : memref<64x768xf32, #tpu.memory_space<vmem>>, vector<1x16xf32>,
      %get3A_757 = vector.shape_cast %get3A_756 : vector<1x16xf32> to vector<16xf32>
      %get3A_758 = arith.index_cast %scan3A_138 : i32 to index
      %get3A_759 = arith.constant 704 : index
      %get3A_760 = tpu.vector_load %arg7[%get3A_758, %get3A_759] {strides = array<i32>} : memref<64x768xf32, #tpu.memory_space<vmem>>, vector<1x16xf32>,
      %get3A_761 = vector.shape_cast %get3A_760 : vector<1x16xf32> to vector<16xf32>
      %add3A_762 = arith.addf %get3A_757, %get3A_761 : vector<16xf32>
      %swap3A_763 = arith.index_cast %scan3A_138 : i32 to index
      %swap3A_764 = arith.constant 704 : index
      %swap3A_765 = tpu.vector_load %arg6[%swap3A_763, %swap3A_764] {strides = array<i32>} : memref<64x768xf32, #tpu.memory_space<vmem>>, vector<1x16xf32>,
      %swap3A_766 = vector.shape_cast %swap3A_765 : vector<1x16xf32> to vector<16xf32>
      %swap3A_767 = vector.shape_cast %add3A_762 : vector<16xf32> to vector<1x16xf32>
      tpu.vector_store %arg6[%swap3A_763, %swap3A_764], %swap3A_767 {strides = array<i32>} : memref<64x768xf32, #tpu.memory_space<vmem>>, vector<1x16xf32>,
      %get3A_768 = arith.index_cast %scan3A_138 : i32 to index
      %get3A_769 = arith.constant 720 : index
      %get3A_770 = tpu.vector_load %arg6[%get3A_768, %get3A_769] {strides = array<i32>} : memref<64x768xf32, #tpu.memory_space<vmem>>, vector<1x16xf32>,
      %get3A_771 = vector.shape_cast %get3A_770 : vector<1x16xf32> to vector<16xf32>
      %get3A_772 = arith.index_cast %scan3A_138 : i32 to index
      %get3A_773 = arith.constant 720 : index
      %get3A_774 = tpu.vector_load %arg7[%get3A_772, %get3A_773] {strides = array<i32>} : memref<64x768xf32, #tpu.memory_space<vmem>>, vector<1x16xf32>,
      %get3A_775 = vector.shape_cast %get3A_774 : vector<1x16xf32> to vector<16xf32>
      %add3A_776 = arith.addf %get3A_771, %get3A_775 : vector<16xf32>
      %swap3A_777 = arith.index_cast %scan3A_138 : i32 to index
      %swap3A_778 = arith.constant 720 : index
      %swap3A_779 = tpu.vector_load %arg6[%swap3A_777, %swap3A_778] {strides = array<i32>} : memref<64x768xf32, #tpu.memory_space<vmem>>, vector<1x16xf32>,
      %swap3A_780 = vector.shape_cast %swap3A_779 : vector<1x16xf32> to vector<16xf32>
      %swap3A_781 = vector.shape_cast %add3A_776 : vector<16xf32> to vector<1x16xf32>
      tpu.vector_store %arg6[%swap3A_777, %swap3A_778], %swap3A_781 {strides = array<i32>} : memref<64x768xf32, #tpu.memory_space<vmem>>, vector<1x16xf32>,
      %get3A_782 = arith.index_cast %scan3A_138 : i32 to index
      %get3A_783 = arith.constant 736 : index
      %get3A_784 = tpu.vector_load %arg6[%get3A_782, %get3A_783] {strides = array<i32>} : memref<64x768xf32, #tpu.memory_space<vmem>>, vector<1x16xf32>,
      %get3A_785 = vector.shape_cast %get3A_784 : vector<1x16xf32> to vector<16xf32>
      %get3A_786 = arith.index_cast %scan3A_138 : i32 to index
      %get3A_787 = arith.constant 736 : index
      %get3A_788 = tpu.vector_load %arg7[%get3A_786, %get3A_787] {strides = array<i32>} : memref<64x768xf32, #tpu.memory_space<vmem>>, vector<1x16xf32>,
      %get3A_789 = vector.shape_cast %get3A_788 : vector<1x16xf32> to vector<16xf32>
      %add3A_790 = arith.addf %get3A_785, %get3A_789 : vector<16xf32>
      %swap3A_791 = arith.index_cast %scan3A_138 : i32 to index
      %swap3A_792 = arith.constant 736 : index
      %swap3A_793 = tpu.vector_load %arg6[%swap3A_791, %swap3A_792] {strides = array<i32>} : memref<64x768xf32, #tpu.memory_space<vmem>>, vector<1x16xf32>,
      %swap3A_794 = vector.shape_cast %swap3A_793 : vector<1x16xf32> to vector<16xf32>
      %swap3A_795 = vector.shape_cast %add3A_790 : vector<16xf32> to vector<1x16xf32>
      tpu.vector_store %arg6[%swap3A_791, %swap3A_792], %swap3A_795 {strides = array<i32>} : memref<64x768xf32, #tpu.memory_space<vmem>>, vector<1x16xf32>,
      %get3A_796 = arith.index_cast %scan3A_138 : i32 to index
      %get3A_797 = arith.constant 752 : index
      %get3A_798 = tpu.vector_load %arg6[%get3A_796, %get3A_797] {strides = array<i32>} : memref<64x768xf32, #tpu.memory_space<vmem>>, vector<1x16xf32>,
      %get3A_799 = vector.shape_cast %get3A_798 : vector<1x16xf32> to vector<16xf32>
      %get3A_800 = arith.index_cast %scan3A_138 : i32 to index
      %get3A_801 = arith.constant 752 : index
      %get3A_802 = tpu.vector_load %arg7[%get3A_800, %get3A_801] {strides = array<i32>} : memref<64x768xf32, #tpu.memory_space<vmem>>, vector<1x16xf32>,
      %get3A_803 = vector.shape_cast %get3A_802 : vector<1x16xf32> to vector<16xf32>
      %add3A_804 = arith.addf %get3A_799, %get3A_803 : vector<16xf32>
      %swap3A_805 = arith.index_cast %scan3A_138 : i32 to index
      %swap3A_806 = arith.constant 752 : index
      %swap3A_807 = tpu.vector_load %arg6[%swap3A_805, %swap3A_806] {strides = array<i32>} : memref<64x768xf32, #tpu.memory_space<vmem>>, vector<1x16xf32>,
      %swap3A_808 = vector.shape_cast %swap3A_807 : vector<1x16xf32> to vector<16xf32>
      %swap3A_809 = vector.shape_cast %add3A_804 : vector<16xf32> to vector<1x16xf32>
      tpu.vector_store %arg6[%swap3A_805, %swap3A_806], %swap3A_809 {strides = array<i32>} : memref<64x768xf32, #tpu.memory_space<vmem>>, vector<1x16xf32>,
      %scan3A_810 = arith.constant 0 : i32
      scf.yield %scan3A_810 : i32
    }
    %scan3A_66 = arith.constant 32 : i32
    %add3A_67 = arith.constant 0 : i32
    %add3A_68 = arith.addi %mul3A_2, %add3A_67 : i32
    %dma_start3A_69 = arith.constant 0 : i32
    %dma_start3A_70 = arith.constant 0 : i32
    %dma_start3A_71 = tpu.memref_slice %arg6[%dma_start3A_69, %dma_start3A_70] : memref<64x768xf32, #tpu.memory_space<vmem>> -> memref<32x768xf32, #tpu.memory_space<vmem>>
    %dma_start3A_72 = arith.constant 0 : i32
    %dma_start3A_73 = tpu.memref_slice %arg4[%add3A_68, %dma_start3A_72] : memref<2048x768xf32, #tpu.memory_space<hbm>> -> memref<32x768xf32, #tpu.memory_space<hbm>>
    %dma_start3A_74 = arith.constant 0 : i32
    %dma_start3A_75 = tpu.memref_slice %arg4[%add3A_68, %dma_start3A_74] : memref<2048x768xf32, #tpu.memory_space<hbm>> -> memref<32x768xf32, #tpu.memory_space<hbm>>
    %dma_start3A_76 = arith.constant 0 : i32
    %dma_start3A_77 = arith.constant 0 : i32
    %dma_start3A_78 = tpu.memref_slice %arg6[%dma_start3A_76, %dma_start3A_77] : memref<64x768xf32, #tpu.memory_space<vmem>> -> memref<32x768xf32, #tpu.memory_space<vmem>>
    tpu.enqueue_dma source(%dma_start3A_78 : memref<32x768xf32, #tpu.memory_space<vmem>>) target(%dma_start3A_75 : memref<32x768xf32, #tpu.memory_space<hbm>>) target_semaphore(%arg12 : memref<!tpu.dma_semaphore, #tpu.memory_space<semaphore_mem>>)
    %dma_wait3A_79 = arith.constant 0 : i32
    %dma_wait3A_80 = arith.constant 32 : i32
    %dma_wait3A_81 = arith.constant 0 : i32
    %dma_wait3A_82 = tpu.memref_slice %arg6[%dma_wait3A_80, %dma_wait3A_81] : memref<64x768xf32, #tpu.memory_space<vmem>> -> memref<32x768xf32, #tpu.memory_space<vmem>>
    %dma_wait3A_83 = arith.constant 32 : i32
    %dma_wait3A_84 = tpu.memref_slice %arg5[%dma_wait3A_79, %dma_wait3A_83] : memref<2x64xi32, #tpu.memory_space<vmem>> -> memref<1x32xi32, #tpu.memory_space<vmem>>
    %dma_wait3A_85 = tpu.memref_squeeze %dma_wait3A_84 : memref<1x32xi32, #tpu.memory_space<vmem>> -> memref<32xi32, #tpu.memory_space<vmem>>
    %dma_wait3A_86 = arith.constant 0 : i32
    %dma_wait3A_87 = arith.constant 0 : i32
    %dma_wait3A_88 = tpu.memref_slice %arg2[%dma_wait3A_86, %dma_wait3A_87] : memref<6144x768xf32, #tpu.memory_space<hbm>> -> memref<6144x768xf32, #tpu.memory_space<hbm>>
    tpu.wait_indirect_dma semaphore(%arg10 : memref<!tpu.dma_semaphore, #tpu.memory_space<semaphore_mem>>) src(%dma_wait3A_88 : memref<6144x768xf32, #tpu.memory_space<hbm>>) dst(%dma_wait3A_82 : memref<32x768xf32, #tpu.memory_space<vmem>>)
    %dma_wait3A_89 = arith.constant 1 : i32
    %dma_wait3A_90 = arith.constant 32 : i32
    %dma_wait3A_91 = arith.constant 0 : i32
    %dma_wait3A_92 = tpu.memref_slice %arg7[%dma_wait3A_90, %dma_wait3A_91] : memref<64x768xf32, #tpu.memory_space<vmem>> -> memref<32x768xf32, #tpu.memory_space<vmem>>
    %dma_wait3A_93 = arith.constant 32 : i32
    %dma_wait3A_94 = tpu.memref_slice %arg5[%dma_wait3A_89, %dma_wait3A_93] : memref<2x64xi32, #tpu.memory_space<vmem>> -> memref<1x32xi32, #tpu.memory_space<vmem>>
    %dma_wait3A_95 = tpu.memref_squeeze %dma_wait3A_94 : memref<1x32xi32, #tpu.memory_space<vmem>> -> memref<32xi32, #tpu.memory_space<vmem>>
    %dma_wait3A_96 = arith.constant 0 : i32
    %dma_wait3A_97 = arith.constant 0 : i32
    %dma_wait3A_98 = tpu.memref_slice %arg2[%dma_wait3A_96, %dma_wait3A_97] : memref<6144x768xf32, #tpu.memory_space<hbm>> -> memref<6144x768xf32, #tpu.memory_space<hbm>>
    tpu.wait_indirect_dma semaphore(%arg11 : memref<!tpu.dma_semaphore, #tpu.memory_space<semaphore_mem>>) src(%dma_wait3A_98 : memref<6144x768xf32, #tpu.memory_space<hbm>>) dst(%dma_wait3A_92 : memref<32x768xf32, #tpu.memory_space<vmem>>)
    %scan3A_99 = arith.constant 0 : i32
    %scan3A_100 = arith.constant 32 : i32
    %scan3A_101 = arith.constant 32 : i32
    %scan3A_102 = arith.addi %scan3A_100, %scan3A_101 : i32
    %scan3A_103 = arith.constant 1 : i32
    %scan3A_104 = scf.for %scan3A_138 = %scan3A_100 to %scan3A_102 step %scan3A_103 iter_args(%scan3A_139 = %scan3A_99) -> (i32)  : i32 {
      %get3A = arith.index_cast %scan3A_138 : i32 to index
      %get3A_140 = arith.constant 0 : index
      %get3A_141 = tpu.vector_load %arg6[%get3A, %get3A_140] {strides = array<i32>} : memref<64x768xf32, #tpu.memory_space<vmem>>, vector<1x16xf32>,
      %get3A_142 = vector.shape_cast %get3A_141 : vector<1x16xf32> to vector<16xf32>
      %get3A_143 = arith.index_cast %scan3A_138 : i32 to index
      %get3A_144 = arith.constant 0 : index
      %get3A_145 = tpu.vector_load %arg7[%get3A_143, %get3A_144] {strides = array<i32>} : memref<64x768xf32, #tpu.memory_space<vmem>>, vector<1x16xf32>,
      %get3A_146 = vector.shape_cast %get3A_145 : vector<1x16xf32> to vector<16xf32>
      %add3A_147 = arith.addf %get3A_142, %get3A_146 : vector<16xf32>
      %swap3A = arith.index_cast %scan3A_138 : i32 to index
      %swap3A_148 = arith.constant 0 : index
      %swap3A_149 = tpu.vector_load %arg6[%swap3A, %swap3A_148] {strides = array<i32>} : memref<64x768xf32, #tpu.memory_space<vmem>>, vector<1x16xf32>,
      %swap3A_150 = vector.shape_cast %swap3A_149 : vector<1x16xf32> to vector<16xf32>
      %swap3A_151 = vector.shape_cast %add3A_147 : vector<16xf32> to vector<1x16xf32>
      tpu.vector_store %arg6[%swap3A, %swap3A_148], %swap3A_151 {strides = array<i32>} : memref<64x768xf32, #tpu.memory_space<vmem>>, vector<1x16xf32>,
      %get3A_152 = arith.index_cast %scan3A_138 : i32 to index
      %get3A_153 = arith.constant 16 : index
      %get3A_154 = tpu.vector_load %arg6[%get3A_152, %get3A_153] {strides = array<i32>} : memref<64x768xf32, #tpu.memory_space<vmem>>, vector<1x16xf32>,
      %get3A_155 = vector.shape_cast %get3A_154 : vector<1x16xf32> to vector<16xf32>
      %get3A_156 = arith.index_cast %scan3A_138 : i32 to index
      %get3A_157 = arith.constant 16 : index
      %get3A_158 = tpu.vector_load %arg7[%get3A_156, %get3A_157] {strides = array<i32>} : memref<64x768xf32, #tpu.memory_space<vmem>>, vector<1x16xf32>,
      %get3A_159 = vector.shape_cast %get3A_158 : vector<1x16xf32> to vector<16xf32>
      %add3A_160 = arith.addf %get3A_155, %get3A_159 : vector<16xf32>
      %swap3A_161 = arith.index_cast %scan3A_138 : i32 to index
      %swap3A_162 = arith.constant 16 : index
      %swap3A_163 = tpu.vector_load %arg6[%swap3A_161, %swap3A_162] {strides = array<i32>} : memref<64x768xf32, #tpu.memory_space<vmem>>, vector<1x16xf32>,
      %swap3A_164 = vector.shape_cast %swap3A_163 : vector<1x16xf32> to vector<16xf32>
      %swap3A_165 = vector.shape_cast %add3A_160 : vector<16xf32> to vector<1x16xf32>
      tpu.vector_store %arg6[%swap3A_161, %swap3A_162], %swap3A_165 {strides = array<i32>} : memref<64x768xf32, #tpu.memory_space<vmem>>, vector<1x16xf32>,
      %get3A_166 = arith.index_cast %scan3A_138 : i32 to index
      %get3A_167 = arith.constant 32 : index
      %get3A_168 = tpu.vector_load %arg6[%get3A_166, %get3A_167] {strides = array<i32>} : memref<64x768xf32, #tpu.memory_space<vmem>>, vector<1x16xf32>,
      %get3A_169 = vector.shape_cast %get3A_168 : vector<1x16xf32> to vector<16xf32>
      %get3A_170 = arith.index_cast %scan3A_138 : i32 to index
      %get3A_171 = arith.constant 32 : index
      %get3A_172 = tpu.vector_load %arg7[%get3A_170, %get3A_171] {strides = array<i32>} : memref<64x768xf32, #tpu.memory_space<vmem>>, vector<1x16xf32>,
      %get3A_173 = vector.shape_cast %get3A_172 : vector<1x16xf32> to vector<16xf32>
      %add3A_174 = arith.addf %get3A_169, %get3A_173 : vector<16xf32>
      %swap3A_175 = arith.index_cast %scan3A_138 : i32 to index
      %swap3A_176 = arith.constant 32 : index
      %swap3A_177 = tpu.vector_load %arg6[%swap3A_175, %swap3A_176] {strides = array<i32>} : memref<64x768xf32, #tpu.memory_space<vmem>>, vector<1x16xf32>,
      %swap3A_178 = vector.shape_cast %swap3A_177 : vector<1x16xf32> to vector<16xf32>
      %swap3A_179 = vector.shape_cast %add3A_174 : vector<16xf32> to vector<1x16xf32>
      tpu.vector_store %arg6[%swap3A_175, %swap3A_176], %swap3A_179 {strides = array<i32>} : memref<64x768xf32, #tpu.memory_space<vmem>>, vector<1x16xf32>,
      %get3A_180 = arith.index_cast %scan3A_138 : i32 to index
      %get3A_181 = arith.constant 48 : index
      %get3A_182 = tpu.vector_load %arg6[%get3A_180, %get3A_181] {strides = array<i32>} : memref<64x768xf32, #tpu.memory_space<vmem>>, vector<1x16xf32>,
      %get3A_183 = vector.shape_cast %get3A_182 : vector<1x16xf32> to vector<16xf32>
      %get3A_184 = arith.index_cast %scan3A_138 : i32 to index
      %get3A_185 = arith.constant 48 : index
      %get3A_186 = tpu.vector_load %arg7[%get3A_184, %get3A_185] {strides = array<i32>} : memref<64x768xf32, #tpu.memory_space<vmem>>, vector<1x16xf32>,
      %get3A_187 = vector.shape_cast %get3A_186 : vector<1x16xf32> to vector<16xf32>
      %add3A_188 = arith.addf %get3A_183, %get3A_187 : vector<16xf32>
      %swap3A_189 = arith.index_cast %scan3A_138 : i32 to index
      %swap3A_190 = arith.constant 48 : index
      %swap3A_191 = tpu.vector_load %arg6[%swap3A_189, %swap3A_190] {strides = array<i32>} : memref<64x768xf32, #tpu.memory_space<vmem>>, vector<1x16xf32>,
      %swap3A_192 = vector.shape_cast %swap3A_191 : vector<1x16xf32> to vector<16xf32>
      %swap3A_193 = vector.shape_cast %add3A_188 : vector<16xf32> to vector<1x16xf32>
      tpu.vector_store %arg6[%swap3A_189, %swap3A_190], %swap3A_193 {strides = array<i32>} : memref<64x768xf32, #tpu.memory_space<vmem>>, vector<1x16xf32>,
      %get3A_194 = arith.index_cast %scan3A_138 : i32 to index
      %get3A_195 = arith.constant 64 : index
      %get3A_196 = tpu.vector_load %arg6[%get3A_194, %get3A_195] {strides = array<i32>} : memref<64x768xf32, #tpu.memory_space<vmem>>, vector<1x16xf32>,
      %get3A_197 = vector.shape_cast %get3A_196 : vector<1x16xf32> to vector<16xf32>
      %get3A_198 = arith.index_cast %scan3A_138 : i32 to index
      %get3A_199 = arith.constant 64 : index
      %get3A_200 = tpu.vector_load %arg7[%get3A_198, %get3A_199] {strides = array<i32>} : memref<64x768xf32, #tpu.memory_space<vmem>>, vector<1x16xf32>,
      %get3A_201 = vector.shape_cast %get3A_200 : vector<1x16xf32> to vector<16xf32>
      %add3A_202 = arith.addf %get3A_197, %get3A_201 : vector<16xf32>
      %swap3A_203 = arith.index_cast %scan3A_138 : i32 to index
      %swap3A_204 = arith.constant 64 : index
      %swap3A_205 = tpu.vector_load %arg6[%swap3A_203, %swap3A_204] {strides = array<i32>} : memref<64x768xf32, #tpu.memory_space<vmem>>, vector<1x16xf32>,
      %swap3A_206 = vector.shape_cast %swap3A_205 : vector<1x16xf32> to vector<16xf32>
      %swap3A_207 = vector.shape_cast %add3A_202 : vector<16xf32> to vector<1x16xf32>
      tpu.vector_store %arg6[%swap3A_203, %swap3A_204], %swap3A_207 {strides = array<i32>} : memref<64x768xf32, #tpu.memory_space<vmem>>, vector<1x16xf32>,
      %get3A_208 = arith.index_cast %scan3A_138 : i32 to index
      %get3A_209 = arith.constant 80 : index
      %get3A_210 = tpu.vector_load %arg6[%get3A_208, %get3A_209] {strides = array<i32>} : memref<64x768xf32, #tpu.memory_space<vmem>>, vector<1x16xf32>,
      %get3A_211 = vector.shape_cast %get3A_210 : vector<1x16xf32> to vector<16xf32>
      %get3A_212 = arith.index_cast %scan3A_138 : i32 to index
      %get3A_213 = arith.constant 80 : index
      %get3A_214 = tpu.vector_load %arg7[%get3A_212, %get3A_213] {strides = array<i32>} : memref<64x768xf32, #tpu.memory_space<vmem>>, vector<1x16xf32>,
      %get3A_215 = vector.shape_cast %get3A_214 : vector<1x16xf32> to vector<16xf32>
      %add3A_216 = arith.addf %get3A_211, %get3A_215 : vector<16xf32>
      %swap3A_217 = arith.index_cast %scan3A_138 : i32 to index
      %swap3A_218 = arith.constant 80 : index
      %swap3A_219 = tpu.vector_load %arg6[%swap3A_217, %swap3A_218] {strides = array<i32>} : memref<64x768xf32, #tpu.memory_space<vmem>>, vector<1x16xf32>,
      %swap3A_220 = vector.shape_cast %swap3A_219 : vector<1x16xf32> to vector<16xf32>
      %swap3A_221 = vector.shape_cast %add3A_216 : vector<16xf32> to vector<1x16xf32>
      tpu.vector_store %arg6[%swap3A_217, %swap3A_218], %swap3A_221 {strides = array<i32>} : memref<64x768xf32, #tpu.memory_space<vmem>>, vector<1x16xf32>,
      %get3A_222 = arith.index_cast %scan3A_138 : i32 to index
      %get3A_223 = arith.constant 96 : index
      %get3A_224 = tpu.vector_load %arg6[%get3A_222, %get3A_223] {strides = array<i32>} : memref<64x768xf32, #tpu.memory_space<vmem>>, vector<1x16xf32>,
      %get3A_225 = vector.shape_cast %get3A_224 : vector<1x16xf32> to vector<16xf32>
      %get3A_226 = arith.index_cast %scan3A_138 : i32 to index
      %get3A_227 = arith.constant 96 : index
      %get3A_228 = tpu.vector_load %arg7[%get3A_226, %get3A_227] {strides = array<i32>} : memref<64x768xf32, #tpu.memory_space<vmem>>, vector<1x16xf32>,
      %get3A_229 = vector.shape_cast %get3A_228 : vector<1x16xf32> to vector<16xf32>
      %add3A_230 = arith.addf %get3A_225, %get3A_229 : vector<16xf32>
      %swap3A_231 = arith.index_cast %scan3A_138 : i32 to index
      %swap3A_232 = arith.constant 96 : index
      %swap3A_233 = tpu.vector_load %arg6[%swap3A_231, %swap3A_232] {strides = array<i32>} : memref<64x768xf32, #tpu.memory_space<vmem>>, vector<1x16xf32>,
      %swap3A_234 = vector.shape_cast %swap3A_233 : vector<1x16xf32> to vector<16xf32>
      %swap3A_235 = vector.shape_cast %add3A_230 : vector<16xf32> to vector<1x16xf32>
      tpu.vector_store %arg6[%swap3A_231, %swap3A_232], %swap3A_235 {strides = array<i32>} : memref<64x768xf32, #tpu.memory_space<vmem>>, vector<1x16xf32>,
      %get3A_236 = arith.index_cast %scan3A_138 : i32 to index
      %get3A_237 = arith.constant 112 : index
      %get3A_238 = tpu.vector_load %arg6[%get3A_236, %get3A_237] {strides = array<i32>} : memref<64x768xf32, #tpu.memory_space<vmem>>, vector<1x16xf32>,
      %get3A_239 = vector.shape_cast %get3A_238 : vector<1x16xf32> to vector<16xf32>
      %get3A_240 = arith.index_cast %scan3A_138 : i32 to index
      %get3A_241 = arith.constant 112 : index
      %get3A_242 = tpu.vector_load %arg7[%get3A_240, %get3A_241] {strides = array<i32>} : memref<64x768xf32, #tpu.memory_space<vmem>>, vector<1x16xf32>,
      %get3A_243 = vector.shape_cast %get3A_242 : vector<1x16xf32> to vector<16xf32>
      %add3A_244 = arith.addf %get3A_239, %get3A_243 : vector<16xf32>
      %swap3A_245 = arith.index_cast %scan3A_138 : i32 to index
      %swap3A_246 = arith.constant 112 : index
      %swap3A_247 = tpu.vector_load %arg6[%swap3A_245, %swap3A_246] {strides = array<i32>} : memref<64x768xf32, #tpu.memory_space<vmem>>, vector<1x16xf32>,
      %swap3A_248 = vector.shape_cast %swap3A_247 : vector<1x16xf32> to vector<16xf32>
      %swap3A_249 = vector.shape_cast %add3A_244 : vector<16xf32> to vector<1x16xf32>
      tpu.vector_store %arg6[%swap3A_245, %swap3A_246], %swap3A_249 {strides = array<i32>} : memref<64x768xf32, #tpu.memory_space<vmem>>, vector<1x16xf32>,
      %get3A_250 = arith.index_cast %scan3A_138 : i32 to index
      %get3A_251 = arith.constant 128 : index
      %get3A_252 = tpu.vector_load %arg6[%get3A_250, %get3A_251] {strides = array<i32>} : memref<64x768xf32, #tpu.memory_space<vmem>>, vector<1x16xf32>,
      %get3A_253 = vector.shape_cast %get3A_252 : vector<1x16xf32> to vector<16xf32>
      %get3A_254 = arith.index_cast %scan3A_138 : i32 to index
      %get3A_255 = arith.constant 128 : index
      %get3A_256 = tpu.vector_load %arg7[%get3A_254, %get3A_255] {strides = array<i32>} : memref<64x768xf32, #tpu.memory_space<vmem>>, vector<1x16xf32>,
      %get3A_257 = vector.shape_cast %get3A_256 : vector<1x16xf32> to vector<16xf32>
      %add3A_258 = arith.addf %get3A_253, %get3A_257 : vector<16xf32>
      %swap3A_259 = arith.index_cast %scan3A_138 : i32 to index
      %swap3A_260 = arith.constant 128 : index
      %swap3A_261 = tpu.vector_load %arg6[%swap3A_259, %swap3A_260] {strides = array<i32>} : memref<64x768xf32, #tpu.memory_space<vmem>>, vector<1x16xf32>,
      %swap3A_262 = vector.shape_cast %swap3A_261 : vector<1x16xf32> to vector<16xf32>
      %swap3A_263 = vector.shape_cast %add3A_258 : vector<16xf32> to vector<1x16xf32>
      tpu.vector_store %arg6[%swap3A_259, %swap3A_260], %swap3A_263 {strides = array<i32>} : memref<64x768xf32, #tpu.memory_space<vmem>>, vector<1x16xf32>,
      %get3A_264 = arith.index_cast %scan3A_138 : i32 to index
      %get3A_265 = arith.constant 144 : index
      %get3A_266 = tpu.vector_load %arg6[%get3A_264, %get3A_265] {strides = array<i32>} : memref<64x768xf32, #tpu.memory_space<vmem>>, vector<1x16xf32>,
      %get3A_267 = vector.shape_cast %get3A_266 : vector<1x16xf32> to vector<16xf32>
      %get3A_268 = arith.index_cast %scan3A_138 : i32 to index
      %get3A_269 = arith.constant 144 : index
      %get3A_270 = tpu.vector_load %arg7[%get3A_268, %get3A_269] {strides = array<i32>} : memref<64x768xf32, #tpu.memory_space<vmem>>, vector<1x16xf32>,
      %get3A_271 = vector.shape_cast %get3A_270 : vector<1x16xf32> to vector<16xf32>
      %add3A_272 = arith.addf %get3A_267, %get3A_271 : vector<16xf32>
      %swap3A_273 = arith.index_cast %scan3A_138 : i32 to index
      %swap3A_274 = arith.constant 144 : index
      %swap3A_275 = tpu.vector_load %arg6[%swap3A_273, %swap3A_274] {strides = array<i32>} : memref<64x768xf32, #tpu.memory_space<vmem>>, vector<1x16xf32>,
      %swap3A_276 = vector.shape_cast %swap3A_275 : vector<1x16xf32> to vector<16xf32>
      %swap3A_277 = vector.shape_cast %add3A_272 : vector<16xf32> to vector<1x16xf32>
      tpu.vector_store %arg6[%swap3A_273, %swap3A_274], %swap3A_277 {strides = array<i32>} : memref<64x768xf32, #tpu.memory_space<vmem>>, vector<1x16xf32>,
      %get3A_278 = arith.index_cast %scan3A_138 : i32 to index
      %get3A_279 = arith.constant 160 : index
      %get3A_280 = tpu.vector_load %arg6[%get3A_278, %get3A_279] {strides = array<i32>} : memref<64x768xf32, #tpu.memory_space<vmem>>, vector<1x16xf32>,
      %get3A_281 = vector.shape_cast %get3A_280 : vector<1x16xf32> to vector<16xf32>
      %get3A_282 = arith.index_cast %scan3A_138 : i32 to index
      %get3A_283 = arith.constant 160 : index
      %get3A_284 = tpu.vector_load %arg7[%get3A_282, %get3A_283] {strides = array<i32>} : memref<64x768xf32, #tpu.memory_space<vmem>>, vector<1x16xf32>,
      %get3A_285 = vector.shape_cast %get3A_284 : vector<1x16xf32> to vector<16xf32>
      %add3A_286 = arith.addf %get3A_281, %get3A_285 : vector<16xf32>
      %swap3A_287 = arith.index_cast %scan3A_138 : i32 to index
      %swap3A_288 = arith.constant 160 : index
      %swap3A_289 = tpu.vector_load %arg6[%swap3A_287, %swap3A_288] {strides = array<i32>} : memref<64x768xf32, #tpu.memory_space<vmem>>, vector<1x16xf32>,
      %swap3A_290 = vector.shape_cast %swap3A_289 : vector<1x16xf32> to vector<16xf32>
      %swap3A_291 = vector.shape_cast %add3A_286 : vector<16xf32> to vector<1x16xf32>
      tpu.vector_store %arg6[%swap3A_287, %swap3A_288], %swap3A_291 {strides = array<i32>} : memref<64x768xf32, #tpu.memory_space<vmem>>, vector<1x16xf32>,
      %get3A_292 = arith.index_cast %scan3A_138 : i32 to index
      %get3A_293 = arith.constant 176 : index
      %get3A_294 = tpu.vector_load %arg6[%get3A_292, %get3A_293] {strides = array<i32>} : memref<64x768xf32, #tpu.memory_space<vmem>>, vector<1x16xf32>,
      %get3A_295 = vector.shape_cast %get3A_294 : vector<1x16xf32> to vector<16xf32>
      %get3A_296 = arith.index_cast %scan3A_138 : i32 to index
      %get3A_297 = arith.constant 176 : index
      %get3A_298 = tpu.vector_load %arg7[%get3A_296, %get3A_297] {strides = array<i32>} : memref<64x768xf32, #tpu.memory_space<vmem>>, vector<1x16xf32>,
      %get3A_299 = vector.shape_cast %get3A_298 : vector<1x16xf32> to vector<16xf32>
      %add3A_300 = arith.addf %get3A_295, %get3A_299 : vector<16xf32>
      %swap3A_301 = arith.index_cast %scan3A_138 : i32 to index
      %swap3A_302 = arith.constant 176 : index
      %swap3A_303 = tpu.vector_load %arg6[%swap3A_301, %swap3A_302] {strides = array<i32>} : memref<64x768xf32, #tpu.memory_space<vmem>>, vector<1x16xf32>,
      %swap3A_304 = vector.shape_cast %swap3A_303 : vector<1x16xf32> to vector<16xf32>
      %swap3A_305 = vector.shape_cast %add3A_300 : vector<16xf32> to vector<1x16xf32>
      tpu.vector_store %arg6[%swap3A_301, %swap3A_302], %swap3A_305 {strides = array<i32>} : memref<64x768xf32, #tpu.memory_space<vmem>>, vector<1x16xf32>,
      %get3A_306 = arith.index_cast %scan3A_138 : i32 to index
      %get3A_307 = arith.constant 192 : index
      %get3A_308 = tpu.vector_load %arg6[%get3A_306, %get3A_307] {strides = array<i32>} : memref<64x768xf32, #tpu.memory_space<vmem>>, vector<1x16xf32>,
      %get3A_309 = vector.shape_cast %get3A_308 : vector<1x16xf32> to vector<16xf32>
      %get3A_310 = arith.index_cast %scan3A_138 : i32 to index
      %get3A_311 = arith.constant 192 : index
      %get3A_312 = tpu.vector_load %arg7[%get3A_310, %get3A_311] {strides = array<i32>} : memref<64x768xf32, #tpu.memory_space<vmem>>, vector<1x16xf32>,
      %get3A_313 = vector.shape_cast %get3A_312 : vector<1x16xf32> to vector<16xf32>
      %add3A_314 = arith.addf %get3A_309, %get3A_313 : vector<16xf32>
      %swap3A_315 = arith.index_cast %scan3A_138 : i32 to index
      %swap3A_316 = arith.constant 192 : index
      %swap3A_317 = tpu.vector_load %arg6[%swap3A_315, %swap3A_316] {strides = array<i32>} : memref<64x768xf32, #tpu.memory_space<vmem>>, vector<1x16xf32>,
      %swap3A_318 = vector.shape_cast %swap3A_317 : vector<1x16xf32> to vector<16xf32>
      %swap3A_319 = vector.shape_cast %add3A_314 : vector<16xf32> to vector<1x16xf32>
      tpu.vector_store %arg6[%swap3A_315, %swap3A_316], %swap3A_319 {strides = array<i32>} : memref<64x768xf32, #tpu.memory_space<vmem>>, vector<1x16xf32>,
      %get3A_320 = arith.index_cast %scan3A_138 : i32 to index
      %get3A_321 = arith.constant 208 : index
      %get3A_322 = tpu.vector_load %arg6[%get3A_320, %get3A_321] {strides = array<i32>} : memref<64x768xf32, #tpu.memory_space<vmem>>, vector<1x16xf32>,
      %get3A_323 = vector.shape_cast %get3A_322 : vector<1x16xf32> to vector<16xf32>
      %get3A_324 = arith.index_cast %scan3A_138 : i32 to index
      %get3A_325 = arith.constant 208 : index
      %get3A_326 = tpu.vector_load %arg7[%get3A_324, %get3A_325] {strides = array<i32>} : memref<64x768xf32, #tpu.memory_space<vmem>>, vector<1x16xf32>,
      %get3A_327 = vector.shape_cast %get3A_326 : vector<1x16xf32> to vector<16xf32>
      %add3A_328 = arith.addf %get3A_323, %get3A_327 : vector<16xf32>
      %swap3A_329 = arith.index_cast %scan3A_138 : i32 to index
      %swap3A_330 = arith.constant 208 : index
      %swap3A_331 = tpu.vector_load %arg6[%swap3A_329, %swap3A_330] {strides = array<i32>} : memref<64x768xf32, #tpu.memory_space<vmem>>, vector<1x16xf32>,
      %swap3A_332 = vector.shape_cast %swap3A_331 : vector<1x16xf32> to vector<16xf32>
      %swap3A_333 = vector.shape_cast %add3A_328 : vector<16xf32> to vector<1x16xf32>
      tpu.vector_store %arg6[%swap3A_329, %swap3A_330], %swap3A_333 {strides = array<i32>} : memref<64x768xf32, #tpu.memory_space<vmem>>, vector<1x16xf32>,
      %get3A_334 = arith.index_cast %scan3A_138 : i32 to index
      %get3A_335 = arith.constant 224 : index
      %get3A_336 = tpu.vector_load %arg6[%get3A_334, %get3A_335] {strides = array<i32>} : memref<64x768xf32, #tpu.memory_space<vmem>>, vector<1x16xf32>,
      %get3A_337 = vector.shape_cast %get3A_336 : vector<1x16xf32> to vector<16xf32>
      %get3A_338 = arith.index_cast %scan3A_138 : i32 to index
      %get3A_339 = arith.constant 224 : index
      %get3A_340 = tpu.vector_load %arg7[%get3A_338, %get3A_339] {strides = array<i32>} : memref<64x768xf32, #tpu.memory_space<vmem>>, vector<1x16xf32>,
      %get3A_341 = vector.shape_cast %get3A_340 : vector<1x16xf32> to vector<16xf32>
      %add3A_342 = arith.addf %get3A_337, %get3A_341 : vector<16xf32>
      %swap3A_343 = arith.index_cast %scan3A_138 : i32 to index
      %swap3A_344 = arith.constant 224 : index
      %swap3A_345 = tpu.vector_load %arg6[%swap3A_343, %swap3A_344] {strides = array<i32>} : memref<64x768xf32, #tpu.memory_space<vmem>>, vector<1x16xf32>,
      %swap3A_346 = vector.shape_cast %swap3A_345 : vector<1x16xf32> to vector<16xf32>
      %swap3A_347 = vector.shape_cast %add3A_342 : vector<16xf32> to vector<1x16xf32>
      tpu.vector_store %arg6[%swap3A_343, %swap3A_344], %swap3A_347 {strides = array<i32>} : memref<64x768xf32, #tpu.memory_space<vmem>>, vector<1x16xf32>,
      %get3A_348 = arith.index_cast %scan3A_138 : i32 to index
      %get3A_349 = arith.constant 240 : index
      %get3A_350 = tpu.vector_load %arg6[%get3A_348, %get3A_349] {strides = array<i32>} : memref<64x768xf32, #tpu.memory_space<vmem>>, vector<1x16xf32>,
      %get3A_351 = vector.shape_cast %get3A_350 : vector<1x16xf32> to vector<16xf32>
      %get3A_352 = arith.index_cast %scan3A_138 : i32 to index
      %get3A_353 = arith.constant 240 : index
      %get3A_354 = tpu.vector_load %arg7[%get3A_352, %get3A_353] {strides = array<i32>} : memref<64x768xf32, #tpu.memory_space<vmem>>, vector<1x16xf32>,
      %get3A_355 = vector.shape_cast %get3A_354 : vector<1x16xf32> to vector<16xf32>
      %add3A_356 = arith.addf %get3A_351, %get3A_355 : vector<16xf32>
      %swap3A_357 = arith.index_cast %scan3A_138 : i32 to index
      %swap3A_358 = arith.constant 240 : index
      %swap3A_359 = tpu.vector_load %arg6[%swap3A_357, %swap3A_358] {strides = array<i32>} : memref<64x768xf32, #tpu.memory_space<vmem>>, vector<1x16xf32>,
      %swap3A_360 = vector.shape_cast %swap3A_359 : vector<1x16xf32> to vector<16xf32>
      %swap3A_361 = vector.shape_cast %add3A_356 : vector<16xf32> to vector<1x16xf32>
      tpu.vector_store %arg6[%swap3A_357, %swap3A_358], %swap3A_361 {strides = array<i32>} : memref<64x768xf32, #tpu.memory_space<vmem>>, vector<1x16xf32>,
      %get3A_362 = arith.index_cast %scan3A_138 : i32 to index
      %get3A_363 = arith.constant 256 : index
      %get3A_364 = tpu.vector_load %arg6[%get3A_362, %get3A_363] {strides = array<i32>} : memref<64x768xf32, #tpu.memory_space<vmem>>, vector<1x16xf32>,
      %get3A_365 = vector.shape_cast %get3A_364 : vector<1x16xf32> to vector<16xf32>
      %get3A_366 = arith.index_cast %scan3A_138 : i32 to index
      %get3A_367 = arith.constant 256 : index
      %get3A_368 = tpu.vector_load %arg7[%get3A_366, %get3A_367] {strides = array<i32>} : memref<64x768xf32, #tpu.memory_space<vmem>>, vector<1x16xf32>,
      %get3A_369 = vector.shape_cast %get3A_368 : vector<1x16xf32> to vector<16xf32>
      %add3A_370 = arith.addf %get3A_365, %get3A_369 : vector<16xf32>
      %swap3A_371 = arith.index_cast %scan3A_138 : i32 to index
      %swap3A_372 = arith.constant 256 : index
      %swap3A_373 = tpu.vector_load %arg6[%swap3A_371, %swap3A_372] {strides = array<i32>} : memref<64x768xf32, #tpu.memory_space<vmem>>, vector<1x16xf32>,
      %swap3A_374 = vector.shape_cast %swap3A_373 : vector<1x16xf32> to vector<16xf32>
      %swap3A_375 = vector.shape_cast %add3A_370 : vector<16xf32> to vector<1x16xf32>
      tpu.vector_store %arg6[%swap3A_371, %swap3A_372], %swap3A_375 {strides = array<i32>} : memref<64x768xf32, #tpu.memory_space<vmem>>, vector<1x16xf32>,
      %get3A_376 = arith.index_cast %scan3A_138 : i32 to index
      %get3A_377 = arith.constant 272 : index
      %get3A_378 = tpu.vector_load %arg6[%get3A_376, %get3A_377] {strides = array<i32>} : memref<64x768xf32, #tpu.memory_space<vmem>>, vector<1x16xf32>,
      %get3A_379 = vector.shape_cast %get3A_378 : vector<1x16xf32> to vector<16xf32>
      %get3A_380 = arith.index_cast %scan3A_138 : i32 to index
      %get3A_381 = arith.constant 272 : index
      %get3A_382 = tpu.vector_load %arg7[%get3A_380, %get3A_381] {strides = array<i32>} : memref<64x768xf32, #tpu.memory_space<vmem>>, vector<1x16xf32>,
      %get3A_383 = vector.shape_cast %get3A_382 : vector<1x16xf32> to vector<16xf32>
      %add3A_384 = arith.addf %get3A_379, %get3A_383 : vector<16xf32>
      %swap3A_385 = arith.index_cast %scan3A_138 : i32 to index
      %swap3A_386 = arith.constant 272 : index
      %swap3A_387 = tpu.vector_load %arg6[%swap3A_385, %swap3A_386] {strides = array<i32>} : memref<64x768xf32, #tpu.memory_space<vmem>>, vector<1x16xf32>,
      %swap3A_388 = vector.shape_cast %swap3A_387 : vector<1x16xf32> to vector<16xf32>
      %swap3A_389 = vector.shape_cast %add3A_384 : vector<16xf32> to vector<1x16xf32>
      tpu.vector_store %arg6[%swap3A_385, %swap3A_386], %swap3A_389 {strides = array<i32>} : memref<64x768xf32, #tpu.memory_space<vmem>>, vector<1x16xf32>,
      %get3A_390 = arith.index_cast %scan3A_138 : i32 to index
      %get3A_391 = arith.constant 288 : index
      %get3A_392 = tpu.vector_load %arg6[%get3A_390, %get3A_391] {strides = array<i32>} : memref<64x768xf32, #tpu.memory_space<vmem>>, vector<1x16xf32>,
      %get3A_393 = vector.shape_cast %get3A_392 : vector<1x16xf32> to vector<16xf32>
      %get3A_394 = arith.index_cast %scan3A_138 : i32 to index
      %get3A_395 = arith.constant 288 : index
      %get3A_396 = tpu.vector_load %arg7[%get3A_394, %get3A_395] {strides = array<i32>} : memref<64x768xf32, #tpu.memory_space<vmem>>, vector<1x16xf32>,
      %get3A_397 = vector.shape_cast %get3A_396 : vector<1x16xf32> to vector<16xf32>
      %add3A_398 = arith.addf %get3A_393, %get3A_397 : vector<16xf32>
      %swap3A_399 = arith.index_cast %scan3A_138 : i32 to index
      %swap3A_400 = arith.constant 288 : index
      %swap3A_401 = tpu.vector_load %arg6[%swap3A_399, %swap3A_400] {strides = array<i32>} : memref<64x768xf32, #tpu.memory_space<vmem>>, vector<1x16xf32>,
      %swap3A_402 = vector.shape_cast %swap3A_401 : vector<1x16xf32> to vector<16xf32>
      %swap3A_403 = vector.shape_cast %add3A_398 : vector<16xf32> to vector<1x16xf32>
      tpu.vector_store %arg6[%swap3A_399, %swap3A_400], %swap3A_403 {strides = array<i32>} : memref<64x768xf32, #tpu.memory_space<vmem>>, vector<1x16xf32>,
      %get3A_404 = arith.index_cast %scan3A_138 : i32 to index
      %get3A_405 = arith.constant 304 : index
      %get3A_406 = tpu.vector_load %arg6[%get3A_404, %get3A_405] {strides = array<i32>} : memref<64x768xf32, #tpu.memory_space<vmem>>, vector<1x16xf32>,
      %get3A_407 = vector.shape_cast %get3A_406 : vector<1x16xf32> to vector<16xf32>
      %get3A_408 = arith.index_cast %scan3A_138 : i32 to index
      %get3A_409 = arith.constant 304 : index
      %get3A_410 = tpu.vector_load %arg7[%get3A_408, %get3A_409] {strides = array<i32>} : memref<64x768xf32, #tpu.memory_space<vmem>>, vector<1x16xf32>,
      %get3A_411 = vector.shape_cast %get3A_410 : vector<1x16xf32> to vector<16xf32>
      %add3A_412 = arith.addf %get3A_407, %get3A_411 : vector<16xf32>
      %swap3A_413 = arith.index_cast %scan3A_138 : i32 to index
      %swap3A_414 = arith.constant 304 : index
      %swap3A_415 = tpu.vector_load %arg6[%swap3A_413, %swap3A_414] {strides = array<i32>} : memref<64x768xf32, #tpu.memory_space<vmem>>, vector<1x16xf32>,
      %swap3A_416 = vector.shape_cast %swap3A_415 : vector<1x16xf32> to vector<16xf32>
      %swap3A_417 = vector.shape_cast %add3A_412 : vector<16xf32> to vector<1x16xf32>
      tpu.vector_store %arg6[%swap3A_413, %swap3A_414], %swap3A_417 {strides = array<i32>} : memref<64x768xf32, #tpu.memory_space<vmem>>, vector<1x16xf32>,
      %get3A_418 = arith.index_cast %scan3A_138 : i32 to index
      %get3A_419 = arith.constant 320 : index
      %get3A_420 = tpu.vector_load %arg6[%get3A_418, %get3A_419] {strides = array<i32>} : memref<64x768xf32, #tpu.memory_space<vmem>>, vector<1x16xf32>,
      %get3A_421 = vector.shape_cast %get3A_420 : vector<1x16xf32> to vector<16xf32>
      %get3A_422 = arith.index_cast %scan3A_138 : i32 to index
      %get3A_423 = arith.constant 320 : index
      %get3A_424 = tpu.vector_load %arg7[%get3A_422, %get3A_423] {strides = array<i32>} : memref<64x768xf32, #tpu.memory_space<vmem>>, vector<1x16xf32>,
      %get3A_425 = vector.shape_cast %get3A_424 : vector<1x16xf32> to vector<16xf32>
      %add3A_426 = arith.addf %get3A_421, %get3A_425 : vector<16xf32>
      %swap3A_427 = arith.index_cast %scan3A_138 : i32 to index
      %swap3A_428 = arith.constant 320 : index
      %swap3A_429 = tpu.vector_load %arg6[%swap3A_427, %swap3A_428] {strides = array<i32>} : memref<64x768xf32, #tpu.memory_space<vmem>>, vector<1x16xf32>,
      %swap3A_430 = vector.shape_cast %swap3A_429 : vector<1x16xf32> to vector<16xf32>
      %swap3A_431 = vector.shape_cast %add3A_426 : vector<16xf32> to vector<1x16xf32>
      tpu.vector_store %arg6[%swap3A_427, %swap3A_428], %swap3A_431 {strides = array<i32>} : memref<64x768xf32, #tpu.memory_space<vmem>>, vector<1x16xf32>,
      %get3A_432 = arith.index_cast %scan3A_138 : i32 to index
      %get3A_433 = arith.constant 336 : index
      %get3A_434 = tpu.vector_load %arg6[%get3A_432, %get3A_433] {strides = array<i32>} : memref<64x768xf32, #tpu.memory_space<vmem>>, vector<1x16xf32>,
      %get3A_435 = vector.shape_cast %get3A_434 : vector<1x16xf32> to vector<16xf32>
      %get3A_436 = arith.index_cast %scan3A_138 : i32 to index
      %get3A_437 = arith.constant 336 : index
      %get3A_438 = tpu.vector_load %arg7[%get3A_436, %get3A_437] {strides = array<i32>} : memref<64x768xf32, #tpu.memory_space<vmem>>, vector<1x16xf32>,
      %get3A_439 = vector.shape_cast %get3A_438 : vector<1x16xf32> to vector<16xf32>
      %add3A_440 = arith.addf %get3A_435, %get3A_439 : vector<16xf32>
      %swap3A_441 = arith.index_cast %scan3A_138 : i32 to index
      %swap3A_442 = arith.constant 336 : index
      %swap3A_443 = tpu.vector_load %arg6[%swap3A_441, %swap3A_442] {strides = array<i32>} : memref<64x768xf32, #tpu.memory_space<vmem>>, vector<1x16xf32>,
      %swap3A_444 = vector.shape_cast %swap3A_443 : vector<1x16xf32> to vector<16xf32>
      %swap3A_445 = vector.shape_cast %add3A_440 : vector<16xf32> to vector<1x16xf32>
      tpu.vector_store %arg6[%swap3A_441, %swap3A_442], %swap3A_445 {strides = array<i32>} : memref<64x768xf32, #tpu.memory_space<vmem>>, vector<1x16xf32>,
      %get3A_446 = arith.index_cast %scan3A_138 : i32 to index
      %get3A_447 = arith.constant 352 : index
      %get3A_448 = tpu.vector_load %arg6[%get3A_446, %get3A_447] {strides = array<i32>} : memref<64x768xf32, #tpu.memory_space<vmem>>, vector<1x16xf32>,
      %get3A_449 = vector.shape_cast %get3A_448 : vector<1x16xf32> to vector<16xf32>
      %get3A_450 = arith.index_cast %scan3A_138 : i32 to index
      %get3A_451 = arith.constant 352 : index
      %get3A_452 = tpu.vector_load %arg7[%get3A_450, %get3A_451] {strides = array<i32>} : memref<64x768xf32, #tpu.memory_space<vmem>>, vector<1x16xf32>,
      %get3A_453 = vector.shape_cast %get3A_452 : vector<1x16xf32> to vector<16xf32>
      %add3A_454 = arith.addf %get3A_449, %get3A_453 : vector<16xf32>
      %swap3A_455 = arith.index_cast %scan3A_138 : i32 to index
      %swap3A_456 = arith.constant 352 : index
      %swap3A_457 = tpu.vector_load %arg6[%swap3A_455, %swap3A_456] {strides = array<i32>} : memref<64x768xf32, #tpu.memory_space<vmem>>, vector<1x16xf32>,
      %swap3A_458 = vector.shape_cast %swap3A_457 : vector<1x16xf32> to vector<16xf32>
      %swap3A_459 = vector.shape_cast %add3A_454 : vector<16xf32> to vector<1x16xf32>
      tpu.vector_store %arg6[%swap3A_455, %swap3A_456], %swap3A_459 {strides = array<i32>} : memref<64x768xf32, #tpu.memory_space<vmem>>, vector<1x16xf32>,
      %get3A_460 = arith.index_cast %scan3A_138 : i32 to index
      %get3A_461 = arith.constant 368 : index
      %get3A_462 = tpu.vector_load %arg6[%get3A_460, %get3A_461] {strides = array<i32>} : memref<64x768xf32, #tpu.memory_space<vmem>>, vector<1x16xf32>,
      %get3A_463 = vector.shape_cast %get3A_462 : vector<1x16xf32> to vector<16xf32>
      %get3A_464 = arith.index_cast %scan3A_138 : i32 to index
      %get3A_465 = arith.constant 368 : index
      %get3A_466 = tpu.vector_load %arg7[%get3A_464, %get3A_465] {strides = array<i32>} : memref<64x768xf32, #tpu.memory_space<vmem>>, vector<1x16xf32>,
      %get3A_467 = vector.shape_cast %get3A_466 : vector<1x16xf32> to vector<16xf32>
      %add3A_468 = arith.addf %get3A_463, %get3A_467 : vector<16xf32>
      %swap3A_469 = arith.index_cast %scan3A_138 : i32 to index
      %swap3A_470 = arith.constant 368 : index
      %swap3A_471 = tpu.vector_load %arg6[%swap3A_469, %swap3A_470] {strides = array<i32>} : memref<64x768xf32, #tpu.memory_space<vmem>>, vector<1x16xf32>,
      %swap3A_472 = vector.shape_cast %swap3A_471 : vector<1x16xf32> to vector<16xf32>
      %swap3A_473 = vector.shape_cast %add3A_468 : vector<16xf32> to vector<1x16xf32>
      tpu.vector_store %arg6[%swap3A_469, %swap3A_470], %swap3A_473 {strides = array<i32>} : memref<64x768xf32, #tpu.memory_space<vmem>>, vector<1x16xf32>,
      %get3A_474 = arith.index_cast %scan3A_138 : i32 to index
      %get3A_475 = arith.constant 384 : index
      %get3A_476 = tpu.vector_load %arg6[%get3A_474, %get3A_475] {strides = array<i32>} : memref<64x768xf32, #tpu.memory_space<vmem>>, vector<1x16xf32>,
      %get3A_477 = vector.shape_cast %get3A_476 : vector<1x16xf32> to vector<16xf32>
      %get3A_478 = arith.index_cast %scan3A_138 : i32 to index
      %get3A_479 = arith.constant 384 : index
      %get3A_480 = tpu.vector_load %arg7[%get3A_478, %get3A_479] {strides = array<i32>} : memref<64x768xf32, #tpu.memory_space<vmem>>, vector<1x16xf32>,
      %get3A_481 = vector.shape_cast %get3A_480 : vector<1x16xf32> to vector<16xf32>
      %add3A_482 = arith.addf %get3A_477, %get3A_481 : vector<16xf32>
      %swap3A_483 = arith.index_cast %scan3A_138 : i32 to index
      %swap3A_484 = arith.constant 384 : index
      %swap3A_485 = tpu.vector_load %arg6[%swap3A_483, %swap3A_484] {strides = array<i32>} : memref<64x768xf32, #tpu.memory_space<vmem>>, vector<1x16xf32>,
      %swap3A_486 = vector.shape_cast %swap3A_485 : vector<1x16xf32> to vector<16xf32>
      %swap3A_487 = vector.shape_cast %add3A_482 : vector<16xf32> to vector<1x16xf32>
      tpu.vector_store %arg6[%swap3A_483, %swap3A_484], %swap3A_487 {strides = array<i32>} : memref<64x768xf32, #tpu.memory_space<vmem>>, vector<1x16xf32>,
      %get3A_488 = arith.index_cast %scan3A_138 : i32 to index
      %get3A_489 = arith.constant 400 : index
      %get3A_490 = tpu.vector_load %arg6[%get3A_488, %get3A_489] {strides = array<i32>} : memref<64x768xf32, #tpu.memory_space<vmem>>, vector<1x16xf32>,
      %get3A_491 = vector.shape_cast %get3A_490 : vector<1x16xf32> to vector<16xf32>
      %get3A_492 = arith.index_cast %scan3A_138 : i32 to index
      %get3A_493 = arith.constant 400 : index
      %get3A_494 = tpu.vector_load %arg7[%get3A_492, %get3A_493] {strides = array<i32>} : memref<64x768xf32, #tpu.memory_space<vmem>>, vector<1x16xf32>,
      %get3A_495 = vector.shape_cast %get3A_494 : vector<1x16xf32> to vector<16xf32>
      %add3A_496 = arith.addf %get3A_491, %get3A_495 : vector<16xf32>
      %swap3A_497 = arith.index_cast %scan3A_138 : i32 to index
      %swap3A_498 = arith.constant 400 : index
      %swap3A_499 = tpu.vector_load %arg6[%swap3A_497, %swap3A_498] {strides = array<i32>} : memref<64x768xf32, #tpu.memory_space<vmem>>, vector<1x16xf32>,
      %swap3A_500 = vector.shape_cast %swap3A_499 : vector<1x16xf32> to vector<16xf32>
      %swap3A_501 = vector.shape_cast %add3A_496 : vector<16xf32> to vector<1x16xf32>
      tpu.vector_store %arg6[%swap3A_497, %swap3A_498], %swap3A_501 {strides = array<i32>} : memref<64x768xf32, #tpu.memory_space<vmem>>, vector<1x16xf32>,
      %get3A_502 = arith.index_cast %scan3A_138 : i32 to index
      %get3A_503 = arith.constant 416 : index
      %get3A_504 = tpu.vector_load %arg6[%get3A_502, %get3A_503] {strides = array<i32>} : memref<64x768xf32, #tpu.memory_space<vmem>>, vector<1x16xf32>,
      %get3A_505 = vector.shape_cast %get3A_504 : vector<1x16xf32> to vector<16xf32>
      %get3A_506 = arith.index_cast %scan3A_138 : i32 to index
      %get3A_507 = arith.constant 416 : index
      %get3A_508 = tpu.vector_load %arg7[%get3A_506, %get3A_507] {strides = array<i32>} : memref<64x768xf32, #tpu.memory_space<vmem>>, vector<1x16xf32>,
      %get3A_509 = vector.shape_cast %get3A_508 : vector<1x16xf32> to vector<16xf32>
      %add3A_510 = arith.addf %get3A_505, %get3A_509 : vector<16xf32>
      %swap3A_511 = arith.index_cast %scan3A_138 : i32 to index
      %swap3A_512 = arith.constant 416 : index
      %swap3A_513 = tpu.vector_load %arg6[%swap3A_511, %swap3A_512] {strides = array<i32>} : memref<64x768xf32, #tpu.memory_space<vmem>>, vector<1x16xf32>,
      %swap3A_514 = vector.shape_cast %swap3A_513 : vector<1x16xf32> to vector<16xf32>
      %swap3A_515 = vector.shape_cast %add3A_510 : vector<16xf32> to vector<1x16xf32>
      tpu.vector_store %arg6[%swap3A_511, %swap3A_512], %swap3A_515 {strides = array<i32>} : memref<64x768xf32, #tpu.memory_space<vmem>>, vector<1x16xf32>,
      %get3A_516 = arith.index_cast %scan3A_138 : i32 to index
      %get3A_517 = arith.constant 432 : index
      %get3A_518 = tpu.vector_load %arg6[%get3A_516, %get3A_517] {strides = array<i32>} : memref<64x768xf32, #tpu.memory_space<vmem>>, vector<1x16xf32>,
      %get3A_519 = vector.shape_cast %get3A_518 : vector<1x16xf32> to vector<16xf32>
      %get3A_520 = arith.index_cast %scan3A_138 : i32 to index
      %get3A_521 = arith.constant 432 : index
      %get3A_522 = tpu.vector_load %arg7[%get3A_520, %get3A_521] {strides = array<i32>} : memref<64x768xf32, #tpu.memory_space<vmem>>, vector<1x16xf32>,
      %get3A_523 = vector.shape_cast %get3A_522 : vector<1x16xf32> to vector<16xf32>
      %add3A_524 = arith.addf %get3A_519, %get3A_523 : vector<16xf32>
      %swap3A_525 = arith.index_cast %scan3A_138 : i32 to index
      %swap3A_526 = arith.constant 432 : index
      %swap3A_527 = tpu.vector_load %arg6[%swap3A_525, %swap3A_526] {strides = array<i32>} : memref<64x768xf32, #tpu.memory_space<vmem>>, vector<1x16xf32>,
      %swap3A_528 = vector.shape_cast %swap3A_527 : vector<1x16xf32> to vector<16xf32>
      %swap3A_529 = vector.shape_cast %add3A_524 : vector<16xf32> to vector<1x16xf32>
      tpu.vector_store %arg6[%swap3A_525, %swap3A_526], %swap3A_529 {strides = array<i32>} : memref<64x768xf32, #tpu.memory_space<vmem>>, vector<1x16xf32>,
      %get3A_530 = arith.index_cast %scan3A_138 : i32 to index
      %get3A_531 = arith.constant 448 : index
      %get3A_532 = tpu.vector_load %arg6[%get3A_530, %get3A_531] {strides = array<i32>} : memref<64x768xf32, #tpu.memory_space<vmem>>, vector<1x16xf32>,
      %get3A_533 = vector.shape_cast %get3A_532 : vector<1x16xf32> to vector<16xf32>
      %get3A_534 = arith.index_cast %scan3A_138 : i32 to index
      %get3A_535 = arith.constant 448 : index
      %get3A_536 = tpu.vector_load %arg7[%get3A_534, %get3A_535] {strides = array<i32>} : memref<64x768xf32, #tpu.memory_space<vmem>>, vector<1x16xf32>,
      %get3A_537 = vector.shape_cast %get3A_536 : vector<1x16xf32> to vector<16xf32>
      %add3A_538 = arith.addf %get3A_533, %get3A_537 : vector<16xf32>
      %swap3A_539 = arith.index_cast %scan3A_138 : i32 to index
      %swap3A_540 = arith.constant 448 : index
      %swap3A_541 = tpu.vector_load %arg6[%swap3A_539, %swap3A_540] {strides = array<i32>} : memref<64x768xf32, #tpu.memory_space<vmem>>, vector<1x16xf32>,
      %swap3A_542 = vector.shape_cast %swap3A_541 : vector<1x16xf32> to vector<16xf32>
      %swap3A_543 = vector.shape_cast %add3A_538 : vector<16xf32> to vector<1x16xf32>
      tpu.vector_store %arg6[%swap3A_539, %swap3A_540], %swap3A_543 {strides = array<i32>} : memref<64x768xf32, #tpu.memory_space<vmem>>, vector<1x16xf32>,
      %get3A_544 = arith.index_cast %scan3A_138 : i32 to index
      %get3A_545 = arith.constant 464 : index
      %get3A_546 = tpu.vector_load %arg6[%get3A_544, %get3A_545] {strides = array<i32>} : memref<64x768xf32, #tpu.memory_space<vmem>>, vector<1x16xf32>,
      %get3A_547 = vector.shape_cast %get3A_546 : vector<1x16xf32> to vector<16xf32>
      %get3A_548 = arith.index_cast %scan3A_138 : i32 to index
      %get3A_549 = arith.constant 464 : index
      %get3A_550 = tpu.vector_load %arg7[%get3A_548, %get3A_549] {strides = array<i32>} : memref<64x768xf32, #tpu.memory_space<vmem>>, vector<1x16xf32>,
      %get3A_551 = vector.shape_cast %get3A_550 : vector<1x16xf32> to vector<16xf32>
      %add3A_552 = arith.addf %get3A_547, %get3A_551 : vector<16xf32>
      %swap3A_553 = arith.index_cast %scan3A_138 : i32 to index
      %swap3A_554 = arith.constant 464 : index
      %swap3A_555 = tpu.vector_load %arg6[%swap3A_553, %swap3A_554] {strides = array<i32>} : memref<64x768xf32, #tpu.memory_space<vmem>>, vector<1x16xf32>,
      %swap3A_556 = vector.shape_cast %swap3A_555 : vector<1x16xf32> to vector<16xf32>
      %swap3A_557 = vector.shape_cast %add3A_552 : vector<16xf32> to vector<1x16xf32>
      tpu.vector_store %arg6[%swap3A_553, %swap3A_554], %swap3A_557 {strides = array<i32>} : memref<64x768xf32, #tpu.memory_space<vmem>>, vector<1x16xf32>,
      %get3A_558 = arith.index_cast %scan3A_138 : i32 to index
      %get3A_559 = arith.constant 480 : index
      %get3A_560 = tpu.vector_load %arg6[%get3A_558, %get3A_559] {strides = array<i32>} : memref<64x768xf32, #tpu.memory_space<vmem>>, vector<1x16xf32>,
      %get3A_561 = vector.shape_cast %get3A_560 : vector<1x16xf32> to vector<16xf32>
      %get3A_562 = arith.index_cast %scan3A_138 : i32 to index
      %get3A_563 = arith.constant 480 : index
      %get3A_564 = tpu.vector_load %arg7[%get3A_562, %get3A_563] {strides = array<i32>} : memref<64x768xf32, #tpu.memory_space<vmem>>, vector<1x16xf32>,
      %get3A_565 = vector.shape_cast %get3A_564 : vector<1x16xf32> to vector<16xf32>
      %add3A_566 = arith.addf %get3A_561, %get3A_565 : vector<16xf32>
      %swap3A_567 = arith.index_cast %scan3A_138 : i32 to index
      %swap3A_568 = arith.constant 480 : index
      %swap3A_569 = tpu.vector_load %arg6[%swap3A_567, %swap3A_568] {strides = array<i32>} : memref<64x768xf32, #tpu.memory_space<vmem>>, vector<1x16xf32>,
      %swap3A_570 = vector.shape_cast %swap3A_569 : vector<1x16xf32> to vector<16xf32>
      %swap3A_571 = vector.shape_cast %add3A_566 : vector<16xf32> to vector<1x16xf32>
      tpu.vector_store %arg6[%swap3A_567, %swap3A_568], %swap3A_571 {strides = array<i32>} : memref<64x768xf32, #tpu.memory_space<vmem>>, vector<1x16xf32>,
      %get3A_572 = arith.index_cast %scan3A_138 : i32 to index
      %get3A_573 = arith.constant 496 : index
      %get3A_574 = tpu.vector_load %arg6[%get3A_572, %get3A_573] {strides = array<i32>} : memref<64x768xf32, #tpu.memory_space<vmem>>, vector<1x16xf32>,
      %get3A_575 = vector.shape_cast %get3A_574 : vector<1x16xf32> to vector<16xf32>
      %get3A_576 = arith.index_cast %scan3A_138 : i32 to index
      %get3A_577 = arith.constant 496 : index
      %get3A_578 = tpu.vector_load %arg7[%get3A_576, %get3A_577] {strides = array<i32>} : memref<64x768xf32, #tpu.memory_space<vmem>>, vector<1x16xf32>,
      %get3A_579 = vector.shape_cast %get3A_578 : vector<1x16xf32> to vector<16xf32>
      %add3A_580 = arith.addf %get3A_575, %get3A_579 : vector<16xf32>
      %swap3A_581 = arith.index_cast %scan3A_138 : i32 to index
      %swap3A_582 = arith.constant 496 : index
      %swap3A_583 = tpu.vector_load %arg6[%swap3A_581, %swap3A_582] {strides = array<i32>} : memref<64x768xf32, #tpu.memory_space<vmem>>, vector<1x16xf32>,
      %swap3A_584 = vector.shape_cast %swap3A_583 : vector<1x16xf32> to vector<16xf32>
      %swap3A_585 = vector.shape_cast %add3A_580 : vector<16xf32> to vector<1x16xf32>
      tpu.vector_store %arg6[%swap3A_581, %swap3A_582], %swap3A_585 {strides = array<i32>} : memref<64x768xf32, #tpu.memory_space<vmem>>, vector<1x16xf32>,
      %get3A_586 = arith.index_cast %scan3A_138 : i32 to index
      %get3A_587 = arith.constant 512 : index
      %get3A_588 = tpu.vector_load %arg6[%get3A_586, %get3A_587] {strides = array<i32>} : memref<64x768xf32, #tpu.memory_space<vmem>>, vector<1x16xf32>,
      %get3A_589 = vector.shape_cast %get3A_588 : vector<1x16xf32> to vector<16xf32>
      %get3A_590 = arith.index_cast %scan3A_138 : i32 to index
      %get3A_591 = arith.constant 512 : index
      %get3A_592 = tpu.vector_load %arg7[%get3A_590, %get3A_591] {strides = array<i32>} : memref<64x768xf32, #tpu.memory_space<vmem>>, vector<1x16xf32>,
      %get3A_593 = vector.shape_cast %get3A_592 : vector<1x16xf32> to vector<16xf32>
      %add3A_594 = arith.addf %get3A_589, %get3A_593 : vector<16xf32>
      %swap3A_595 = arith.index_cast %scan3A_138 : i32 to index
      %swap3A_596 = arith.constant 512 : index
      %swap3A_597 = tpu.vector_load %arg6[%swap3A_595, %swap3A_596] {strides = array<i32>} : memref<64x768xf32, #tpu.memory_space<vmem>>, vector<1x16xf32>,
      %swap3A_598 = vector.shape_cast %swap3A_597 : vector<1x16xf32> to vector<16xf32>
      %swap3A_599 = vector.shape_cast %add3A_594 : vector<16xf32> to vector<1x16xf32>
      tpu.vector_store %arg6[%swap3A_595, %swap3A_596], %swap3A_599 {strides = array<i32>} : memref<64x768xf32, #tpu.memory_space<vmem>>, vector<1x16xf32>,
      %get3A_600 = arith.index_cast %scan3A_138 : i32 to index
      %get3A_601 = arith.constant 528 : index
      %get3A_602 = tpu.vector_load %arg6[%get3A_600, %get3A_601] {strides = array<i32>} : memref<64x768xf32, #tpu.memory_space<vmem>>, vector<1x16xf32>,
      %get3A_603 = vector.shape_cast %get3A_602 : vector<1x16xf32> to vector<16xf32>
      %get3A_604 = arith.index_cast %scan3A_138 : i32 to index
      %get3A_605 = arith.constant 528 : index
      %get3A_606 = tpu.vector_load %arg7[%get3A_604, %get3A_605] {strides = array<i32>} : memref<64x768xf32, #tpu.memory_space<vmem>>, vector<1x16xf32>,
      %get3A_607 = vector.shape_cast %get3A_606 : vector<1x16xf32> to vector<16xf32>
      %add3A_608 = arith.addf %get3A_603, %get3A_607 : vector<16xf32>
      %swap3A_609 = arith.index_cast %scan3A_138 : i32 to index
      %swap3A_610 = arith.constant 528 : index
      %swap3A_611 = tpu.vector_load %arg6[%swap3A_609, %swap3A_610] {strides = array<i32>} : memref<64x768xf32, #tpu.memory_space<vmem>>, vector<1x16xf32>,
      %swap3A_612 = vector.shape_cast %swap3A_611 : vector<1x16xf32> to vector<16xf32>
      %swap3A_613 = vector.shape_cast %add3A_608 : vector<16xf32> to vector<1x16xf32>
      tpu.vector_store %arg6[%swap3A_609, %swap3A_610], %swap3A_613 {strides = array<i32>} : memref<64x768xf32, #tpu.memory_space<vmem>>, vector<1x16xf32>,
      %get3A_614 = arith.index_cast %scan3A_138 : i32 to index
      %get3A_615 = arith.constant 544 : index
      %get3A_616 = tpu.vector_load %arg6[%get3A_614, %get3A_615] {strides = array<i32>} : memref<64x768xf32, #tpu.memory_space<vmem>>, vector<1x16xf32>,
      %get3A_617 = vector.shape_cast %get3A_616 : vector<1x16xf32> to vector<16xf32>
      %get3A_618 = arith.index_cast %scan3A_138 : i32 to index
      %get3A_619 = arith.constant 544 : index
      %get3A_620 = tpu.vector_load %arg7[%get3A_618, %get3A_619] {strides = array<i32>} : memref<64x768xf32, #tpu.memory_space<vmem>>, vector<1x16xf32>,
      %get3A_621 = vector.shape_cast %get3A_620 : vector<1x16xf32> to vector<16xf32>
      %add3A_622 = arith.addf %get3A_617, %get3A_621 : vector<16xf32>
      %swap3A_623 = arith.index_cast %scan3A_138 : i32 to index
      %swap3A_624 = arith.constant 544 : index
      %swap3A_625 = tpu.vector_load %arg6[%swap3A_623, %swap3A_624] {strides = array<i32>} : memref<64x768xf32, #tpu.memory_space<vmem>>, vector<1x16xf32>,
      %swap3A_626 = vector.shape_cast %swap3A_625 : vector<1x16xf32> to vector<16xf32>
      %swap3A_627 = vector.shape_cast %add3A_622 : vector<16xf32> to vector<1x16xf32>
      tpu.vector_store %arg6[%swap3A_623, %swap3A_624], %swap3A_627 {strides = array<i32>} : memref<64x768xf32, #tpu.memory_space<vmem>>, vector<1x16xf32>,
      %get3A_628 = arith.index_cast %scan3A_138 : i32 to index
      %get3A_629 = arith.constant 560 : index
      %get3A_630 = tpu.vector_load %arg6[%get3A_628, %get3A_629] {strides = array<i32>} : memref<64x768xf32, #tpu.memory_space<vmem>>, vector<1x16xf32>,
      %get3A_631 = vector.shape_cast %get3A_630 : vector<1x16xf32> to vector<16xf32>
      %get3A_632 = arith.index_cast %scan3A_138 : i32 to index
      %get3A_633 = arith.constant 560 : index
      %get3A_634 = tpu.vector_load %arg7[%get3A_632, %get3A_633] {strides = array<i32>} : memref<64x768xf32, #tpu.memory_space<vmem>>, vector<1x16xf32>,
      %get3A_635 = vector.shape_cast %get3A_634 : vector<1x16xf32> to vector<16xf32>
      %add3A_636 = arith.addf %get3A_631, %get3A_635 : vector<16xf32>
      %swap3A_637 = arith.index_cast %scan3A_138 : i32 to index
      %swap3A_638 = arith.constant 560 : index
      %swap3A_639 = tpu.vector_load %arg6[%swap3A_637, %swap3A_638] {strides = array<i32>} : memref<64x768xf32, #tpu.memory_space<vmem>>, vector<1x16xf32>,
      %swap3A_640 = vector.shape_cast %swap3A_639 : vector<1x16xf32> to vector<16xf32>
      %swap3A_641 = vector.shape_cast %add3A_636 : vector<16xf32> to vector<1x16xf32>
      tpu.vector_store %arg6[%swap3A_637, %swap3A_638], %swap3A_641 {strides = array<i32>} : memref<64x768xf32, #tpu.memory_space<vmem>>, vector<1x16xf32>,
      %get3A_642 = arith.index_cast %scan3A_138 : i32 to index
      %get3A_643 = arith.constant 576 : index
      %get3A_644 = tpu.vector_load %arg6[%get3A_642, %get3A_643] {strides = array<i32>} : memref<64x768xf32, #tpu.memory_space<vmem>>, vector<1x16xf32>,
      %get3A_645 = vector.shape_cast %get3A_644 : vector<1x16xf32> to vector<16xf32>
      %get3A_646 = arith.index_cast %scan3A_138 : i32 to index
      %get3A_647 = arith.constant 576 : index
      %get3A_648 = tpu.vector_load %arg7[%get3A_646, %get3A_647] {strides = array<i32>} : memref<64x768xf32, #tpu.memory_space<vmem>>, vector<1x16xf32>,
      %get3A_649 = vector.shape_cast %get3A_648 : vector<1x16xf32> to vector<16xf32>
      %add3A_650 = arith.addf %get3A_645, %get3A_649 : vector<16xf32>
      %swap3A_651 = arith.index_cast %scan3A_138 : i32 to index
      %swap3A_652 = arith.constant 576 : index
      %swap3A_653 = tpu.vector_load %arg6[%swap3A_651, %swap3A_652] {strides = array<i32>} : memref<64x768xf32, #tpu.memory_space<vmem>>, vector<1x16xf32>,
      %swap3A_654 = vector.shape_cast %swap3A_653 : vector<1x16xf32> to vector<16xf32>
      %swap3A_655 = vector.shape_cast %add3A_650 : vector<16xf32> to vector<1x16xf32>
      tpu.vector_store %arg6[%swap3A_651, %swap3A_652], %swap3A_655 {strides = array<i32>} : memref<64x768xf32, #tpu.memory_space<vmem>>, vector<1x16xf32>,
      %get3A_656 = arith.index_cast %scan3A_138 : i32 to index
      %get3A_657 = arith.constant 592 : index
      %get3A_658 = tpu.vector_load %arg6[%get3A_656, %get3A_657] {strides = array<i32>} : memref<64x768xf32, #tpu.memory_space<vmem>>, vector<1x16xf32>,
      %get3A_659 = vector.shape_cast %get3A_658 : vector<1x16xf32> to vector<16xf32>
      %get3A_660 = arith.index_cast %scan3A_138 : i32 to index
      %get3A_661 = arith.constant 592 : index
      %get3A_662 = tpu.vector_load %arg7[%get3A_660, %get3A_661] {strides = array<i32>} : memref<64x768xf32, #tpu.memory_space<vmem>>, vector<1x16xf32>,
      %get3A_663 = vector.shape_cast %get3A_662 : vector<1x16xf32> to vector<16xf32>
      %add3A_664 = arith.addf %get3A_659, %get3A_663 : vector<16xf32>
      %swap3A_665 = arith.index_cast %scan3A_138 : i32 to index
      %swap3A_666 = arith.constant 592 : index
      %swap3A_667 = tpu.vector_load %arg6[%swap3A_665, %swap3A_666] {strides = array<i32>} : memref<64x768xf32, #tpu.memory_space<vmem>>, vector<1x16xf32>,
      %swap3A_668 = vector.shape_cast %swap3A_667 : vector<1x16xf32> to vector<16xf32>
      %swap3A_669 = vector.shape_cast %add3A_664 : vector<16xf32> to vector<1x16xf32>
      tpu.vector_store %arg6[%swap3A_665, %swap3A_666], %swap3A_669 {strides = array<i32>} : memref<64x768xf32, #tpu.memory_space<vmem>>, vector<1x16xf32>,
      %get3A_670 = arith.index_cast %scan3A_138 : i32 to index
      %get3A_671 = arith.constant 608 : index
      %get3A_672 = tpu.vector_load %arg6[%get3A_670, %get3A_671] {strides = array<i32>} : memref<64x768xf32, #tpu.memory_space<vmem>>, vector<1x16xf32>,
      %get3A_673 = vector.shape_cast %get3A_672 : vector<1x16xf32> to vector<16xf32>
      %get3A_674 = arith.index_cast %scan3A_138 : i32 to index
      %get3A_675 = arith.constant 608 : index
      %get3A_676 = tpu.vector_load %arg7[%get3A_674, %get3A_675] {strides = array<i32>} : memref<64x768xf32, #tpu.memory_space<vmem>>, vector<1x16xf32>,
      %get3A_677 = vector.shape_cast %get3A_676 : vector<1x16xf32> to vector<16xf32>
      %add3A_678 = arith.addf %get3A_673, %get3A_677 : vector<16xf32>
      %swap3A_679 = arith.index_cast %scan3A_138 : i32 to index
      %swap3A_680 = arith.constant 608 : index
      %swap3A_681 = tpu.vector_load %arg6[%swap3A_679, %swap3A_680] {strides = array<i32>} : memref<64x768xf32, #tpu.memory_space<vmem>>, vector<1x16xf32>,
      %swap3A_682 = vector.shape_cast %swap3A_681 : vector<1x16xf32> to vector<16xf32>
      %swap3A_683 = vector.shape_cast %add3A_678 : vector<16xf32> to vector<1x16xf32>
      tpu.vector_store %arg6[%swap3A_679, %swap3A_680], %swap3A_683 {strides = array<i32>} : memref<64x768xf32, #tpu.memory_space<vmem>>, vector<1x16xf32>,
      %get3A_684 = arith.index_cast %scan3A_138 : i32 to index
      %get3A_685 = arith.constant 624 : index
      %get3A_686 = tpu.vector_load %arg6[%get3A_684, %get3A_685] {strides = array<i32>} : memref<64x768xf32, #tpu.memory_space<vmem>>, vector<1x16xf32>,
      %get3A_687 = vector.shape_cast %get3A_686 : vector<1x16xf32> to vector<16xf32>
      %get3A_688 = arith.index_cast %scan3A_138 : i32 to index
      %get3A_689 = arith.constant 624 : index
      %get3A_690 = tpu.vector_load %arg7[%get3A_688, %get3A_689] {strides = array<i32>} : memref<64x768xf32, #tpu.memory_space<vmem>>, vector<1x16xf32>,
      %get3A_691 = vector.shape_cast %get3A_690 : vector<1x16xf32> to vector<16xf32>
      %add3A_692 = arith.addf %get3A_687, %get3A_691 : vector<16xf32>
      %swap3A_693 = arith.index_cast %scan3A_138 : i32 to index
      %swap3A_694 = arith.constant 624 : index
      %swap3A_695 = tpu.vector_load %arg6[%swap3A_693, %swap3A_694] {strides = array<i32>} : memref<64x768xf32, #tpu.memory_space<vmem>>, vector<1x16xf32>,
      %swap3A_696 = vector.shape_cast %swap3A_695 : vector<1x16xf32> to vector<16xf32>
      %swap3A_697 = vector.shape_cast %add3A_692 : vector<16xf32> to vector<1x16xf32>
      tpu.vector_store %arg6[%swap3A_693, %swap3A_694], %swap3A_697 {strides = array<i32>} : memref<64x768xf32, #tpu.memory_space<vmem>>, vector<1x16xf32>,
      %get3A_698 = arith.index_cast %scan3A_138 : i32 to index
      %get3A_699 = arith.constant 640 : index
      %get3A_700 = tpu.vector_load %arg6[%get3A_698, %get3A_699] {strides = array<i32>} : memref<64x768xf32, #tpu.memory_space<vmem>>, vector<1x16xf32>,
      %get3A_701 = vector.shape_cast %get3A_700 : vector<1x16xf32> to vector<16xf32>
      %get3A_702 = arith.index_cast %scan3A_138 : i32 to index
      %get3A_703 = arith.constant 640 : index
      %get3A_704 = tpu.vector_load %arg7[%get3A_702, %get3A_703] {strides = array<i32>} : memref<64x768xf32, #tpu.memory_space<vmem>>, vector<1x16xf32>,
      %get3A_705 = vector.shape_cast %get3A_704 : vector<1x16xf32> to vector<16xf32>
      %add3A_706 = arith.addf %get3A_701, %get3A_705 : vector<16xf32>
      %swap3A_707 = arith.index_cast %scan3A_138 : i32 to index
      %swap3A_708 = arith.constant 640 : index
      %swap3A_709 = tpu.vector_load %arg6[%swap3A_707, %swap3A_708] {strides = array<i32>} : memref<64x768xf32, #tpu.memory_space<vmem>>, vector<1x16xf32>,
      %swap3A_710 = vector.shape_cast %swap3A_709 : vector<1x16xf32> to vector<16xf32>
      %swap3A_711 = vector.shape_cast %add3A_706 : vector<16xf32> to vector<1x16xf32>
      tpu.vector_store %arg6[%swap3A_707, %swap3A_708], %swap3A_711 {strides = array<i32>} : memref<64x768xf32, #tpu.memory_space<vmem>>, vector<1x16xf32>,
      %get3A_712 = arith.index_cast %scan3A_138 : i32 to index
      %get3A_713 = arith.constant 656 : index
      %get3A_714 = tpu.vector_load %arg6[%get3A_712, %get3A_713] {strides = array<i32>} : memref<64x768xf32, #tpu.memory_space<vmem>>, vector<1x16xf32>,
      %get3A_715 = vector.shape_cast %get3A_714 : vector<1x16xf32> to vector<16xf32>
      %get3A_716 = arith.index_cast %scan3A_138 : i32 to index
      %get3A_717 = arith.constant 656 : index
      %get3A_718 = tpu.vector_load %arg7[%get3A_716, %get3A_717] {strides = array<i32>} : memref<64x768xf32, #tpu.memory_space<vmem>>, vector<1x16xf32>,
      %get3A_719 = vector.shape_cast %get3A_718 : vector<1x16xf32> to vector<16xf32>
      %add3A_720 = arith.addf %get3A_715, %get3A_719 : vector<16xf32>
      %swap3A_721 = arith.index_cast %scan3A_138 : i32 to index
      %swap3A_722 = arith.constant 656 : index
      %swap3A_723 = tpu.vector_load %arg6[%swap3A_721, %swap3A_722] {strides = array<i32>} : memref<64x768xf32, #tpu.memory_space<vmem>>, vector<1x16xf32>,
      %swap3A_724 = vector.shape_cast %swap3A_723 : vector<1x16xf32> to vector<16xf32>
      %swap3A_725 = vector.shape_cast %add3A_720 : vector<16xf32> to vector<1x16xf32>
      tpu.vector_store %arg6[%swap3A_721, %swap3A_722], %swap3A_725 {strides = array<i32>} : memref<64x768xf32, #tpu.memory_space<vmem>>, vector<1x16xf32>,
      %get3A_726 = arith.index_cast %scan3A_138 : i32 to index
      %get3A_727 = arith.constant 672 : index
      %get3A_728 = tpu.vector_load %arg6[%get3A_726, %get3A_727] {strides = array<i32>} : memref<64x768xf32, #tpu.memory_space<vmem>>, vector<1x16xf32>,
      %get3A_729 = vector.shape_cast %get3A_728 : vector<1x16xf32> to vector<16xf32>
      %get3A_730 = arith.index_cast %scan3A_138 : i32 to index
      %get3A_731 = arith.constant 672 : index
      %get3A_732 = tpu.vector_load %arg7[%get3A_730, %get3A_731] {strides = array<i32>} : memref<64x768xf32, #tpu.memory_space<vmem>>, vector<1x16xf32>,
      %get3A_733 = vector.shape_cast %get3A_732 : vector<1x16xf32> to vector<16xf32>
      %add3A_734 = arith.addf %get3A_729, %get3A_733 : vector<16xf32>
      %swap3A_735 = arith.index_cast %scan3A_138 : i32 to index
      %swap3A_736 = arith.constant 672 : index
      %swap3A_737 = tpu.vector_load %arg6[%swap3A_735, %swap3A_736] {strides = array<i32>} : memref<64x768xf32, #tpu.memory_space<vmem>>, vector<1x16xf32>,
      %swap3A_738 = vector.shape_cast %swap3A_737 : vector<1x16xf32> to vector<16xf32>
      %swap3A_739 = vector.shape_cast %add3A_734 : vector<16xf32> to vector<1x16xf32>
      tpu.vector_store %arg6[%swap3A_735, %swap3A_736], %swap3A_739 {strides = array<i32>} : memref<64x768xf32, #tpu.memory_space<vmem>>, vector<1x16xf32>,
      %get3A_740 = arith.index_cast %scan3A_138 : i32 to index
      %get3A_741 = arith.constant 688 : index
      %get3A_742 = tpu.vector_load %arg6[%get3A_740, %get3A_741] {strides = array<i32>} : memref<64x768xf32, #tpu.memory_space<vmem>>, vector<1x16xf32>,
      %get3A_743 = vector.shape_cast %get3A_742 : vector<1x16xf32> to vector<16xf32>
      %get3A_744 = arith.index_cast %scan3A_138 : i32 to index
      %get3A_745 = arith.constant 688 : index
      %get3A_746 = tpu.vector_load %arg7[%get3A_744, %get3A_745] {strides = array<i32>} : memref<64x768xf32, #tpu.memory_space<vmem>>, vector<1x16xf32>,
      %get3A_747 = vector.shape_cast %get3A_746 : vector<1x16xf32> to vector<16xf32>
      %add3A_748 = arith.addf %get3A_743, %get3A_747 : vector<16xf32>
      %swap3A_749 = arith.index_cast %scan3A_138 : i32 to index
      %swap3A_750 = arith.constant 688 : index
      %swap3A_751 = tpu.vector_load %arg6[%swap3A_749, %swap3A_750] {strides = array<i32>} : memref<64x768xf32, #tpu.memory_space<vmem>>, vector<1x16xf32>,
      %swap3A_752 = vector.shape_cast %swap3A_751 : vector<1x16xf32> to vector<16xf32>
      %swap3A_753 = vector.shape_cast %add3A_748 : vector<16xf32> to vector<1x16xf32>
      tpu.vector_store %arg6[%swap3A_749, %swap3A_750], %swap3A_753 {strides = array<i32>} : memref<64x768xf32, #tpu.memory_space<vmem>>, vector<1x16xf32>,
      %get3A_754 = arith.index_cast %scan3A_138 : i32 to index
      %get3A_755 = arith.constant 704 : index
      %get3A_756 = tpu.vector_load %arg6[%get3A_754, %get3A_755] {strides = array<i32>} : memref<64x768xf32, #tpu.memory_space<vmem>>, vector<1x16xf32>,
      %get3A_757 = vector.shape_cast %get3A_756 : vector<1x16xf32> to vector<16xf32>
      %get3A_758 = arith.index_cast %scan3A_138 : i32 to index
      %get3A_759 = arith.constant 704 : index
      %get3A_760 = tpu.vector_load %arg7[%get3A_758, %get3A_759] {strides = array<i32>} : memref<64x768xf32, #tpu.memory_space<vmem>>, vector<1x16xf32>,
      %get3A_761 = vector.shape_cast %get3A_760 : vector<1x16xf32> to vector<16xf32>
      %add3A_762 = arith.addf %get3A_757, %get3A_761 : vector<16xf32>
      %swap3A_763 = arith.index_cast %scan3A_138 : i32 to index
      %swap3A_764 = arith.constant 704 : index
      %swap3A_765 = tpu.vector_load %arg6[%swap3A_763, %swap3A_764] {strides = array<i32>} : memref<64x768xf32, #tpu.memory_space<vmem>>, vector<1x16xf32>,
      %swap3A_766 = vector.shape_cast %swap3A_765 : vector<1x16xf32> to vector<16xf32>
      %swap3A_767 = vector.shape_cast %add3A_762 : vector<16xf32> to vector<1x16xf32>
      tpu.vector_store %arg6[%swap3A_763, %swap3A_764], %swap3A_767 {strides = array<i32>} : memref<64x768xf32, #tpu.memory_space<vmem>>, vector<1x16xf32>,
      %get3A_768 = arith.index_cast %scan3A_138 : i32 to index
      %get3A_769 = arith.constant 720 : index
      %get3A_770 = tpu.vector_load %arg6[%get3A_768, %get3A_769] {strides = array<i32>} : memref<64x768xf32, #tpu.memory_space<vmem>>, vector<1x16xf32>,
      %get3A_771 = vector.shape_cast %get3A_770 : vector<1x16xf32> to vector<16xf32>
      %get3A_772 = arith.index_cast %scan3A_138 : i32 to index
      %get3A_773 = arith.constant 720 : index
      %get3A_774 = tpu.vector_load %arg7[%get3A_772, %get3A_773] {strides = array<i32>} : memref<64x768xf32, #tpu.memory_space<vmem>>, vector<1x16xf32>,
      %get3A_775 = vector.shape_cast %get3A_774 : vector<1x16xf32> to vector<16xf32>
      %add3A_776 = arith.addf %get3A_771, %get3A_775 : vector<16xf32>
      %swap3A_777 = arith.index_cast %scan3A_138 : i32 to index
      %swap3A_778 = arith.constant 720 : index
      %swap3A_779 = tpu.vector_load %arg6[%swap3A_777, %swap3A_778] {strides = array<i32>} : memref<64x768xf32, #tpu.memory_space<vmem>>, vector<1x16xf32>,
      %swap3A_780 = vector.shape_cast %swap3A_779 : vector<1x16xf32> to vector<16xf32>
      %swap3A_781 = vector.shape_cast %add3A_776 : vector<16xf32> to vector<1x16xf32>
      tpu.vector_store %arg6[%swap3A_777, %swap3A_778], %swap3A_781 {strides = array<i32>} : memref<64x768xf32, #tpu.memory_space<vmem>>, vector<1x16xf32>,
      %get3A_782 = arith.index_cast %scan3A_138 : i32 to index
      %get3A_783 = arith.constant 736 : index
      %get3A_784 = tpu.vector_load %arg6[%get3A_782, %get3A_783] {strides = array<i32>} : memref<64x768xf32, #tpu.memory_space<vmem>>, vector<1x16xf32>,
      %get3A_785 = vector.shape_cast %get3A_784 : vector<1x16xf32> to vector<16xf32>
      %get3A_786 = arith.index_cast %scan3A_138 : i32 to index
      %get3A_787 = arith.constant 736 : index
      %get3A_788 = tpu.vector_load %arg7[%get3A_786, %get3A_787] {strides = array<i32>} : memref<64x768xf32, #tpu.memory_space<vmem>>, vector<1x16xf32>,
      %get3A_789 = vector.shape_cast %get3A_788 : vector<1x16xf32> to vector<16xf32>
      %add3A_790 = arith.addf %get3A_785, %get3A_789 : vector<16xf32>
      %swap3A_791 = arith.index_cast %scan3A_138 : i32 to index
      %swap3A_792 = arith.constant 736 : index
      %swap3A_793 = tpu.vector_load %arg6[%swap3A_791, %swap3A_792] {strides = array<i32>} : memref<64x768xf32, #tpu.memory_space<vmem>>, vector<1x16xf32>,
      %swap3A_794 = vector.shape_cast %swap3A_793 : vector<1x16xf32> to vector<16xf32>
      %swap3A_795 = vector.shape_cast %add3A_790 : vector<16xf32> to vector<1x16xf32>
      tpu.vector_store %arg6[%swap3A_791, %swap3A_792], %swap3A_795 {strides = array<i32>} : memref<64x768xf32, #tpu.memory_space<vmem>>, vector<1x16xf32>,
      %get3A_796 = arith.index_cast %scan3A_138 : i32 to index
      %get3A_797 = arith.constant 752 : index
      %get3A_798 = tpu.vector_load %arg6[%get3A_796, %get3A_797] {strides = array<i32>} : memref<64x768xf32, #tpu.memory_space<vmem>>, vector<1x16xf32>,
      %get3A_799 = vector.shape_cast %get3A_798 : vector<1x16xf32> to vector<16xf32>
      %get3A_800 = arith.index_cast %scan3A_138 : i32 to index
      %get3A_801 = arith.constant 752 : index
      %get3A_802 = tpu.vector_load %arg7[%get3A_800, %get3A_801] {strides = array<i32>} : memref<64x768xf32, #tpu.memory_space<vmem>>, vector<1x16xf32>,
      %get3A_803 = vector.shape_cast %get3A_802 : vector<1x16xf32> to vector<16xf32>
      %add3A_804 = arith.addf %get3A_799, %get3A_803 : vector<16xf32>
      %swap3A_805 = arith.index_cast %scan3A_138 : i32 to index
      %swap3A_806 = arith.constant 752 : index
      %swap3A_807 = tpu.vector_load %arg6[%swap3A_805, %swap3A_806] {strides = array<i32>} : memref<64x768xf32, #tpu.memory_space<vmem>>, vector<1x16xf32>,
      %swap3A_808 = vector.shape_cast %swap3A_807 : vector<1x16xf32> to vector<16xf32>
      %swap3A_809 = vector.shape_cast %add3A_804 : vector<16xf32> to vector<1x16xf32>
      tpu.vector_store %arg6[%swap3A_805, %swap3A_806], %swap3A_809 {strides = array<i32>} : memref<64x768xf32, #tpu.memory_space<vmem>>, vector<1x16xf32>,
      %scan3A_810 = arith.constant 0 : i32
      scf.yield %scan3A_810 : i32
    }
    %scan3A_105 = arith.constant 32 : i32
    %add3A_106 = arith.constant 32 : i32
    %add3A_107 = arith.addi %mul3A_2, %add3A_106 : i32
    %dma_start3A_108 = arith.constant 32 : i32
    %dma_start3A_109 = arith.constant 0 : i32
    %dma_start3A_110 = tpu.memref_slice %arg6[%dma_start3A_108, %dma_start3A_109] : memref<64x768xf32, #tpu.memory_space<vmem>> -> memref<32x768xf32, #tpu.memory_space<vmem>>
    %dma_start3A_111 = arith.constant 0 : i32
    %dma_start3A_112 = tpu.memref_slice %arg4[%add3A_107, %dma_start3A_111] : memref<2048x768xf32, #tpu.memory_space<hbm>> -> memref<32x768xf32, #tpu.memory_space<hbm>>
    %dma_start3A_113 = arith.constant 0 : i32
    %dma_start3A_114 = tpu.memref_slice %arg4[%add3A_107, %dma_start3A_113] : memref<2048x768xf32, #tpu.memory_space<hbm>> -> memref<32x768xf32, #tpu.memory_space<hbm>>
    %dma_start3A_115 = arith.constant 32 : i32
    %dma_start3A_116 = arith.constant 0 : i32
    %dma_start3A_117 = tpu.memref_slice %arg6[%dma_start3A_115, %dma_start3A_116] : memref<64x768xf32, #tpu.memory_space<vmem>> -> memref<32x768xf32, #tpu.memory_space<vmem>>
    tpu.enqueue_dma source(%dma_start3A_117 : memref<32x768xf32, #tpu.memory_space<vmem>>) target(%dma_start3A_114 : memref<32x768xf32, #tpu.memory_space<hbm>>) target_semaphore(%arg12 : memref<!tpu.dma_semaphore, #tpu.memory_space<semaphore_mem>>)
    %dma_wait3A_118 = arith.constant 0 : i32
    %dma_wait3A_119 = arith.constant 0 : i32
    %dma_wait3A_120 = tpu.memref_slice %arg6[%dma_wait3A_118, %dma_wait3A_119] : memref<64x768xf32, #tpu.memory_space<vmem>> -> memref<32x768xf32, #tpu.memory_space<vmem>>
    %dma_wait3A_121 = arith.constant 0 : i32
    %dma_wait3A_122 = tpu.memref_slice %arg4[%add3A_68, %dma_wait3A_121] : memref<2048x768xf32, #tpu.memory_space<hbm>> -> memref<32x768xf32, #tpu.memory_space<hbm>>
    %dma_wait3A_123 = arith.constant 0 : i32
    %dma_wait3A_124 = tpu.memref_slice %arg4[%add3A_68, %dma_wait3A_123] : memref<2048x768xf32, #tpu.memory_space<hbm>> -> memref<32x768xf32, #tpu.memory_space<hbm>>
    %dma_wait3A_125 = arith.constant 0 : i32
    %dma_wait3A_126 = arith.constant 0 : i32
    %dma_wait3A_127 = tpu.memref_slice %arg6[%dma_wait3A_125, %dma_wait3A_126] : memref<64x768xf32, #tpu.memory_space<vmem>> -> memref<32x768xf32, #tpu.memory_space<vmem>>
    tpu.wait_dma2 semaphore(%arg12 : memref<!tpu.dma_semaphore, #tpu.memory_space<semaphore_mem>>) src(%dma_wait3A_127 : memref<32x768xf32, #tpu.memory_space<vmem>>) dst(%dma_wait3A_124 : memref<32x768xf32, #tpu.memory_space<hbm>>)
    %dma_wait3A_128 = arith.constant 32 : i32
    %dma_wait3A_129 = arith.constant 0 : i32
    %dma_wait3A_130 = tpu.memref_slice %arg6[%dma_wait3A_128, %dma_wait3A_129] : memref<64x768xf32, #tpu.memory_space<vmem>> -> memref<32x768xf32, #tpu.memory_space<vmem>>
    %dma_wait3A_131 = arith.constant 0 : i32
    %dma_wait3A_132 = tpu.memref_slice %arg4[%add3A_107, %dma_wait3A_131] : memref<2048x768xf32, #tpu.memory_space<hbm>> -> memref<32x768xf32, #tpu.memory_space<hbm>>
    %dma_wait3A_133 = arith.constant 0 : i32
    %dma_wait3A_134 = tpu.memref_slice %arg4[%add3A_107, %dma_wait3A_133] : memref<2048x768xf32, #tpu.memory_space<hbm>> -> memref<32x768xf32, #tpu.memory_space<hbm>>
    %dma_wait3A_135 = arith.constant 32 : i32
    %dma_wait3A_136 = arith.constant 0 : i32
    %dma_wait3A_137 = tpu.memref_slice %arg6[%dma_wait3A_135, %dma_wait3A_136] : memref<64x768xf32, #tpu.memory_space<vmem>> -> memref<32x768xf32, #tpu.memory_space<vmem>>
    tpu.wait_dma2 semaphore(%arg12 : memref<!tpu.dma_semaphore, #tpu.memory_space<semaphore_mem>>) src(%dma_wait3A_137 : memref<32x768xf32, #tpu.memory_space<vmem>>) dst(%dma_wait3A_134 : memref<32x768xf32, #tpu.memory_space<hbm>>)
    return
  }
}

#map = affine_map<(d0, d1) -> (0, 0)>
#map1 = affine_map<(d0, d1) -> (0, 0, 0)>
module attributes {stable_mosaic.version = 14 : i64} {
  func.func @k(%arg0: i32, %arg1: i32, %arg2: memref<2048x768xf32, #tpu.memory_space<hbm>>, %arg3: memref<32x2x64xi32, #tpu.memory_space<hbm>>, %arg4: memref<6144x768xf32, #tpu.memory_space<hbm>>, %arg5: memref<2x64xi32, #tpu.memory_space<vmem>>, %arg6: memref<64x768xf32, #tpu.memory_space<vmem>>, %arg7: memref<!tpu.dma_semaphore, #tpu.memory_space<semaphore_mem>>, %arg8: memref<!tpu.dma_semaphore, #tpu.memory_space<semaphore_mem>>) attributes {dimension_semantics = [#tpu.dimension_semantics<core_parallel>, #tpu.dimension_semantics<subcore_parallel>], iteration_bounds = array<i64: 2, 16>, scalar_prefetch = 0 : i64, scratch_operands = 4 : i64, tpu.core_type = #tpu.core_type<sc_vector_subcore>, window_params = [{transform_indices = #map}, {transform_indices = #map1}, {transform_indices = #map}]} {
    %mul3A = arith.constant 2 : i32
    %mul3A_0 = arith.muli %arg1, %mul3A : i32
    %add3A = arith.addi %mul3A_0, %arg0 : i32
    %mul3A_1 = arith.constant 64 : i32
    %mul3A_2 = arith.muli %add3A, %mul3A_1 : i32
    %dma_start3A = arith.constant 0 : i32
    %dma_start3A_3 = arith.constant 0 : i32
    %dma_start3A_4 = tpu.memref_slice %arg3[%add3A, %dma_start3A, %dma_start3A_3] : memref<32x2x64xi32, #tpu.memory_space<hbm>> -> memref<1x2x64xi32, #tpu.memory_space<hbm>>
    %dma_start3A_5 = tpu.memref_squeeze %dma_start3A_4 : memref<1x2x64xi32, #tpu.memory_space<hbm>> -> memref<2x64xi32, #tpu.memory_space<hbm>>
    %dma_start3A_6 = arith.constant 0 : i32
    %dma_start3A_7 = arith.constant 0 : i32
    %dma_start3A_8 = tpu.memref_slice %arg3[%add3A, %dma_start3A_6, %dma_start3A_7] : memref<32x2x64xi32, #tpu.memory_space<hbm>> -> memref<1x2x64xi32, #tpu.memory_space<hbm>>
    %dma_start3A_9 = tpu.memref_squeeze %dma_start3A_8 : memref<1x2x64xi32, #tpu.memory_space<hbm>> -> memref<2x64xi32, #tpu.memory_space<hbm>>
    tpu.enqueue_dma source(%dma_start3A_9 : memref<2x64xi32, #tpu.memory_space<hbm>>) target(%arg5 : memref<2x64xi32, #tpu.memory_space<vmem>>) target_semaphore(%arg7 : memref<!tpu.dma_semaphore, #tpu.memory_space<semaphore_mem>>)
    %dma_start3A_10 = arith.constant 0 : i32
    %dma_start3A_11 = tpu.memref_slice %arg2[%mul3A_2, %dma_start3A_10] : memref<2048x768xf32, #tpu.memory_space<hbm>> -> memref<64x768xf32, #tpu.memory_space<hbm>>
    %dma_start3A_12 = arith.constant 0 : i32
    %dma_start3A_13 = tpu.memref_slice %arg2[%mul3A_2, %dma_start3A_12] : memref<2048x768xf32, #tpu.memory_space<hbm>> -> memref<64x768xf32, #tpu.memory_space<hbm>>
    tpu.enqueue_dma source(%dma_start3A_13 : memref<64x768xf32, #tpu.memory_space<hbm>>) target(%arg6 : memref<64x768xf32, #tpu.memory_space<vmem>>) target_semaphore(%arg8 : memref<!tpu.dma_semaphore, #tpu.memory_space<semaphore_mem>>)
    %dma_wait3A = arith.constant 0 : i32
    %dma_wait3A_14 = arith.constant 0 : i32
    %dma_wait3A_15 = tpu.memref_slice %arg3[%add3A, %dma_wait3A, %dma_wait3A_14] : memref<32x2x64xi32, #tpu.memory_space<hbm>> -> memref<1x2x64xi32, #tpu.memory_space<hbm>>
    %dma_wait3A_16 = tpu.memref_squeeze %dma_wait3A_15 : memref<1x2x64xi32, #tpu.memory_space<hbm>> -> memref<2x64xi32, #tpu.memory_space<hbm>>
    %dma_wait3A_17 = arith.constant 0 : i32
    %dma_wait3A_18 = arith.constant 0 : i32
    %dma_wait3A_19 = tpu.memref_slice %arg3[%add3A, %dma_wait3A_17, %dma_wait3A_18] : memref<32x2x64xi32, #tpu.memory_space<hbm>> -> memref<1x2x64xi32, #tpu.memory_space<hbm>>
    %dma_wait3A_20 = tpu.memref_squeeze %dma_wait3A_19 : memref<1x2x64xi32, #tpu.memory_space<hbm>> -> memref<2x64xi32, #tpu.memory_space<hbm>>
    tpu.wait_dma2 semaphore(%arg7 : memref<!tpu.dma_semaphore, #tpu.memory_space<semaphore_mem>>) src(%dma_wait3A_20 : memref<2x64xi32, #tpu.memory_space<hbm>>) dst(%arg5 : memref<2x64xi32, #tpu.memory_space<vmem>>)
    %dma_wait3A_21 = arith.constant 0 : i32
    %dma_wait3A_22 = tpu.memref_slice %arg2[%mul3A_2, %dma_wait3A_21] : memref<2048x768xf32, #tpu.memory_space<hbm>> -> memref<64x768xf32, #tpu.memory_space<hbm>>
    %dma_wait3A_23 = arith.constant 0 : i32
    %dma_wait3A_24 = tpu.memref_slice %arg2[%mul3A_2, %dma_wait3A_23] : memref<2048x768xf32, #tpu.memory_space<hbm>> -> memref<64x768xf32, #tpu.memory_space<hbm>>
    tpu.wait_dma2 semaphore(%arg8 : memref<!tpu.dma_semaphore, #tpu.memory_space<semaphore_mem>>) src(%dma_wait3A_24 : memref<64x768xf32, #tpu.memory_space<hbm>>) dst(%arg6 : memref<64x768xf32, #tpu.memory_space<vmem>>)
    %dma_start3A_25 = arith.constant 0 : i32
    %dma_start3A_26 = arith.constant 0 : i32
    %dma_start3A_27 = tpu.memref_slice %arg5[%dma_start3A_25, %dma_start3A_26] : memref<2x64xi32, #tpu.memory_space<vmem>> -> memref<1x64xi32, #tpu.memory_space<vmem>>
    %dma_start3A_28 = tpu.memref_squeeze %dma_start3A_27 : memref<1x64xi32, #tpu.memory_space<vmem>> -> memref<64xi32, #tpu.memory_space<vmem>>
    %dma_start3A_29 = arith.constant 0 : i32
    %dma_start3A_30 = arith.constant 0 : i32
    %dma_start3A_31 = tpu.memref_slice %arg4[%dma_start3A_29, %dma_start3A_30] : memref<6144x768xf32, #tpu.memory_space<hbm>> -> memref<6144x768xf32, #tpu.memory_space<hbm>>
    tpu.enqueue_indirect_dma source(%arg6 : memref<64x768xf32, #tpu.memory_space<vmem>>) target(%dma_start3A_31 : memref<6144x768xf32, #tpu.memory_space<hbm>>) offsets(%dma_start3A_28 : memref<64xi32, #tpu.memory_space<vmem>>) semaphore(%arg7 : memref<!tpu.dma_semaphore, #tpu.memory_space<semaphore_mem>>)
    %dma_start3A_32 = arith.constant 1 : i32
    %dma_start3A_33 = arith.constant 0 : i32
    %dma_start3A_34 = tpu.memref_slice %arg5[%dma_start3A_32, %dma_start3A_33] : memref<2x64xi32, #tpu.memory_space<vmem>> -> memref<1x64xi32, #tpu.memory_space<vmem>>
    %dma_start3A_35 = tpu.memref_squeeze %dma_start3A_34 : memref<1x64xi32, #tpu.memory_space<vmem>> -> memref<64xi32, #tpu.memory_space<vmem>>
    %dma_start3A_36 = arith.constant 0 : i32
    %dma_start3A_37 = arith.constant 0 : i32
    %dma_start3A_38 = tpu.memref_slice %arg4[%dma_start3A_36, %dma_start3A_37] : memref<6144x768xf32, #tpu.memory_space<hbm>> -> memref<6144x768xf32, #tpu.memory_space<hbm>>
    tpu.enqueue_indirect_dma source(%arg6 : memref<64x768xf32, #tpu.memory_space<vmem>>) target(%dma_start3A_38 : memref<6144x768xf32, #tpu.memory_space<hbm>>) offsets(%dma_start3A_35 : memref<64xi32, #tpu.memory_space<vmem>>) semaphore(%arg8 : memref<!tpu.dma_semaphore, #tpu.memory_space<semaphore_mem>>)
    %dma_wait3A_39 = arith.constant 0 : i32
    %dma_wait3A_40 = arith.constant 0 : i32
    %dma_wait3A_41 = tpu.memref_slice %arg5[%dma_wait3A_39, %dma_wait3A_40] : memref<2x64xi32, #tpu.memory_space<vmem>> -> memref<1x64xi32, #tpu.memory_space<vmem>>
    %dma_wait3A_42 = tpu.memref_squeeze %dma_wait3A_41 : memref<1x64xi32, #tpu.memory_space<vmem>> -> memref<64xi32, #tpu.memory_space<vmem>>
    %dma_wait3A_43 = arith.constant 0 : i32
    %dma_wait3A_44 = arith.constant 0 : i32
    %dma_wait3A_45 = tpu.memref_slice %arg4[%dma_wait3A_43, %dma_wait3A_44] : memref<6144x768xf32, #tpu.memory_space<hbm>> -> memref<6144x768xf32, #tpu.memory_space<hbm>>
    tpu.wait_indirect_dma semaphore(%arg7 : memref<!tpu.dma_semaphore, #tpu.memory_space<semaphore_mem>>) src(%arg6 : memref<64x768xf32, #tpu.memory_space<vmem>>) dst(%dma_wait3A_45 : memref<6144x768xf32, #tpu.memory_space<hbm>>)
    %dma_wait3A_46 = arith.constant 1 : i32
    %dma_wait3A_47 = arith.constant 0 : i32
    %dma_wait3A_48 = tpu.memref_slice %arg5[%dma_wait3A_46, %dma_wait3A_47] : memref<2x64xi32, #tpu.memory_space<vmem>> -> memref<1x64xi32, #tpu.memory_space<vmem>>
    %dma_wait3A_49 = tpu.memref_squeeze %dma_wait3A_48 : memref<1x64xi32, #tpu.memory_space<vmem>> -> memref<64xi32, #tpu.memory_space<vmem>>
    %dma_wait3A_50 = arith.constant 0 : i32
    %dma_wait3A_51 = arith.constant 0 : i32
    %dma_wait3A_52 = tpu.memref_slice %arg4[%dma_wait3A_50, %dma_wait3A_51] : memref<6144x768xf32, #tpu.memory_space<hbm>> -> memref<6144x768xf32, #tpu.memory_space<hbm>>
    tpu.wait_indirect_dma semaphore(%arg8 : memref<!tpu.dma_semaphore, #tpu.memory_space<semaphore_mem>>) src(%arg6 : memref<64x768xf32, #tpu.memory_space<vmem>>) dst(%dma_wait3A_52 : memref<6144x768xf32, #tpu.memory_space<hbm>>)
    return
  }
}

module attributes {stable_mosaic.version = 14 : i64} {
  func.func @_gemm_body(%arg0: i32, %arg1: memref<24xi32, #tpu.memory_space<smem>>, %arg2: memref<256x768xf32, #tpu.memory_space<vmem>>, %arg3: memref<1x768x768xf32, #tpu.memory_space<vmem>>, %arg4: memref<256x768xf32, #tpu.memory_space<vmem>>) attributes {dimension_semantics = [#tpu.dimension_semantics<arbitrary>], iteration_bounds = array<i64: 24>, scalar_prefetch = 1 : i64, scratch_operands = 0 : i64, tpu.core_type = #tpu.core_type<tc>, window_params = [{transform_indices = @transform_0, window_bounds = array<i64: 256, 768>}, {transform_indices = @transform_1, window_bounds = array<i64: 1, 768, 768>}, {transform_indices = @transform_2, window_bounds = array<i64: 256, 768>}]} {
    %get3A = arith.constant 0 : index
    %get3A_0 = arith.constant 0 : index
    %get3A_1 = vector.load %arg2[%get3A, %get3A_0] : memref<256x768xf32, #tpu.memory_space<vmem>>, vector<256x768xf32>
    %convert_element_type3A = arith.truncf %get3A_1 : vector<256x768xf32> to vector<256x768xbf16>
    %get3A_2 = arith.constant 0 : index
    %get3A_3 = arith.constant 0 : index
    %get3A_4 = arith.constant 0 : index
    %get3A_5 = vector.load %arg3[%get3A_2, %get3A_3, %get3A_4] : memref<1x768x768xf32, #tpu.memory_space<vmem>>, vector<1x768x768xf32>
    %get3A_6 = vector.shape_cast %get3A_5 : vector<1x768x768xf32> to vector<768x768xf32>
    %convert_element_type3A_7 = arith.truncf %get3A_6 : vector<768x768xf32> to vector<768x768xbf16>
    %dot_general3A = arith.constant dense<0.000000e+00> : vector<256x768xf32>
    %dot_general3A_8 = tpu.matmul %convert_element_type3A, %convert_element_type3A_7, %dot_general3A {dimension_numbers = #tpu.dot_dimension_numbers<[1], [0], [0], [1], [0, 0, 1, 1], [], []>, transpose_lhs_hint = false} : vector<256x768xbf16>, vector<768x768xbf16>, vector<256x768xf32> -> vector<256x768xf32>
    %swap3A = arith.constant 0 : index
    %swap3A_9 = arith.constant 0 : index
    %swap3A_10 = vector.load %arg4[%swap3A, %swap3A_9] : memref<256x768xf32, #tpu.memory_space<vmem>>, vector<256x768xf32>
    tpu.vector_store %arg4[%swap3A, %swap3A_9], %dot_general3A_8 {strides = array<i32>} : memref<256x768xf32, #tpu.memory_space<vmem>>, vector<256x768xf32>,
    return
  }
  func.func @transform_0(%arg0: i32, %arg1: memref<24xi32, #tpu.memory_space<smem>>) -> (i32, i32) {
    %c0_i32 = arith.constant 0 : i32
    %c0_i32_0 = arith.constant 0 : i32
    return %arg0, %c0_i32 : i32, i32
  }
  func.func @transform_1(%arg0: i32, %arg1: memref<24xi32, #tpu.memory_space<smem>>) -> (i32, i32, i32) {
    %get3A = arith.index_cast %arg0 : i32 to index
    %get3A_0 = memref.load %arg1[%get3A] : memref<24xi32, #tpu.memory_space<smem>>
    %c0_i32 = arith.constant 0 : i32
    %c0_i32_1 = arith.constant 0 : i32
    %c0_i32_2 = arith.constant 0 : i32
    return %get3A_0, %c0_i32, %c0_i32_1 : i32, i32, i32
  }
  func.func @transform_2(%arg0: i32, %arg1: memref<24xi32, #tpu.memory_space<smem>>) -> (i32, i32) {
    %c0_i32 = arith.constant 0 : i32
    %c0_i32_0 = arith.constant 0 : i32
    return %arg0, %c0_i32 : i32, i32
  }
}

</mosaic_0001>

<sc_bundles>
// kernel: kernel.5.cloned.1.call-start
scs
__scs_entry_jumppad:
0x0: {  	(pc) =	sbr.rel $0x88, $3  }
0x1: {  	(tag) =	ssettag $0x0;
	lr =	simm.s32 $0x1  }
0x2: {  	[smem:$0x3F9E] =	sst lr;
	_ =	strace $0xD0000000  }
0x3: {  	_ = 	snop  }
0x4: {  	_ = 	snop  }
0x5: {  	_ = 	snop  }
0x6: {  	_ = 	snop  }
0x7: {  	_ = 	snop  }
__scs_overlays_trampoline_lowered:
0x8: {  	[smem:$0x3FAD] =	sst s0  }
0x9: {  	[smem:$0x3FAE] =	sst s1  }
0xa: {  	[smem:$0x3FAF] =	sst s2  }
0xb: {  	[smem:$0x3FB0] =	sst s3  }
0xc: {  	[smem:$0x3FB1] =	sst s4  }
0xd: {  	[smem:$0x3FB2] =	sst s5  }
0xe: {  	[smem:$0x3FB3] =	sst s6  }
0xf: {  	[smem:$0x3FB4] =	sst s7  }
0x10: {  	[smem:$0x3FB5] =	sst s8  }
0x11: {  	[smem:$0x3FB6] =	sst s9;
	s0 =	simm.s32 @!p0 $0x0  }
0x12: {  	s1 =	sld [smem:$0x3F9C];
	s0 =	simm.s32 @p0 $0x1  }
0x13: {  	[smem:$0x3FB7] =	sst s0;
	s0 =	simm.s32 @!p1 $0x0  }
0x14: {  	s2 =	sld [smem:$0x3F9B];
	s0 =	simm.s32 @p1 $0x1  }
0x15: {  	[smem:$0x3FB8] =	sst s0;
	s0 =	simm.s32 @!p2 $0x0  }
0x16: {  	s3 =	sld [smem:$0x3FDB];
	s0 =	simm.s32 @p2 $0x1  }
0x17: {  	s4 =	simm.s32 $0x1BF5;
	[smem:$0x3FBA] =	sst s0  }
0x18: {  	s0 =	sld [smem:$0x3F9D];
	_ =	swait.ge [sflag:s4], $0x0  }
0x19: {  	s7 =	sld [smem:$0x3F9E]  }
0x1a: {  	s8 =	sadd.s32 $0xFFFFE003, lr  }
0x1b: {  	s9 =	sadd.s32 $0xFFFFFEF7, lr;
	s5 =	simm.s32 $0xFFFFFFFF;
	p2 =	slt.u32 s8, $0xFFFFF086  }
0x1c: {  	p1 =	slt.u32 s9, $0xF7A;
	s5 =	simm.s32 @!p2 $0x0  }
0x1d: {  	s5 =	simm.s32 @p1 $0x1;
	p0 =	seq.s32 s7, s2  }
0x1e: {  	s7 =	smul.u32 @!p0 $0xF7A, s2;
	p2 =	seq.s32 @!p0 s5, $0x0  }
0x1f: {  	s9 =	smul.u32 $0xF7A, s1;
	s8 =	simm.s32 @!p0 $0x1BF5;
	p2 =	por !p2, p0  }
0x20: {  	[sflag:s8] =	ssyncset.s32 @!p0 $0xFFFFF086;
	s6 =	sadd.s32 @!p0 s3, s7;
	s7 =	simm.s32 @!p0 $0x108  }
0x21: {  	s3 =	sadd.s32 s3, s9;
	s6 =	sadd.s32 @!p0 $0x88, s6;
	s7 =	simm.s32 @p2 $0x1082  }
0x22: {  	[simem:s7], [sflag:s8] =	dma.local @!p0 [hbm:s6], $0xF7A  }
0x23: {  	s9 =	sor.u32 $0xD0000000, s2;
	s6 =	simm.s32 $0x108;
	_ =	swait.ge @!p0 [sflag:s8], $0x0  }
0x24: {  	s3 =	sadd.s32 $0x88, s3;
	s6 =	simm.s32 @!p1 $0x1082;
	[sflag:s4] =	ssyncset.s32 $0xFFFFF086  }
0x25: {  	[simem:s6], [sflag:s4] =	dma.local [hbm:s3], $0xF7A  }
0x26: {  	[smem:$0x3F9E] =	sst s1;
	(tag) =	ssettag s2;
	_ =	strace s9  }
0x27: {  	s1 =	sld [smem:$0x3FAE]  }
0x28: {  	s2 =	sld [smem:$0x3FAF]  }
0x29: {  	s4 =	sld [smem:$0x3FB1]  }
0x2a: {  	p0 =	seq.s32 s5, $0x0;
	s5 =	sld [smem:$0x3FB2]  }
0x2b: {  	s6 =	sld [smem:$0x3FB3]  }
0x2c: {  	s7 =	sld [smem:$0x3FB4]  }
0x2d: {  	s3 =	simm.s32 $0x108;
	s8 =	sld [smem:$0x3FB5]  }
0x2e: {  	s3 =	simm.s32 @!p0 $0x1082;
	s9 =	sld [smem:$0x3FB6]  }
0x2f: {  	lr =	sadd.s32 s0, s3;
	s0 =	sld [smem:$0x3FAD]  }
0x30: {  	s3 =	sld [smem:$0x3FB0]  }
0x31: {  	[smem:$0x3FB9] =	sst s10  }
0x32: {  	s10 =	sld [smem:$0x3FB7];
	_ =	sdelay $0x3  }
0x33: {  	p0 =	seq.s32 s10, $0x1;
	s10 =	sld [smem:$0x3FB9];
	_ =	sdelay $0x3  }
0x34: {  	[smem:$0x3FB9] =	sst s10  }
0x35: {  	s10 =	sld [smem:$0x3FB8];
	_ =	sdelay $0x3  }
0x36: {  	p1 =	seq.s32 s10, $0x1;
	s10 =	sld [smem:$0x3FB9];
	_ =	sdelay $0x3  }
0x37: {  	[smem:$0x3FB9] =	sst s10  }
0x38: {  	s10 =	sld [smem:$0x3FBA]  }
0x39: {  	_ = 	snop;
	(pc) =	sbr.ind lr, $3  }
0x3a: {  	_ = 	snop  }
0x3b: {  	_ = 	snop  }
0x3c: {  	p2 =	seq.s32 s10, $0x1;
	s10 =	sld [smem:$0x3FB9]  }
0x3d: {  	_ =	shalt  }
0x3e: {  	_ =	shalt  }
0x3f: {  	_ =	shalt  }
0x40: {  	_ =	shalt  }
0x41: {  	_ =	shalt  }
0x42: {  	_ =	shalt  }
0x43: {  	_ =	shalt  }
0x44: {  	_ =	shalt  }
0x45: {  	_ =	shalt  }
0x46: {  	_ =	shalt  }
0x47: {  	_ =	shalt  }
0x48: {  	_ =	shalt  }
0x49: {  	_ =	shalt  }
0x4a: {  	_ =	shalt  }
0x4b: {  	_ =	shalt  }
0x4c: {  	_ =	shalt  }
0x4d: {  	_ =	shalt  }
0x4e: {  	_ =	shalt  }
0x4f: {  	_ =	shalt  }
0x50: {  	_ =	shalt  }
0x51: {  	_ =	shalt  }
0x52: {  	_ =	shalt  }
0x53: {  	_ =	shalt  }
0x54: {  	_ =	shalt  }
0x55: {  	_ =	shalt  }
0x56: {  	_ =	shalt  }
0x57: {  	_ =	shalt  }
0x58: {  	_ =	shalt  }
0x59: {  	_ =	shalt  }
0x5a: {  	_ =	shalt  }
0x5b: {  	_ =	shalt  }
0x5c: {  	_ =	shalt  }
0x5d: {  	_ =	shalt  }
0x5e: {  	_ =	shalt  }
0x5f: {  	_ =	shalt  }
0x60: {  	_ =	shalt  }
0x61: {  	_ =	shalt  }
0x62: {  	_ =	shalt  }
0x63: {  	_ =	shalt  }
0x64: {  	_ =	shalt  }
0x65: {  	_ =	shalt  }
0x66: {  	_ =	shalt  }
0x67: {  	_ =	shalt  }
0x68: {  	_ =	shalt  }
0x69: {  	_ =	shalt  }
0x6a: {  	_ =	shalt  }
0x6b: {  	_ =	shalt  }
0x6c: {  	_ =	shalt  }
0x6d: {  	_ =	shalt  }
0x6e: {  	_ =	shalt  }
0x6f: {  	_ =	shalt  }
0x70: {  	_ =	shalt  }
0x71: {  	_ =	shalt  }
0x72: {  	_ =	shalt  }
0x73: {  	_ =	shalt  }
0x74: {  	_ =	shalt  }
0x75: {  	_ =	shalt  }
0x76: {  	_ =	shalt  }
0x77: {  	_ =	shalt  }
0x78: {  	_ =	shalt  }
0x79: {  	_ =	shalt  }
0x7a: {  	_ =	shalt  }
0x7b: {  	_ =	shalt  }
0x7c: {  	_ =	shalt  }
0x7d: {  	_ =	shalt  }
0x7e: {  	_ =	shalt  }
0x7f: {  	_ =	shalt  }
0x80: {  	_ =	shalt  }
0x81: {  	_ =	shalt  }
0x82: {  	_ =	shalt  }
0x83: {  	_ =	shalt  }
0x84: {  	_ =	shalt  }
0x85: {  	_ =	shalt  }
0x86: {  	_ =	shalt  }
0x87: {  	_ =	shalt  }
.Lfunc_end0:
.L_simem_size_0:
called_computation_lowered:
.L_overlay_start_0:
0x88: {  	s2 =	sld [smem:$0x3FD9]  }
0x89: {  	s3 =	sld [smem:$0x3FFE];
	_ =	sdelay $0x1  }
0x8a: {  	s1 =	srdreg.scid  }
0x8b: {  	s0 =	sand.u32 $0x1, s1  }
0x8c: {  	s17 =	sshll.u32 s0, $0xA;
	s2 =	sadd.s32 s3, s2  }
0x8d: {  	s2 =	sadd.s32 s2, s17  }
0x8e: {  	[smem:$0x3FC5] =	sst s2  }
0x8f: {  	_ = 	snop  }
0x90: {  	s2 =	sld [smem:$0x3FC9];
	(tm) =	ssettm $0x1  }
0x91: {  	s18 =	sld [smem:$0x3FFB];
	_ =	sdelay $0x3  }
0x92: {  	_ =	strace s18  }
0x93: {  	s3 =	sld [smem:$0x3FFC];
	_ =	sdelay $0x3  }
0x94: {  	_ =	strace s3  }
0x95: {  	s3 =	sld [smem:$0x3FFD];
	_ =	sdelay $0x3  }
0x96: {  	_ =	strace s3  }
0x97: {  	_ =	strace $0x8FFFFFFF  }
0x98: {  	s19 =	sld [smem:$0x3FDB];
	_ =	sdelay $0x1  }
0x99: {  	s4 =	simm.s32 $_scs_section_size  }
0x9a: {  	s5 =	simm.s32 $_size__tile_overlayer_lowered;
	s6 =	simm.s32 $_tile_overlayer_lowered  }
0x9b: {  	s22 =	simm.s32 $0x1BFF;
	s21 =	sshll.u32 s6, $0x1;
	s3 =	sadd.s32 s4, s19  }
0x9c: {  	s7 =	simm.s32 $0x0;
	s20 =	sshll.u32 s5, $0x1;
	s5 =	sadd.s32 s21, s3  }
0x9d: {  	[timem:s7], [sflag:s22] =	dma.local [hbm:s5], s20  }
0x9e: {  	_ =	swait.ge [sflag:s22], s20  }
0x9f: {  	s4 =	ssub.s32 $0x0, s20;
	[sflag:s22] =	ssyncset.done $0x0  }
0xa0: {  	[sflag:s22] =	ssyncadd.s32 s4;
	_ =	sdelay $0x1  }
0xa1: {  	s23 =	simm.s32 $0x1B8B  }
0xa2: {  	_ =	swait.ge [sflag:s23], $0x1  }
0xa3: {  	[sflag:s23] =	ssyncset.done $0x0  }
0xa4: {  	s25 =	simm.s32 $0x1B8E;
	s24 =	sld [smem:$0x3FFE];
	[sflag:s23] =	ssyncadd.s32 $0xFFFFFFFF  }
0xa5: {  	s26 =	simm.s32 $execute0_lowered;
	[smem:$0x3FD2] =	sst s25  }
0xa6: {  	s5 =	sshll.u32 s26, $0x1;
	_ =	strace $0x80000046;
	[dreg:$0x1] =	wrdreg $0xFFFFFFFF  }
0xa7: {  	s28 =	simm.s32 $_size_execute0_lowered;
	s3 =	sadd.s32 s3, s5;
	[dreg:$0x0] =	wrdreg $0x0  }
0xa8: {  	s5 =	sshll.u32 s28, $0x1;
	[dreg:$0x2] =	wrdreg s3  }
0xa9: {  	[dreg:$0x3] =	wrdreg s5  }
0xaa: {  	[dreg:$0x4] =	wrdreg $0xC0  }
0xab: {  	_ =	task [dreg:s7], $0x5FFFF  }
0xac: {  	[dreg:$0x1] =	wrdreg $0xFFFFFFFF  }
0xad: {  	[dreg:$0x0] =	wrdreg $0x60  }
0xae: {  	[dreg:$0x2] =	wrdreg s2  }
0xaf: {  	[dreg:$0x3] =	wrdreg s24  }
0xb0: {  	[dreg:$0x4] =	wrdreg $0x9  }
0xb1: {  	_ =	task.clear_ibuf [dreg:s7], $0x5FFFF;
	_ =	strace $0x90000046  }
0xb2: {  	s29 =	simm.s32 $0x9;
	_ =	strace $0x80000048  }
0xb3: {  	_ =	swait.ge [sflag:s29], $0x1  }
0xb4: {  	[sflag:s29] =	ssyncadd.s32 $0xFFFFFFFF  }
0xb5: {  	_ =	strace $0x90000048  }
0xb6: {  	_ =	sfence  }
0xb7: {  	s30 =	sld [smem:$0x0];
	_ =	sdelay $0x2  }
0xb8: {  	s31 =	sshll.u32 s1, $0xD;
	s1 =	sshrl.u32 s1, $0x2  }
0xb9: {  	s3 =	sand.u32 $0x4000, s31;
	s1 =	sadd.s32 s1, s30  }
0xba: {  	s0 =	sor.u32 s3, s0;
	s1 =	sshll.u32 s1, $0x11  }
0xbb: {  	s0 =	sor.u32 s1, s0  }
0xbc: {  	s0 =	sadd.s32 $0x8F2B, s0  }
0xbd: {  	[sflag:s0] =	ssyncadd.remote.s32 $0x1  }
0xbe: {  	_ =	sfence.sel $0xFFFF  }
0xbf: {  	[dreg:$0x0] =	wrdreg $0xFFFFFFFF;
	(pc) =	sbr.abs _section_cstart, $3  }
0xc0: {  	[dreg:$0x1] =	wrdreg $0xFFFFFFFF  }
0xc1: {  	_ =	task.clear_ibuf [dreg:s7], $0x2FFFF;
	_ =	strace $0x9FFFFFFF  }
0xc2: {  	(tm) =	ssettm $0x7FFFFFFF  }
0xc3: {  	_ =	shalt  }
tec
execute0_lowered:
.L_overlay_start_1:
0x0: {  	(tag) =	ssettag $0x1  }
0x1: {  	s0 =	rddreg [dreg:$0x0]  }
0x2: {  	s1 =	rddreg [dreg:$0x1]  }
0x3: {  	s2 =	simm.s32 $0x0;
	s3 =	srdreg.scid;
	s4 =	stileid.u32  }
0x4: {  	s8 =	simm.s32 $0x1;
	s9 =	simm.s32 $0x2;
	s12 =	simm.s32 $0x1900  }
0x5: {  	s13 =	simm.s32 $0x2100;
	s14 =	simm.s32 $0x2900;
	s15 =	simm.s32 $0x3100  }
0x6: {  	s16 =	simm.s32 $0x3900;
	s17 =	simm.s32 $0x4100;
	s18 =	simm.s32 $0x4900  }
0x7: {  	s19 =	simm.s32 $0x5100;
	s20 =	simm.s32 $0x5900;
	s21 =	simm.s32 $0x6100  }
0x8: {  	s22 =	simm.s32 $0x6900;
	s23 =	simm.s32 $0x7100;
	s24 =	simm.s32 $0x7900  }
0x9: {  	s25 =	simm.s32 $0x8100;
	s26 =	simm.s32 $0x8900;
	s28 =	simm.s32 $0x9100  }
0xa: {  	s29 =	simm.s32 $0x9900;
	s30 =	simm.s32 $0xA100;
	s31 =	simm.s32 $0xA900  }
0xb: {  	[smem:$0x7FF] =	sst s2;
	s3 =	sand.u32 $0x1, s3;
	s4 =	sshll.u32 s4, $0x1  }
0xc: {  	_ =	strace $0x80000047;
	s4 =	sor.u32 s3, s4;
	s5 =	ssub.s32 $0x2, s3  }
0xd: {  	s6 =	sshll.u32 s4, $0x5;
	s4 =	smul.u32 $0x1800, s4;
	s7 =	sshrl.u32 s5, $0x1  }
0xe: {  	s3 =	sadd.s32 $0x400, s1;
	s6 =	sadd.s32 s1, s6;
	s7 =	ssub.s32 s5, s7  }
0xf: {  	v2 =	vlaneseq.u32;
	s5 =	sadd.s32 $0x600, s1;
	[dreg:$0x3] =	wrdreg s6;
	s0 =	sadd.s32 s0, s4  }
0x10: {  	vm0 =	vmmov $0xffff;
	v1 =	vshrl.u32 v2, $0x3;
	s4 =	sadd.s32 $0x500, s1;
	s6 =	smax.u32 s7, $0x1;
	s7 =	simm.s32 $0x100  }
0x11: {  	v0 =	vand.u32 $0x7, v2;
	v2 =	vor.u32 $0x8, v2;
	v1 =	vmul.u32 $0x8, v1;
	s1 =	simm.s32 $0xB900;
	[dreg:$0x4] =	wrdreg s0;
	s0 =	simm.s32 $0xB100  }
.LBB2_1:
0x12: {  	s10 =	rddreg [dreg:$0x3]  }
0x13: {  	[tilespmem:s2], [sflag:$0x1] =	stream.linear.gather [hbm4b:s10+s2], $0x100, $0x38;
	[tilespmem:$0xC100] =	vst v63  }
0x14: {  	s11 =	rddreg [dreg:$0x4]  }
0x15: {  	[tilespmem:s7], [sflag:$0x2] =	stream.linear.gather [hbm4b:s11+s2], $0xC000, $0x38;
	[tilespmem:$0xC100] =	vst v63  }
0x16: {  	_ =	swait.ge [sflag:s8], $0x100  }
0x17: {  	[sflag:s8] =	ssyncset.done $0x0  }
0x18: {  	[sflag:s8] =	ssyncadd.s32 $0xFFFFFF00  }
0x19: {  	_ =	swait.ge [sflag:s9], $0xC000  }
0x1a: {  	[sflag:s9] =	ssyncset.done $0x0  }
0x1b: {  	[sflag:s9] =	ssyncadd.s32 $0xFFFF4000  }
0x1c: {  	v3 =	vld [tilespmem:$0x0];
	_ =	sdelay $0x4  }
0x1d: {  	v4 =	vshrl.u32 v3, $0x3  }
0x1e: {  	v4 =	vmul.u32 $0x30, v4  }
0x1f: {  	v3 =	vand.u32 $0x7, v3  }
0x20: {  	v3 =	vor.u32 v3, v4  }
0x21: {  	v4 =	vperm.xlane v3, v0;
	_ =	sdelay $0x1  }
0x22: {  	v4 =	vadd.s32 v1, v4;
	_ =	sdelay $0x3  }
0x23: {  	v3 =	vperm.xlane v3, v2  }
0x24: {  	[hbm4b:s3+s2] =	stream.indirect_vreg.scatter [tilespmem:s7], [sflag:$0x1], $0x80, v4, vm0, $0xb8;
	[tilespmem:$0xC100] =	vst v63  }
0x25: {  	s10 =	simm.s32 $0x900;
	v3 =	vadd.s32 v1, v3  }
0x26: {  	[hbm4b:s4+s2] =	stream.indirect_vreg.scatter [tilespmem:s10], [sflag:$0x1], $0x80, v4, vm0, $0xb8;
	[tilespmem:$0xC100] =	vst v63  }
0x27: {  	s11 =	simm.s32 $0x1100  }
0x28: {  	[hbm4b:s5+s2] =	stream.indirect_vreg.scatter [tilespmem:s11], [sflag:$0x1], $0x80, v4, vm0, $0xb8;
	[tilespmem:$0xC100] =	vst v63  }
0x29: {  	_ = 	snop  }
0x2a: {  	[hbm4b:s3+s2] =	stream.indirect_vreg.scatter [tilespmem:s12], [sflag:$0x1], $0x80, v3, vm0, $0xb8;
	[tilespmem:$0xC100] =	vst v63  }
0x2b: {  	_ = 	snop  }
0x2c: {  	[hbm4b:s4+s2] =	stream.indirect_vreg.scatter [tilespmem:s13], [sflag:$0x1], $0x80, v3, vm0, $0xb8;
	[tilespmem:$0xC100] =	vst v63  }
0x2d: {  	_ = 	snop  }
0x2e: {  	[hbm4b:s5+s2] =	stream.indirect_vreg.scatter [tilespmem:s14], [sflag:$0x1], $0x80, v3, vm0, $0xb8;
	[tilespmem:$0xC100] =	vst v63  }
0x2f: {  	v3 =	vld [tilespmem:$0x10];
	_ =	sdelay $0x4  }
0x30: {  	v57 =	vshrl.u32 v3, $0x3  }
0x31: {  	v4 =	vmul.u32 $0x30, v57  }
0x32: {  	v3 =	vand.u32 $0x7, v3  }
0x33: {  	v3 =	vor.u32 v3, v4  }
0x34: {  	v4 =	vperm.xlane v3, v0;
	_ =	sdelay $0x1  }
0x35: {  	v4 =	vadd.s32 v1, v4;
	_ =	sdelay $0x3  }
0x36: {  	v3 =	vperm.xlane v3, v2  }
0x37: {  	[hbm4b:s3+s2] =	stream.indirect_vreg.scatter [tilespmem:s15], [sflag:$0x1], $0x80, v4, vm0, $0xb8;
	[tilespmem:$0xC100] =	vst v63  }
0x38: {  	v3 =	vadd.s32 v1, v3  }
0x39: {  	[hbm4b:s4+s2] =	stream.indirect_vreg.scatter [tilespmem:s16], [sflag:$0x1], $0x80, v4, vm0, $0xb8;
	[tilespmem:$0xC100] =	vst v63  }
0x3a: {  	_ = 	snop  }
0x3b: {  	[hbm4b:s5+s2] =	stream.indirect_vreg.scatter [tilespmem:s17], [sflag:$0x1], $0x80, v4, vm0, $0xb8;
	[tilespmem:$0xC100] =	vst v63  }
0x3c: {  	_ = 	snop  }
0x3d: {  	[hbm4b:s3+s2] =	stream.indirect_vreg.scatter [tilespmem:s18], [sflag:$0x1], $0x80, v3, vm0, $0xb8;
	[tilespmem:$0xC100] =	vst v63  }
0x3e: {  	_ = 	snop  }
0x3f: {  	[hbm4b:s4+s2] =	stream.indirect_vreg.scatter [tilespmem:s19], [sflag:$0x1], $0x80, v3, vm0, $0xb8;
	[tilespmem:$0xC100] =	vst v63  }
0x40: {  	_ = 	snop  }
0x41: {  	[hbm4b:s5+s2] =	stream.indirect_vreg.scatter [tilespmem:s20], [sflag:$0x1], $0x80, v3, vm0, $0xb8;
	[tilespmem:$0xC100] =	vst v63  }
0x42: {  	v3 =	vld [tilespmem:$0x20];
	_ =	sdelay $0x4  }
0x43: {  	v58 =	vshrl.u32 v3, $0x3  }
0x44: {  	v4 =	vmul.u32 $0x30, v58  }
0x45: {  	v3 =	vand.u32 $0x7, v3  }
0x46: {  	v3 =	vor.u32 v3, v4  }
0x47: {  	v4 =	vperm.xlane v3, v0;
	_ =	sdelay $0x1  }
0x48: {  	v4 =	vadd.s32 v1, v4;
	_ =	sdelay $0x3  }
0x49: {  	v3 =	vperm.xlane v3, v2  }
0x4a: {  	[hbm4b:s3+s2] =	stream.indirect_vreg.scatter [tilespmem:s21], [sflag:$0x1], $0x80, v4, vm0, $0xb8;
	[tilespmem:$0xC100] =	vst v63  }
0x4b: {  	v3 =	vadd.s32 v1, v3  }
0x4c: {  	[hbm4b:s4+s2] =	stream.indirect_vreg.scatter [tilespmem:s22], [sflag:$0x1], $0x80, v4, vm0, $0xb8;
	[tilespmem:$0xC100] =	vst v63  }
0x4d: {  	_ = 	snop  }
0x4e: {  	[hbm4b:s5+s2] =	stream.indirect_vreg.scatter [tilespmem:s23], [sflag:$0x1], $0x80, v4, vm0, $0xb8;
	[tilespmem:$0xC100] =	vst v63  }
0x4f: {  	_ = 	snop  }
0x50: {  	[hbm4b:s3+s2] =	stream.indirect_vreg.scatter [tilespmem:s24], [sflag:$0x1], $0x80, v3, vm0, $0xb8;
	[tilespmem:$0xC100] =	vst v63  }
0x51: {  	_ = 	snop  }
0x52: {  	[hbm4b:s4+s2] =	stream.indirect_vreg.scatter [tilespmem:s25], [sflag:$0x1], $0x80, v3, vm0, $0xb8;
	[tilespmem:$0xC100] =	vst v63  }
0x53: {  	_ = 	snop  }
0x54: {  	[hbm4b:s5+s2] =	stream.indirect_vreg.scatter [tilespmem:s26], [sflag:$0x1], $0x80, v3, vm0, $0xb8;
	[tilespmem:$0xC100] =	vst v63  }
0x55: {  	v3 =	vld [tilespmem:$0x30];
	_ =	sdelay $0x4  }
0x56: {  	v59 =	vshrl.u32 v3, $0x3  }
0x57: {  	v4 =	vmul.u32 $0x30, v59  }
0x58: {  	v3 =	vand.u32 $0x7, v3  }
0x59: {  	v3 =	vor.u32 v3, v4  }
0x5a: {  	v4 =	vperm.xlane v3, v0;
	_ =	sdelay $0x1  }
0x5b: {  	v4 =	vadd.s32 v1, v4;
	_ =	sdelay $0x3  }
0x5c: {  	v3 =	vperm.xlane v3, v2  }
0x5d: {  	[hbm4b:s3+s2] =	stream.indirect_vreg.scatter [tilespmem:s28], [sflag:$0x1], $0x80, v4, vm0, $0xb8;
	[tilespmem:$0xC100] =	vst v63  }
0x5e: {  	v3 =	vadd.s32 v1, v3  }
0x5f: {  	[hbm4b:s4+s2] =	stream.indirect_vreg.scatter [tilespmem:s29], [sflag:$0x1], $0x80, v4, vm0, $0xb8;
	[tilespmem:$0xC100] =	vst v63  }
0x60: {  	_ = 	snop  }
0x61: {  	[hbm4b:s5+s2] =	stream.indirect_vreg.scatter [tilespmem:s30], [sflag:$0x1], $0x80, v4, vm0, $0xb8;
	[tilespmem:$0xC100] =	vst v63  }
0x62: {  	_ = 	snop  }
0x63: {  	[hbm4b:s3+s2] =	stream.indirect_vreg.scatter [tilespmem:s31], [sflag:$0x1], $0x80, v3, vm0, $0xb8;
	[tilespmem:$0xC100] =	vst v63  }
0x64: {  	_ = 	snop  }
0x65: {  	[hbm4b:s4+s2] =	stream.indirect_vreg.scatter [tilespmem:s0], [sflag:$0x1], $0x80, v3, vm0, $0xb8;
	[tilespmem:$0xC100] =	vst v63  }
0x66: {  	_ = 	snop  }
0x67: {  	[hbm4b:s5+s2] =	stream.indirect_vreg.scatter [tilespmem:s1], [sflag:$0x1], $0x80, v3, vm0, $0xb8;
	[tilespmem:$0xC100] =	vst v63  }
0x68: {  	v3 =	vld [tilespmem:$0x80];
	_ =	sdelay $0x4  }
0x69: {  	v60 =	vshrl.u32 v3, $0x3  }
0x6a: {  	v4 =	vmul.u32 $0x30, v60  }
0x6b: {  	v3 =	vand.u32 $0x7, v3  }
0x6c: {  	v3 =	vor.u32 v3, v4  }
0x6d: {  	v4 =	vperm.xlane v3, v0;
	_ =	sdelay $0x1  }
0x6e: {  	v4 =	vadd.s32 v1, v4;
	_ =	sdelay $0x3  }
0x6f: {  	v3 =	vperm.xlane v3, v2  }
0x70: {  	[hbm4b:s3+s2] =	stream.indirect_vreg.scatter [tilespmem:s7], [sflag:$0x2], $0x80, v4, vm0, $0xb8;
	[tilespmem:$0xC100] =	vst v63  }
0x71: {  	v3 =	vadd.s32 v1, v3  }
0x72: {  	[hbm4b:s4+s2] =	stream.indirect_vreg.scatter [tilespmem:s10], [sflag:$0x2], $0x80, v4, vm0, $0xb8;
	[tilespmem:$0xC100] =	vst v63  }
0x73: {  	_ = 	snop  }
0x74: {  	[hbm4b:s5+s2] =	stream.indirect_vreg.scatter [tilespmem:s11], [sflag:$0x2], $0x80, v4, vm0, $0xb8;
	[tilespmem:$0xC100] =	vst v63  }
0x75: {  	_ = 	snop  }
0x76: {  	[hbm4b:s3+s2] =	stream.indirect_vreg.scatter [tilespmem:s12], [sflag:$0x2], $0x80, v3, vm0, $0xb8;
	[tilespmem:$0xC100] =	vst v63  }
0x77: {  	_ = 	snop  }
0x78: {  	[hbm4b:s4+s2] =	stream.indirect_vreg.scatter [tilespmem:s13], [sflag:$0x2], $0x80, v3, vm0, $0xb8;
	[tilespmem:$0xC100] =	vst v63  }
0x79: {  	_ = 	snop  }
0x7a: {  	[hbm4b:s5+s2] =	stream.indirect_vreg.scatter [tilespmem:s14], [sflag:$0x2], $0x80, v3, vm0, $0xb8;
	[tilespmem:$0xC100] =	vst v63  }
0x7b: {  	v3 =	vld [tilespmem:$0x90];
	_ =	sdelay $0x4  }
0x7c: {  	v61 =	vshrl.u32 v3, $0x3  }
0x7d: {  	v4 =	vmul.u32 $0x30, v61  }
0x7e: {  	v3 =	vand.u32 $0x7, v3  }
0x7f: {  	v3 =	vor.u32 v3, v4  }
0x80: {  	v4 =	vperm.xlane v3, v0;
	_ =	sdelay $0x1  }
0x81: {  	v4 =	vadd.s32 v1, v4;
	_ =	sdelay $0x3  }
0x82: {  	v3 =	vperm.xlane v3, v2  }
0x83: {  	[hbm4b:s3+s2] =	stream.indirect_vreg.scatter [tilespmem:s15], [sflag:$0x2], $0x80, v4, vm0, $0xb8;
	[tilespmem:$0xC100] =	vst v63  }
0x84: {  	v3 =	vadd.s32 v1, v3  }
0x85: {  	[hbm4b:s4+s2] =	stream.indirect_vreg.scatter [tilespmem:s16], [sflag:$0x2], $0x80, v4, vm0, $0xb8;
	[tilespmem:$0xC100] =	vst v63  }
0x86: {  	_ = 	snop  }
0x87: {  	[hbm4b:s5+s2] =	stream.indirect_vreg.scatter [tilespmem:s17], [sflag:$0x2], $0x80, v4, vm0, $0xb8;
	[tilespmem:$0xC100] =	vst v63  }
0x88: {  	_ = 	snop  }
0x89: {  	[hbm4b:s3+s2] =	stream.indirect_vreg.scatter [tilespmem:s18], [sflag:$0x2], $0x80, v3, vm0, $0xb8;
	[tilespmem:$0xC100] =	vst v63  }
0x8a: {  	_ = 	snop  }
0x8b: {  	[hbm4b:s4+s2] =	stream.indirect_vreg.scatter [tilespmem:s19], [sflag:$0x2], $0x80, v3, vm0, $0xb8;
	[tilespmem:$0xC100] =	vst v63  }
0x8c: {  	_ = 	snop  }
0x8d: {  	[hbm4b:s5+s2] =	stream.indirect_vreg.scatter [tilespmem:s20], [sflag:$0x2], $0x80, v3, vm0, $0xb8;
	[tilespmem:$0xC100] =	vst v63  }
0x8e: {  	v3 =	vld [tilespmem:$0xA0];
	_ =	sdelay $0x4  }
0x8f: {  	v62 =	vshrl.u32 v3, $0x3  }
0x90: {  	v4 =	vmul.u32 $0x30, v62  }
0x91: {  	v3 =	vand.u32 $0x7, v3  }
0x92: {  	v3 =	vor.u32 v3, v4  }
0x93: {  	v4 =	vperm.xlane v3, v0;
	_ =	sdelay $0x1  }
0x94: {  	v4 =	vadd.s32 v1, v4;
	_ =	sdelay $0x3  }
0x95: {  	v3 =	vperm.xlane v3, v2  }
0x96: {  	[hbm4b:s3+s2] =	stream.indirect_vreg.scatter [tilespmem:s21], [sflag:$0x2], $0x80, v4, vm0, $0xb8;
	[tilespmem:$0xC100] =	vst v63  }
0x97: {  	v3 =	vadd.s32 v1, v3  }
0x98: {  	[hbm4b:s4+s2] =	stream.indirect_vreg.scatter [tilespmem:s22], [sflag:$0x2], $0x80, v4, vm0, $0xb8;
	[tilespmem:$0xC100] =	vst v63  }
0x99: {  	_ = 	snop  }
0x9a: {  	[hbm4b:s5+s2] =	stream.indirect_vreg.scatter [tilespmem:s23], [sflag:$0x2], $0x80, v4, vm0, $0xb8;
	[tilespmem:$0xC100] =	vst v63  }
0x9b: {  	_ = 	snop  }
0x9c: {  	[hbm4b:s3+s2] =	stream.indirect_vreg.scatter [tilespmem:s24], [sflag:$0x2], $0x80, v3, vm0, $0xb8;
	[tilespmem:$0xC100] =	vst v63  }
0x9d: {  	_ = 	snop  }
0x9e: {  	[hbm4b:s4+s2] =	stream.indirect_vreg.scatter [tilespmem:s25], [sflag:$0x2], $0x80, v3, vm0, $0xb8;
	[tilespmem:$0xC100] =	vst v63  }
0x9f: {  	_ = 	snop  }
0xa0: {  	[hbm4b:s5+s2] =	stream.indirect_vreg.scatter [tilespmem:s26], [sflag:$0x2], $0x80, v3, vm0, $0xb8;
	[tilespmem:$0xC100] =	vst v63  }
0xa1: {  	v3 =	vld [tilespmem:$0xB0];
	_ =	sdelay $0x4  }
0xa2: {  	v63 =	vshrl.u32 v3, $0x3  }
0xa3: {  	v4 =	vmul.u32 $0x30, v63  }
0xa4: {  	v3 =	vand.u32 $0x7, v3  }
0xa5: {  	v3 =	vor.u32 v3, v4  }
0xa6: {  	v4 =	vperm.xlane v3, v0;
	_ =	sdelay $0x1  }
0xa7: {  	v4 =	vadd.s32 v1, v4;
	_ =	sdelay $0x3  }
0xa8: {  	v3 =	vperm.xlane v3, v2  }
0xa9: {  	[hbm4b:s3+s2] =	stream.indirect_vreg.scatter [tilespmem:s28], [sflag:$0x2], $0x80, v4, vm0, $0xb8;
	[tilespmem:$0xC100] =	vst v63  }
0xaa: {  	v3 =	vadd.s32 v1, v3  }
0xab: {  	[hbm4b:s4+s2] =	stream.indirect_vreg.scatter [tilespmem:s29], [sflag:$0x2], $0x80, v4, vm0, $0xb8;
	[tilespmem:$0xC100] =	vst v63  }
0xac: {  	_ = 	snop  }
0xad: {  	[hbm4b:s5+s2] =	stream.indirect_vreg.scatter [tilespmem:s30], [sflag:$0x2], $0x80, v4, vm0, $0xb8;
	[tilespmem:$0xC100] =	vst v63  }
0xae: {  	_ = 	snop  }
0xaf: {  	[hbm4b:s3+s2] =	stream.indirect_vreg.scatter [tilespmem:s31], [sflag:$0x2], $0x80, v3, vm0, $0xb8;
	[tilespmem:$0xC100] =	vst v63  }
0xb0: {  	_ = 	snop  }
0xb1: {  	[hbm4b:s4+s2] =	stream.indirect_vreg.scatter [tilespmem:s0], [sflag:$0x2], $0x80, v3, vm0, $0xb8;
	[tilespmem:$0xC100] =	vst v63  }
0xb2: {  	_ = 	snop  }
0xb3: {  	[hbm4b:s5+s2] =	stream.indirect_vreg.scatter [tilespmem:s1], [sflag:$0x2], $0x80, v3, vm0, $0xb8;
	[tilespmem:$0xC100] =	vst v63  }
0xb4: {  	p0 =	sne.s32 s6, $0x1;
	_ =	swait.ge [sflag:s8], $0xC000  }
.Ltmp0:
0xb5: {  	[sflag:s8] =	ssyncset.done $0x0;
	(pc) =	sbr.rel @p0 .LBB2_1-.Ltmp0, $4  }
0xb6: {  	[sflag:s8] =	ssyncadd.s32 $0xFFFF4000  }
0xb7: {  	_ =	swait.ge [sflag:s9], $0xC000  }
0xb8: {  	[sflag:s9] =	ssyncset.done $0x0  }
0xb9: {  	s6 =	sadd.s32 $0xFFFFFFFF, s6;
	[sflag:s9] =	ssyncadd.s32 $0xFFFF4000  }
0xba: {  	_ =	sfence.sel $0x180000  }
0xbb: {  	[bflag:$0x0] =	sbarrier.arrive $0xFFFF  }
0xbc: {  	_ =	strace $0x90000047  }
0xbd: {  	s0 =	stileid.u32;
	[bflag:$0x2] =	sbarrier.arrive $0xFFFF  }
0xbe: {  	p0 =	sne.s32 s0, $0x0;
	s0 =	rddreg [dreg:$0x2]  }
0xbf: {  	s0 =	sadd.s32 @!p0 $0x100000, s0  }
0xc0: {  	[sflag:s0] =	ssyncadd.tile.s32 @!p0 $0x1;
	_ =	shalt  }
.Lfunc_end2:
_tile_overlayer_lowered:
.L_overlay_start_2:
0xc1: {  	(tag) =	ssettag $0x2  }
0xc2: {  	s0 =	rddreg [dreg:$0x0];
	s2 =	stileid.u32  }
0xc3: {  	s1 =	rddreg [dreg:$0x1];
	p0 =	sne.s32 s2, $0x0  }
0xc4: {  	s3 =	rddreg [dreg:$0x2];
	[bflag:$0x3] =	sbarrier.arrive $0xFFFF;
	s2 =	simm.s32 @!p0 $0x1C03  }
0xc5: {  	[timem:s3], [sflag:s2] =	dma.local @!p0 [hbm:s0], s1  }
0xc6: {  	s0 =	simm.s32 @!p0 $0x3  }
0xc7: {  	_ =	swait.ge @!p0 [sflag:s0], s1  }
0xc8: {  	s1 =	ssub.s32 @!p0 $0x0, s1;
	[sflag:s0] =	ssyncset.done @!p0 $0x0  }
0xc9: {  	[sflag:s0] =	ssyncadd.s32 @!p0 s1  }
0xca: {  	[bflag:$0x3] =	sbarrier.arrive $0xFFFF  }
0xcb: {  	_ =	shalt  }

// kernel: kernel.8.cloned.1.call-start
scs
__scs_entry_jumppad:
0x0: {  	(pc) =	sbr.rel $0x88, $3  }
0x1: {  	(tag) =	ssettag $0x0;
	lr =	simm.s32 $0x1  }
0x2: {  	[smem:$0x3F9E] =	sst lr;
	_ =	strace $0xD0000000  }
0x3: {  	_ = 	snop  }
0x4: {  	_ = 	snop  }
0x5: {  	_ = 	snop  }
0x6: {  	_ = 	snop  }
0x7: {  	_ = 	snop  }
__scs_overlays_trampoline_lowered:
0x8: {  	[smem:$0x3FAD] =	sst s0  }
0x9: {  	[smem:$0x3FAE] =	sst s1  }
0xa: {  	[smem:$0x3FAF] =	sst s2  }
0xb: {  	[smem:$0x3FB0] =	sst s3  }
0xc: {  	[smem:$0x3FB1] =	sst s4  }
0xd: {  	[smem:$0x3FB2] =	sst s5  }
0xe: {  	[smem:$0x3FB3] =	sst s6  }
0xf: {  	[smem:$0x3FB4] =	sst s7  }
0x10: {  	[smem:$0x3FB5] =	sst s8  }
0x11: {  	[smem:$0x3FB6] =	sst s9;
	s0 =	simm.s32 @!p0 $0x0  }
0x12: {  	s1 =	sld [smem:$0x3F9C];
	s0 =	simm.s32 @p0 $0x1  }
0x13: {  	[smem:$0x3FB7] =	sst s0;
	s0 =	simm.s32 @!p1 $0x0  }
0x14: {  	s2 =	sld [smem:$0x3F9B];
	s0 =	simm.s32 @p1 $0x1  }
0x15: {  	[smem:$0x3FB8] =	sst s0;
	s0 =	simm.s32 @!p2 $0x0  }
0x16: {  	s3 =	sld [smem:$0x3FDB];
	s0 =	simm.s32 @p2 $0x1  }
0x17: {  	s4 =	simm.s32 $0x1BF5;
	[smem:$0x3FBA] =	sst s0  }
0x18: {  	s0 =	sld [smem:$0x3F9D];
	_ =	swait.ge [sflag:s4], $0x0  }
0x19: {  	s7 =	sld [smem:$0x3F9E]  }
0x1a: {  	s8 =	sadd.s32 $0xFFFFE003, lr  }
0x1b: {  	s9 =	sadd.s32 $0xFFFFFEF7, lr;
	s5 =	simm.s32 $0xFFFFFFFF;
	p2 =	slt.u32 s8, $0xFFFFF086  }
0x1c: {  	p1 =	slt.u32 s9, $0xF7A;
	s5 =	simm.s32 @!p2 $0x0  }
0x1d: {  	s5 =	simm.s32 @p1 $0x1;
	p0 =	seq.s32 s7, s2  }
0x1e: {  	s7 =	smul.u32 @!p0 $0xF7A, s2;
	p2 =	seq.s32 @!p0 s5, $0x0  }
0x1f: {  	s9 =	smul.u32 $0xF7A, s1;
	s8 =	simm.s32 @!p0 $0x1BF5;
	p2 =	por !p2, p0  }
0x20: {  	[sflag:s8] =	ssyncset.s32 @!p0 $0xFFFFF086;
	s6 =	sadd.s32 @!p0 s3, s7;
	s7 =	simm.s32 @!p0 $0x108  }
0x21: {  	s3 =	sadd.s32 s3, s9;
	s6 =	sadd.s32 @!p0 $0x88, s6;
	s7 =	simm.s32 @p2 $0x1082  }
0x22: {  	[simem:s7], [sflag:s8] =	dma.local @!p0 [hbm:s6], $0xF7A  }
0x23: {  	s9 =	sor.u32 $0xD0000000, s2;
	s6 =	simm.s32 $0x108;
	_ =	swait.ge @!p0 [sflag:s8], $0x0  }
0x24: {  	s3 =	sadd.s32 $0x88, s3;
	s6 =	simm.s32 @!p1 $0x1082;
	[sflag:s4] =	ssyncset.s32 $0xFFFFF086  }
0x25: {  	[simem:s6], [sflag:s4] =	dma.local [hbm:s3], $0xF7A  }
0x26: {  	[smem:$0x3F9E] =	sst s1;
	(tag) =	ssettag s2;
	_ =	strace s9  }
0x27: {  	s1 =	sld [smem:$0x3FAE]  }
0x28: {  	s2 =	sld [smem:$0x3FAF]  }
0x29: {  	s4 =	sld [smem:$0x3FB1]  }
0x2a: {  	p0 =	seq.s32 s5, $0x0;
	s5 =	sld [smem:$0x3FB2]  }
0x2b: {  	s6 =	sld [smem:$0x3FB3]  }
0x2c: {  	s7 =	sld [smem:$0x3FB4]  }
0x2d: {  	s3 =	simm.s32 $0x108;
	s8 =	sld [smem:$0x3FB5]  }
0x2e: {  	s3 =	simm.s32 @!p0 $0x1082;
	s9 =	sld [smem:$0x3FB6]  }
0x2f: {  	lr =	sadd.s32 s0, s3;
	s0 =	sld [smem:$0x3FAD]  }
0x30: {  	s3 =	sld [smem:$0x3FB0]  }
0x31: {  	[smem:$0x3FB9] =	sst s10  }
0x32: {  	s10 =	sld [smem:$0x3FB7];
	_ =	sdelay $0x3  }
0x33: {  	p0 =	seq.s32 s10, $0x1;
	s10 =	sld [smem:$0x3FB9];
	_ =	sdelay $0x3  }
0x34: {  	[smem:$0x3FB9] =	sst s10  }
0x35: {  	s10 =	sld [smem:$0x3FB8];
	_ =	sdelay $0x3  }
0x36: {  	p1 =	seq.s32 s10, $0x1;
	s10 =	sld [smem:$0x3FB9];
	_ =	sdelay $0x3  }
0x37: {  	[smem:$0x3FB9] =	sst s10  }
0x38: {  	s10 =	sld [smem:$0x3FBA]  }
0x39: {  	_ = 	snop;
	(pc) =	sbr.ind lr, $3  }
0x3a: {  	_ = 	snop  }
0x3b: {  	_ = 	snop  }
0x3c: {  	p2 =	seq.s32 s10, $0x1;
	s10 =	sld [smem:$0x3FB9]  }
0x3d: {  	_ =	shalt  }
0x3e: {  	_ =	shalt  }
0x3f: {  	_ =	shalt  }
0x40: {  	_ =	shalt  }
0x41: {  	_ =	shalt  }
0x42: {  	_ =	shalt  }
0x43: {  	_ =	shalt  }
0x44: {  	_ =	shalt  }
0x45: {  	_ =	shalt  }
0x46: {  	_ =	shalt  }
0x47: {  	_ =	shalt  }
0x48: {  	_ =	shalt  }
0x49: {  	_ =	shalt  }
0x4a: {  	_ =	shalt  }
0x4b: {  	_ =	shalt  }
0x4c: {  	_ =	shalt  }
0x4d: {  	_ =	shalt  }
0x4e: {  	_ =	shalt  }
0x4f: {  	_ =	shalt  }
0x50: {  	_ =	shalt  }
0x51: {  	_ =	shalt  }
0x52: {  	_ =	shalt  }
0x53: {  	_ =	shalt  }
0x54: {  	_ =	shalt  }
0x55: {  	_ =	shalt  }
0x56: {  	_ =	shalt  }
0x57: {  	_ =	shalt  }
0x58: {  	_ =	shalt  }
0x59: {  	_ =	shalt  }
0x5a: {  	_ =	shalt  }
0x5b: {  	_ =	shalt  }
0x5c: {  	_ =	shalt  }
0x5d: {  	_ =	shalt  }
0x5e: {  	_ =	shalt  }
0x5f: {  	_ =	shalt  }
0x60: {  	_ =	shalt  }
0x61: {  	_ =	shalt  }
0x62: {  	_ =	shalt  }
0x63: {  	_ =	shalt  }
0x64: {  	_ =	shalt  }
0x65: {  	_ =	shalt  }
0x66: {  	_ =	shalt  }
0x67: {  	_ =	shalt  }
0x68: {  	_ =	shalt  }
0x69: {  	_ =	shalt  }
0x6a: {  	_ =	shalt  }
0x6b: {  	_ =	shalt  }
0x6c: {  	_ =	shalt  }
0x6d: {  	_ =	shalt  }
0x6e: {  	_ =	shalt  }
0x6f: {  	_ =	shalt  }
0x70: {  	_ =	shalt  }
0x71: {  	_ =	shalt  }
0x72: {  	_ =	shalt  }
0x73: {  	_ =	shalt  }
0x74: {  	_ =	shalt  }
0x75: {  	_ =	shalt  }
0x76: {  	_ =	shalt  }
0x77: {  	_ =	shalt  }
0x78: {  	_ =	shalt  }
0x79: {  	_ =	shalt  }
0x7a: {  	_ =	shalt  }
0x7b: {  	_ =	shalt  }
0x7c: {  	_ =	shalt  }
0x7d: {  	_ =	shalt  }
0x7e: {  	_ =	shalt  }
0x7f: {  	_ =	shalt  }
0x80: {  	_ =	shalt  }
0x81: {  	_ =	shalt  }
0x82: {  	_ =	shalt  }
0x83: {  	_ =	shalt  }
0x84: {  	_ =	shalt  }
0x85: {  	_ =	shalt  }
0x86: {  	_ =	shalt  }
0x87: {  	_ =	shalt  }
.Lfunc_end0:
.L_simem_size_0:
called_computation.1_lowered:
.L_overlay_start_0:
0x88: {  	s2 =	sld [smem:$0x3FD9]  }
0x89: {  	s3 =	sld [smem:$0x3FFE];
	_ =	sdelay $0x1  }
0x8a: {  	s1 =	srdreg.scid  }
0x8b: {  	s0 =	sand.u32 $0x1, s1  }
0x8c: {  	s17 =	sshll.u32 s0, $0xA;
	s2 =	sadd.s32 s3, s2  }
0x8d: {  	s2 =	sadd.s32 s2, s17  }
0x8e: {  	[smem:$0x3FC5] =	sst s2  }
0x8f: {  	_ = 	snop  }
0x90: {  	s2 =	sld [smem:$0x3FD0];
	(tm) =	ssettm $0x1  }
0x91: {  	s18 =	sld [smem:$0x3FFB];
	_ =	sdelay $0x3  }
0x92: {  	_ =	strace s18  }
0x93: {  	s3 =	sld [smem:$0x3FFC];
	_ =	sdelay $0x3  }
0x94: {  	_ =	strace s3  }
0x95: {  	s3 =	sld [smem:$0x3FFD];
	_ =	sdelay $0x3  }
0x96: {  	_ =	strace s3  }
0x97: {  	_ =	strace $0x8FFFFFFF  }
0x98: {  	s19 =	sld [smem:$0x3FDB];
	_ =	sdelay $0x1  }
0x99: {  	s4 =	simm.s32 $_scs_section_size  }
0x9a: {  	s5 =	simm.s32 $_size__tile_overlayer_lowered;
	s6 =	simm.s32 $_tile_overlayer_lowered  }
0x9b: {  	s22 =	simm.s32 $0x1BFF;
	s21 =	sshll.u32 s6, $0x1;
	s3 =	sadd.s32 s4, s19  }
0x9c: {  	s7 =	simm.s32 $0x0;
	s20 =	sshll.u32 s5, $0x1;
	s5 =	sadd.s32 s21, s3  }
0x9d: {  	[timem:s7], [sflag:s22] =	dma.local [hbm:s5], s20  }
0x9e: {  	_ =	swait.ge [sflag:s22], s20  }
0x9f: {  	s4 =	ssub.s32 $0x0, s20;
	[sflag:s22] =	ssyncset.done $0x0  }
0xa0: {  	[sflag:s22] =	ssyncadd.s32 s4;
	_ =	sdelay $0x1  }
0xa1: {  	s23 =	simm.s32 $0x1B8B  }
0xa2: {  	_ =	swait.ge [sflag:s23], $0x1  }
0xa3: {  	[sflag:s23] =	ssyncset.done $0x0  }
0xa4: {  	s25 =	simm.s32 $0x1B8E;
	s24 =	sld [smem:$0x3FFE];
	[sflag:s23] =	ssyncadd.s32 $0xFFFFFFFF  }
0xa5: {  	s26 =	simm.s32 $execute0_lowered;
	[smem:$0x3FD2] =	sst s25  }
0xa6: {  	s5 =	sshll.u32 s26, $0x1;
	_ =	strace $0x80000049;
	[dreg:$0x1] =	wrdreg $0xFFFFFFFF  }
0xa7: {  	s28 =	simm.s32 $_size_execute0_lowered;
	s3 =	sadd.s32 s3, s5;
	[dreg:$0x0] =	wrdreg $0x0  }
0xa8: {  	s5 =	sshll.u32 s28, $0x1;
	[dreg:$0x2] =	wrdreg s3  }
0xa9: {  	[dreg:$0x3] =	wrdreg s5  }
0xaa: {  	[dreg:$0x4] =	wrdreg $0xC0  }
0xab: {  	_ =	task [dreg:s7], $0x5FFFF  }
0xac: {  	[dreg:$0x1] =	wrdreg $0xFFFFFFFF  }
0xad: {  	[dreg:$0x0] =	wrdreg $0x60  }
0xae: {  	[dreg:$0x2] =	wrdreg s24  }
0xaf: {  	[dreg:$0x3] =	wrdreg s2  }
0xb0: {  	[dreg:$0x4] =	wrdreg $0x9  }
0xb1: {  	_ =	task.clear_ibuf [dreg:s7], $0x5FFFF;
	_ =	strace $0x90000049  }
0xb2: {  	s29 =	simm.s32 $0x9;
	_ =	strace $0x8000004B  }
0xb3: {  	_ =	swait.ge [sflag:s29], $0x1  }
0xb4: {  	[sflag:s29] =	ssyncadd.s32 $0xFFFFFFFF  }
0xb5: {  	_ =	strace $0x9000004B  }
0xb6: {  	_ =	sfence  }
0xb7: {  	s30 =	sld [smem:$0x0];
	_ =	sdelay $0x2  }
0xb8: {  	s31 =	sshll.u32 s1, $0xD;
	s1 =	sshrl.u32 s1, $0x2  }
0xb9: {  	s3 =	sand.u32 $0x4000, s31;
	s1 =	sadd.s32 s1, s30  }
0xba: {  	s0 =	sor.u32 s3, s0;
	s1 =	sshll.u32 s1, $0x11  }
0xbb: {  	s0 =	sor.u32 s1, s0  }
0xbc: {  	s0 =	sadd.s32 $0x8F2B, s0  }
0xbd: {  	[sflag:s0] =	ssyncadd.remote.s32 $0x1  }
0xbe: {  	_ =	sfence.sel $0xFFFF  }
0xbf: {  	[dreg:$0x0] =	wrdreg $0xFFFFFFFF;
	(pc) =	sbr.abs _section_cstart, $3  }
0xc0: {  	[dreg:$0x1] =	wrdreg $0xFFFFFFFF  }
0xc1: {  	_ =	task.clear_ibuf [dreg:s7], $0x2FFFF;
	_ =	strace $0x9FFFFFFF  }
0xc2: {  	(tm) =	ssettm $0x7FFFFFFF  }
0xc3: {  	_ =	shalt  }
tec
execute0_lowered:
.L_overlay_start_1:
0x0: {  	(tag) =	ssettag $0x1  }
0x1: {  	s0 =	rddreg [dreg:$0x0]  }
0x2: {  	s1 =	rddreg [dreg:$0x1];
	s2 =	simm.s32 $0x0;
	s3 =	srdreg.scid  }
0x3: {  	s4 =	stileid.u32;
	s11 =	simm.s32 $0x100;
	s14 =	simm.s32 $0x6100  }
0x4: {  	s30 =	simm.s32 $0x13900;
	s31 =	simm.s32 $0x14100;
	s12 =	simm.s32 $0x15900  }
0x5: {  	s13 =	simm.s32 $0x16100;
	s15 =	simm.s32 $0x16900;
	s16 =	simm.s32 $0x17100  }
0x6: {  	s17 =	simm.s32 $0x17900;
	s18 =	simm.s32 $0x1;
	s19 =	simm.s32 $0x2  }
0x7: {  	s20 =	simm.s32 $0x3;
	s21 =	simm.s32 $0x4;
	s22 =	simm.s32 $0x5  }
0x8: {  	[smem:$0x7FF] =	sst s2;
	s3 =	sand.u32 $0x1, s3;
	s4 =	sshll.u32 s4, $0x1  }
0x9: {  	s23 =	simm.s32 $0x0;
	_ =	strace $0x8000004A;
	s4 =	sor.u32 s3, s4  }
0xa: {  	s5 =	ssub.s32 $0x2, s3;
	s3 =	sadd.s32 $0x400, s0;
	s7 =	smul.u32 $0xC000, s4  }
0xb: {  	s6 =	sshrl.u32 s5, $0x1;
	s28 =	sshll.u32 s4, $0x5;
	s8 =	smul.u32 $0x1800, s4  }
0xc: {  	s9 =	ssub.s32 s5, s6;
	s4 =	sadd.s32 s0, s28;
	s5 =	sadd.s32 $0x500, s0  }
0xd: {  	v2 =	vlaneseq.u32;
	s6 =	sadd.s32 $0x600, s0;
	s0 =	simm.s32 $0x14900;
	s10 =	sshrl.u32 s7, $0x3  }
0xe: {  	vm0 =	vmmov $0xffff;
	v1 =	vshrl.u32 v2, $0x3;
	s7 =	sadd.s32 s1, s8;
	s9 =	smax.u32 s9, $0x1;
	s29 =	sadd.s32 s1, s10  }
0xf: {  	v0 =	vand.u32 $0x7, v2;
	v2 =	vor.u32 $0x8, v2;
	v1 =	vmul.u32 $0x8, v1;
	s10 =	simm.s32 $0x6;
	s1 =	simm.s32 $0x15100;
	s8 =	sadd.s32 $0xC00, s29  }
.LBB2_1:
0x10: {  	[tilespmem:s2], [sflag:$0x6] =	stream.linear.gather [hbm4b:s4+s2], $0x100, $0x38;
	[tilespmem:$0x18100] =	vst v63  }
0x11: {  	_ =	swait.ge [sflag:s10], $0x100  }
0x12: {  	[sflag:s10] =	ssyncset.done $0x0  }
0x13: {  	[sflag:s10] =	ssyncadd.s32 $0xFFFFFF00  }
0x14: {  	v3 =	vld [tilespmem:$0x0];
	_ =	sdelay $0x4  }
0x15: {  	v4 =	vshrl.u32 v3, $0x3  }
0x16: {  	v4 =	vmul.u32 $0x30, v4  }
0x17: {  	v3 =	vand.u32 $0x7, v3  }
0x18: {  	v3 =	vor.u32 v3, v4  }
0x19: {  	v4 =	vperm.xlane v3, v0;
	_ =	sdelay $0x1  }
0x1a: {  	v4 =	vadd.s32 v1, v4;
	_ =	sdelay $0x3  }
0x1b: {  	v3 =	vperm.xlane v3, v2  }
0x1c: {  	[tilespmem:s11], [sflag:$0x1] =	stream.indirect_vreg.gather [hbm4b:s3+s2], $0x80, v4, vm0, $0xb8;
	[tilespmem:$0x18100] =	vst v63  }
0x1d: {  	s24 =	simm.s32 $0x900;
	v3 =	vadd.s32 v1, v3  }
0x1e: {  	[tilespmem:s24], [sflag:$0x1] =	stream.indirect_vreg.gather [hbm4b:s5+s2], $0x80, v4, vm0, $0xb8;
	[tilespmem:$0x18100] =	vst v63  }
0x1f: {  	s29 =	simm.s32 $0x1100  }
0x20: {  	[tilespmem:s29], [sflag:$0x1] =	stream.indirect_vreg.gather [hbm4b:s6+s2], $0x80, v4, vm0, $0xb8;
	[tilespmem:$0x18100] =	vst v63  }
0x21: {  	s25 =	simm.s32 $0x1900  }
0x22: {  	[tilespmem:s25], [sflag:$0x1] =	stream.indirect_vreg.gather [hbm4b:s3+s2], $0x80, v3, vm0, $0xb8;
	[tilespmem:$0x18100] =	vst v63  }
0x23: {  	s26 =	simm.s32 $0x2100  }
0x24: {  	[tilespmem:s26], [sflag:$0x1] =	stream.indirect_vreg.gather [hbm4b:s5+s2], $0x80, v3, vm0, $0xb8;
	[tilespmem:$0x18100] =	vst v63  }
0x25: {  	s28 =	simm.s32 $0x2900  }
0x26: {  	[tilespmem:s28], [sflag:$0x1] =	stream.indirect_vreg.gather [hbm4b:s6+s2], $0x80, v3, vm0, $0xb8;
	[tilespmem:$0x18100] =	vst v63  }
0x27: {  	v3 =	vld [tilespmem:$0x10];
	_ =	sdelay $0x4  }
0x28: {  	v4 =	vshrl.u32 v3, $0x3  }
0x29: {  	v4 =	vmul.u32 $0x30, v4  }
0x2a: {  	v3 =	vand.u32 $0x7, v3  }
0x2b: {  	v3 =	vor.u32 v3, v4  }
0x2c: {  	v4 =	vperm.xlane v3, v0;
	_ =	sdelay $0x1  }
0x2d: {  	v4 =	vadd.s32 v1, v4;
	_ =	sdelay $0x3  }
0x2e: {  	s29 =	simm.s32 $0x3100;
	v3 =	vperm.xlane v3, v2  }
0x2f: {  	[tilespmem:s29], [sflag:$0x1] =	stream.indirect_vreg.gather [hbm4b:s3+s2], $0x80, v4, vm0, $0xb8;
	[tilespmem:$0x18100] =	vst v63  }
0x30: {  	s25 =	simm.s32 $0x3900;
	v3 =	vadd.s32 v1, v3  }
0x31: {  	[tilespmem:s25], [sflag:$0x1] =	stream.indirect_vreg.gather [hbm4b:s5+s2], $0x80, v4, vm0, $0xb8;
	[tilespmem:$0x18100] =	vst v63  }
0x32: {  	s26 =	simm.s32 $0x4100  }
0x33: {  	[tilespmem:s26], [sflag:$0x1] =	stream.indirect_vreg.gather [hbm4b:s6+s2], $0x80, v4, vm0, $0xb8;
	[tilespmem:$0x18100] =	vst v63  }
0x34: {  	s28 =	simm.s32 $0x4900  }
0x35: {  	[tilespmem:s28], [sflag:$0x1] =	stream.indirect_vreg.gather [hbm4b:s3+s2], $0x80, v3, vm0, $0xb8;
	[tilespmem:$0x18100] =	vst v63  }
0x36: {  	s29 =	simm.s32 $0x5100  }
0x37: {  	[tilespmem:s29], [sflag:$0x1] =	stream.indirect_vreg.gather [hbm4b:s5+s2], $0x80, v3, vm0, $0xb8;
	[tilespmem:$0x18100] =	vst v63  }
0x38: {  	s25 =	simm.s32 $0x5900  }
0x39: {  	[tilespmem:s25], [sflag:$0x1] =	stream.indirect_vreg.gather [hbm4b:s6+s2], $0x80, v3, vm0, $0xb8;
	[tilespmem:$0x18100] =	vst v63  }
0x3a: {  	v3 =	vld [tilespmem:$0x80];
	_ =	sdelay $0x4  }
0x3b: {  	v4 =	vshrl.u32 v3, $0x3  }
0x3c: {  	v4 =	vmul.u32 $0x30, v4  }
0x3d: {  	v3 =	vand.u32 $0x7, v3  }
0x3e: {  	v3 =	vor.u32 v3, v4  }
0x3f: {  	v4 =	vperm.xlane v3, v0;
	_ =	sdelay $0x1  }
0x40: {  	v4 =	vadd.s32 v1, v4;
	_ =	sdelay $0x3  }
0x41: {  	s26 =	simm.s32 $0xC100;
	v3 =	vperm.xlane v3, v2  }
0x42: {  	[tilespmem:s26], [sflag:$0x2] =	stream.indirect_vreg.gather [hbm4b:s3+s2], $0x80, v4, vm0, $0xb8;
	[tilespmem:$0x18100] =	vst v63  }
0x43: {  	s28 =	simm.s32 $0xC900;
	v3 =	vadd.s32 v1, v3  }
0x44: {  	[tilespmem:s28], [sflag:$0x2] =	stream.indirect_vreg.gather [hbm4b:s5+s2], $0x80, v4, vm0, $0xb8;
	[tilespmem:$0x18100] =	vst v63  }
0x45: {  	s29 =	simm.s32 $0xD100  }
0x46: {  	[tilespmem:s29], [sflag:$0x2] =	stream.indirect_vreg.gather [hbm4b:s6+s2], $0x80, v4, vm0, $0xb8;
	[tilespmem:$0x18100] =	vst v63  }
0x47: {  	s25 =	simm.s32 $0xD900  }
0x48: {  	[tilespmem:s25], [sflag:$0x2] =	stream.indirect_vreg.gather [hbm4b:s3+s2], $0x80, v3, vm0, $0xb8;
	[tilespmem:$0x18100] =	vst v63  }
0x49: {  	s26 =	simm.s32 $0xE100  }
0x4a: {  	[tilespmem:s26], [sflag:$0x2] =	stream.indirect_vreg.gather [hbm4b:s5+s2], $0x80, v3, vm0, $0xb8;
	[tilespmem:$0x18100] =	vst v63  }
0x4b: {  	s28 =	simm.s32 $0xE900  }
0x4c: {  	[tilespmem:s28], [sflag:$0x2] =	stream.indirect_vreg.gather [hbm4b:s6+s2], $0x80, v3, vm0, $0xb8;
	[tilespmem:$0x18100] =	vst v63  }
0x4d: {  	v3 =	vld [tilespmem:$0x90];
	_ =	sdelay $0x4  }
0x4e: {  	v4 =	vshrl.u32 v3, $0x3  }
0x4f: {  	v4 =	vmul.u32 $0x30, v4  }
0x50: {  	v3 =	vand.u32 $0x7, v3  }
0x51: {  	v3 =	vor.u32 v3, v4  }
0x52: {  	v4 =	vperm.xlane v3, v0;
	_ =	sdelay $0x1  }
0x53: {  	v4 =	vadd.s32 v1, v4;
	_ =	sdelay $0x3  }
0x54: {  	s29 =	simm.s32 $0xF100;
	v3 =	vperm.xlane v3, v2  }
0x55: {  	[tilespmem:s29], [sflag:$0x2] =	stream.indirect_vreg.gather [hbm4b:s3+s2], $0x80, v4, vm0, $0xb8;
	[tilespmem:$0x18100] =	vst v63  }
0x56: {  	s25 =	simm.s32 $0xF900;
	v3 =	vadd.s32 v1, v3  }
0x57: {  	[tilespmem:s25], [sflag:$0x2] =	stream.indirect_vreg.gather [hbm4b:s5+s2], $0x80, v4, vm0, $0xb8;
	[tilespmem:$0x18100] =	vst v63  }
0x58: {  	s26 =	simm.s32 $0x10100  }
0x59: {  	[tilespmem:s26], [sflag:$0x2] =	stream.indirect_vreg.gather [hbm4b:s6+s2], $0x80, v4, vm0, $0xb8;
	[tilespmem:$0x18100] =	vst v63  }
0x5a: {  	s28 =	simm.s32 $0x10900  }
0x5b: {  	[tilespmem:s28], [sflag:$0x2] =	stream.indirect_vreg.gather [hbm4b:s3+s2], $0x80, v3, vm0, $0xb8;
	[tilespmem:$0x18100] =	vst v63  }
0x5c: {  	s29 =	simm.s32 $0x11100  }
0x5d: {  	[tilespmem:s29], [sflag:$0x2] =	stream.indirect_vreg.gather [hbm4b:s5+s2], $0x80, v3, vm0, $0xb8;
	[tilespmem:$0x18100] =	vst v63  }
0x5e: {  	s25 =	simm.s32 $0x11900  }
0x5f: {  	[tilespmem:s25], [sflag:$0x2] =	stream.indirect_vreg.gather [hbm4b:s6+s2], $0x80, v3, vm0, $0xb8;
	[tilespmem:$0x18100] =	vst v63  }
0x60: {  	v3 =	vld [tilespmem:$0x20];
	_ =	sdelay $0x4  }
0x61: {  	v4 =	vshrl.u32 v3, $0x3  }
0x62: {  	v4 =	vmul.u32 $0x30, v4  }
0x63: {  	v3 =	vand.u32 $0x7, v3  }
0x64: {  	v3 =	vor.u32 v3, v4  }
0x65: {  	v4 =	vperm.xlane v3, v0;
	_ =	sdelay $0x1  }
0x66: {  	v4 =	vadd.s32 v1, v4;
	_ =	sdelay $0x3  }
0x67: {  	v3 =	vperm.xlane v3, v2  }
0x68: {  	[tilespmem:s14], [sflag:$0x3] =	stream.indirect_vreg.gather [hbm4b:s3+s2], $0x80, v4, vm0, $0xb8;
	[tilespmem:$0x18100] =	vst v63  }
0x69: {  	s26 =	simm.s32 $0x6900;
	v3 =	vadd.s32 v1, v3  }
0x6a: {  	[tilespmem:s26], [sflag:$0x3] =	stream.indirect_vreg.gather [hbm4b:s5+s2], $0x80, v4, vm0, $0xb8;
	[tilespmem:$0x18100] =	vst v63  }
0x6b: {  	s28 =	simm.s32 $0x7100  }
0x6c: {  	[tilespmem:s28], [sflag:$0x3] =	stream.indirect_vreg.gather [hbm4b:s6+s2], $0x80, v4, vm0, $0xb8;
	[tilespmem:$0x18100] =	vst v63  }
0x6d: {  	s29 =	simm.s32 $0x7900  }
0x6e: {  	[tilespmem:s29], [sflag:$0x3] =	stream.indirect_vreg.gather [hbm4b:s3+s2], $0x80, v3, vm0, $0xb8;
	[tilespmem:$0x18100] =	vst v63  }
0x6f: {  	s25 =	simm.s32 $0x8100  }
0x70: {  	[tilespmem:s25], [sflag:$0x3] =	stream.indirect_vreg.gather [hbm4b:s5+s2], $0x80, v3, vm0, $0xb8;
	[tilespmem:$0x18100] =	vst v63  }
0x71: {  	s26 =	simm.s32 $0x8900  }
0x72: {  	[tilespmem:s26], [sflag:$0x3] =	stream.indirect_vreg.gather [hbm4b:s6+s2], $0x80, v3, vm0, $0xb8;
	[tilespmem:$0x18100] =	vst v63  }
0x73: {  	v3 =	vld [tilespmem:$0x30];
	_ =	sdelay $0x4  }
0x74: {  	v4 =	vshrl.u32 v3, $0x3  }
0x75: {  	v4 =	vmul.u32 $0x30, v4  }
0x76: {  	v3 =	vand.u32 $0x7, v3  }
0x77: {  	v3 =	vor.u32 v3, v4  }
0x78: {  	v4 =	vperm.xlane v3, v0;
	_ =	sdelay $0x1  }
0x79: {  	v4 =	vadd.s32 v1, v4;
	_ =	sdelay $0x3  }
0x7a: {  	s28 =	simm.s32 $0x9100;
	v3 =	vperm.xlane v3, v2  }
0x7b: {  	[tilespmem:s28], [sflag:$0x3] =	stream.indirect_vreg.gather [hbm4b:s3+s2], $0x80, v4, vm0, $0xb8;
	[tilespmem:$0x18100] =	vst v63  }
0x7c: {  	s29 =	simm.s32 $0x9900;
	v3 =	vadd.s32 v1, v3  }
0x7d: {  	[tilespmem:s29], [sflag:$0x3] =	stream.indirect_vreg.gather [hbm4b:s5+s2], $0x80, v4, vm0, $0xb8;
	[tilespmem:$0x18100] =	vst v63  }
0x7e: {  	s25 =	simm.s32 $0xA100  }
0x7f: {  	[tilespmem:s25], [sflag:$0x3] =	stream.indirect_vreg.gather [hbm4b:s6+s2], $0x80, v4, vm0, $0xb8;
	[tilespmem:$0x18100] =	vst v63  }
0x80: {  	s26 =	simm.s32 $0xA900  }
0x81: {  	[tilespmem:s26], [sflag:$0x3] =	stream.indirect_vreg.gather [hbm4b:s3+s2], $0x80, v3, vm0, $0xb8;
	[tilespmem:$0x18100] =	vst v63  }
0x82: {  	s28 =	simm.s32 $0xB100  }
0x83: {  	[tilespmem:s28], [sflag:$0x3] =	stream.indirect_vreg.gather [hbm4b:s5+s2], $0x80, v3, vm0, $0xb8;
	[tilespmem:$0x18100] =	vst v63  }
0x84: {  	s29 =	simm.s32 $0xB900  }
0x85: {  	[tilespmem:s29], [sflag:$0x3] =	stream.indirect_vreg.gather [hbm4b:s6+s2], $0x80, v3, vm0, $0xb8;
	[tilespmem:$0x18100] =	vst v63  }
0x86: {  	v3 =	vld [tilespmem:$0xA0];
	_ =	sdelay $0x4  }
0x87: {  	v4 =	vshrl.u32 v3, $0x3  }
0x88: {  	v4 =	vmul.u32 $0x30, v4  }
0x89: {  	v3 =	vand.u32 $0x7, v3  }
0x8a: {  	v3 =	vor.u32 v3, v4  }
0x8b: {  	v4 =	vperm.xlane v3, v0;
	_ =	sdelay $0x1  }
0x8c: {  	v4 =	vadd.s32 v1, v4;
	_ =	sdelay $0x3  }
0x8d: {  	s25 =	simm.s32 $0x12100;
	v3 =	vperm.xlane v3, v2  }
0x8e: {  	[tilespmem:s25], [sflag:$0x4] =	stream.indirect_vreg.gather [hbm4b:s3+s2], $0x80, v4, vm0, $0xb8;
	[tilespmem:$0x18100] =	vst v63  }
0x8f: {  	s26 =	simm.s32 $0x12900;
	v3 =	vadd.s32 v1, v3  }
0x90: {  	[tilespmem:s26], [sflag:$0x4] =	stream.indirect_vreg.gather [hbm4b:s5+s2], $0x80, v4, vm0, $0xb8;
	[tilespmem:$0x18100] =	vst v63  }
0x91: {  	s28 =	simm.s32 $0x13100  }
0x92: {  	[tilespmem:s28], [sflag:$0x4] =	stream.indirect_vreg.gather [hbm4b:s6+s2], $0x80, v4, vm0, $0xb8;
	[tilespmem:$0x18100] =	vst v63  }
0x93: {  	_ = 	snop  }
0x94: {  	[tilespmem:s30], [sflag:$0x4] =	stream.indirect_vreg.gather [hbm4b:s3+s2], $0x80, v3, vm0, $0xb8;
	[tilespmem:$0x18100] =	vst v63  }
0x95: {  	_ = 	snop  }
0x96: {  	[tilespmem:s31], [sflag:$0x4] =	stream.indirect_vreg.gather [hbm4b:s5+s2], $0x80, v3, vm0, $0xb8;
	[tilespmem:$0x18100] =	vst v63  }
0x97: {  	_ = 	snop  }
0x98: {  	[tilespmem:s0], [sflag:$0x4] =	stream.indirect_vreg.gather [hbm4b:s6+s2], $0x80, v3, vm0, $0xb8;
	[tilespmem:$0x18100] =	vst v63  }
0x99: {  	v3 =	vld [tilespmem:$0xB0];
	_ =	sdelay $0x4  }
0x9a: {  	v4 =	vshrl.u32 v3, $0x3  }
0x9b: {  	v4 =	vmul.u32 $0x30, v4  }
0x9c: {  	v3 =	vand.u32 $0x7, v3  }
0x9d: {  	v3 =	vor.u32 v3, v4  }
0x9e: {  	v4 =	vperm.xlane v3, v0;
	_ =	sdelay $0x1  }
0x9f: {  	v4 =	vadd.s32 v1, v4;
	_ =	sdelay $0x3  }
0xa0: {  	v3 =	vperm.xlane v3, v2  }
0xa1: {  	[tilespmem:s1], [sflag:$0x4] =	stream.indirect_vreg.gather [hbm4b:s3+s2], $0x80, v4, vm0, $0xb8;
	[tilespmem:$0x18100] =	vst v63  }
0xa2: {  	v3 =	vadd.s32 v1, v3  }
0xa3: {  	[tilespmem:s12], [sflag:$0x4] =	stream.indirect_vreg.gather [hbm4b:s5+s2], $0x80, v4, vm0, $0xb8;
	[tilespmem:$0x18100] =	vst v63  }
0xa4: {  	_ = 	snop  }
0xa5: {  	[tilespmem:s13], [sflag:$0x4] =	stream.indirect_vreg.gather [hbm4b:s6+s2], $0x80, v4, vm0, $0xb8;
	[tilespmem:$0x18100] =	vst v63  }
0xa6: {  	_ = 	snop  }
0xa7: {  	[tilespmem:s15], [sflag:$0x4] =	stream.indirect_vreg.gather [hbm4b:s3+s2], $0x80, v3, vm0, $0xb8;
	[tilespmem:$0x18100] =	vst v63  }
0xa8: {  	_ = 	snop  }
0xa9: {  	[tilespmem:s16], [sflag:$0x4] =	stream.indirect_vreg.gather [hbm4b:s5+s2], $0x80, v3, vm0, $0xb8;
	[tilespmem:$0x18100] =	vst v63  }
0xaa: {  	_ = 	snop  }
0xab: {  	[tilespmem:s17], [sflag:$0x4] =	stream.indirect_vreg.gather [hbm4b:s6+s2], $0x80, v3, vm0, $0xb8;
	[tilespmem:$0x18100] =	vst v63  }
0xac: {  	_ =	swait.ge [sflag:s18], $0x6000  }
0xad: {  	[sflag:s18] =	ssyncset.done $0x0  }
0xae: {  	s29 =	simm.s32 $0x0;
	[sflag:s18] =	ssyncadd.s32 $0xFFFFA000  }
0xaf: {  	s24 =	smul.u32 $0x1800, s29;
	_ =	swait.ge [sflag:s19], $0x6000  }
0xb0: {  	s25 =	sand.u32 $0x380, s2;
	[sflag:s19] =	ssyncset.done $0x0  }
0xb1: {  	s24 =	sor.u32 s25, s24;
	[sflag:s19] =	ssyncadd.s32 $0xFFFFA000  }
0xb2: {  	v12 =	vld [tilespmem:s24+$0xC100]  }
0xb3: {  	v13 =	vld [tilespmem:s24+$0xC110]  }
0xb4: {  	v14 =	vld [tilespmem:s24+$0xC120]  }
0xb5: {  	v15 =	vld [tilespmem:s24+$0xC130]  }
0xb6: {  	v16 =	vld [tilespmem:s24+$0xC140]  }
0xb7: {  	v17 =	vld [tilespmem:s24+$0xC150]  }
0xb8: {  	v18 =	vld [tilespmem:s24+$0xC160]  }
0xb9: {  	v19 =	vld [tilespmem:s24+$0xC170]  }
0xba: {  	v20 =	vld [tilespmem:s24+$0xC500]  }
0xbb: {  	v21 =	vld [tilespmem:s24+$0xC510]  }
0xbc: {  	v22 =	vld [tilespmem:s24+$0xC520]  }
0xbd: {  	v23 =	vld [tilespmem:s24+$0xC530]  }
0xbe: {  	v24 =	vld [tilespmem:s24+$0xC540]  }
0xbf: {  	v25 =	vld [tilespmem:s24+$0xC550]  }
0xc0: {  	v26 =	vld [tilespmem:s24+$0xC560]  }
0xc1: {  	v27 =	vld [tilespmem:s24+$0xC570]  }
0xc2: {  	v28 =	vld [tilespmem:s24+$0xC900]  }
0xc3: {  	v29 =	vld [tilespmem:s24+$0xC910]  }
0xc4: {  	v30 =	vld [tilespmem:s24+$0xC920]  }
0xc5: {  	v31 =	vld [tilespmem:s24+$0xC930]  }
0xc6: {  	v32 =	vld [tilespmem:s24+$0xC940]  }
0xc7: {  	v33 =	vld [tilespmem:s24+$0xC950]  }
0xc8: {  	v34 =	vld [tilespmem:s24+$0xC960]  }
0xc9: {  	v35 =	vld [tilespmem:s24+$0xC970]  }
0xca: {  	v36 =	vld [tilespmem:s24+$0xCD00]  }
0xcb: {  	v37 =	vld [tilespmem:s24+$0xCD10]  }
0xcc: {  	v38 =	vld [tilespmem:s24+$0xCD20]  }
0xcd: {  	v39 =	vld [tilespmem:s24+$0xCD30]  }
0xce: {  	v40 =	vld [tilespmem:s24+$0xCD40]  }
0xcf: {  	v41 =	vld [tilespmem:s24+$0xCD50]  }
0xd0: {  	v42 =	vld [tilespmem:s24+$0xCD60]  }
0xd1: {  	v43 =	vld [tilespmem:s24+$0xCD70]  }
0xd2: {  	v44 =	vld [tilespmem:s24+$0xD100]  }
0xd3: {  	v45 =	vld [tilespmem:s24+$0xD110]  }
0xd4: {  	v46 =	vld [tilespmem:s24+$0xD120]  }
0xd5: {  	v47 =	vld [tilespmem:s24+$0xD130]  }
0xd6: {  	v48 =	vld [tilespmem:s24+$0xD140]  }
0xd7: {  	v49 =	vld [tilespmem:s24+$0xD150]  }
0xd8: {  	v50 =	vld [tilespmem:s24+$0xD160]  }
0xd9: {  	v11 =	vld [tilespmem:s24+$0xD170]  }
0xda: {  	v10 =	vld [tilespmem:s24+$0xD500]  }
0xdb: {  	v9 =	vld [tilespmem:s24+$0xD510]  }
0xdc: {  	v8 =	vld [tilespmem:s24+$0xD520]  }
0xdd: {  	v7 =	vld [tilespmem:s24+$0xD530]  }
0xde: {  	v6 =	vld [tilespmem:s24+$0xD540]  }
0xdf: {  	v51 =	vld [tilespmem:s24+$0x100]  }
0xe0: {  	v52 =	vld [tilespmem:s24+$0x110]  }
0xe1: {  	v53 =	vld [tilespmem:s24+$0x120]  }
0xe2: {  	v54 =	vld [tilespmem:s24+$0x130]  }
0xe3: {  	v55 =	vld [tilespmem:s24+$0x140]  }
0xe4: {  	v62 =	vld [tilespmem:s24+$0x150];
	v12 =	vadd.f32 v12, v51  }
0xe5: {  	v63 =	vld [tilespmem:s24+$0x160];
	v13 =	vadd.f32 v13, v52  }
0xe6: {  	[tilespmem:s24+$0x100] =	vst v12;
	v12 =	vadd.f32 v14, v53;
	v14 =	vld [tilespmem:s24+$0x170]  }
0xe7: {  	[tilespmem:s24+$0x110] =	vst v13;
	v13 =	vadd.f32 v15, v54;
	v15 =	vld [tilespmem:s24+$0x500]  }
0xe8: {  	[tilespmem:s24+$0x120] =	vst v12;
	v12 =	vadd.f32 v16, v55;
	v16 =	vld [tilespmem:s24+$0x510]  }
0xe9: {  	[tilespmem:s24+$0x130] =	vst v13;
	v13 =	vadd.f32 v17, v62;
	v17 =	vld [tilespmem:s24+$0x520]  }
0xea: {  	v5 =	vld [tilespmem:s24+$0xD550]  }
0xeb: {  	[tilespmem:s24+$0x140] =	vst v12;
	v12 =	vadd.f32 v18, v63;
	v18 =	vld [tilespmem:s24+$0x570]  }
0xec: {  	[tilespmem:s24+$0x150] =	vst v13;
	v13 =	vadd.f32 v19, v14;
	v14 =	vld [tilespmem:s24+$0x530]  }
0xed: {  	[tilespmem:s24+$0x160] =	vst v12;
	v12 =	vadd.f32 v20, v15;
	v15 =	vld [tilespmem:s24+$0x540]  }
0xee: {  	[tilespmem:s24+$0x170] =	vst v13;
	v13 =	vadd.f32 v21, v16;
	v16 =	vadd.f32 v22, v17;
	v17 =	vld [tilespmem:s24+$0x560]  }
0xef: {  	[tilespmem:s24+$0x500] =	vst v12;
	v12 =	vld [tilespmem:s24+$0x550]  }
0xf0: {  	[tilespmem:s24+$0x510] =	vst v13;
	v13 =	vld [tilespmem:s24+$0x900];
	v18 =	vadd.f32 v27, v18  }
0xf1: {  	[tilespmem:s24+$0x520] =	vst v16;
	v16 =	vld [tilespmem:s24+$0x910];
	v14 =	vadd.f32 v23, v14  }
0xf2: {  	v4 =	vld [tilespmem:s24+$0xD560];
	v15 =	vadd.f32 v24, v15;
	[tilespmem:s24+$0x570] =	vst v18  }
0xf3: {  	[tilespmem:s24+$0x530] =	vst v14;
	v14 =	vld [tilespmem:s24+$0x920];
	v17 =	vadd.f32 v26, v17  }
0xf4: {  	v12 =	vadd.f32 v25, v12;
	[tilespmem:s24+$0x540] =	vst v15;
	v15 =	vld [tilespmem:s24+$0x930]  }
0xf5: {  	v18 =	vld [tilespmem:s24+$0x970];
	[tilespmem:s24+$0x560] =	vst v17;
	v13 =	vadd.f32 v28, v13  }
0xf6: {  	v16 =	vadd.f32 v29, v16;
	[tilespmem:s24+$0x550] =	vst v12;
	v12 =	vld [tilespmem:s24+$0x940]  }
0xf7: {  	v17 =	vld [tilespmem:s24+$0x950];
	[tilespmem:s24+$0x900] =	vst v13  }
0xf8: {  	[tilespmem:s24+$0x910] =	vst v16;
	v16 =	vld [tilespmem:s24+$0x960];
	v13 =	vadd.f32 v30, v14  }
0xf9: {  	v14 =	vld [tilespmem:s24+$0xD00];
	v15 =	vadd.f32 v31, v15  }
0xfa: {  	[tilespmem:s24+$0x920] =	vst v13;
	v13 =	vld [tilespmem:s24+$0xD10]  }
0xfb: {  	v12 =	vadd.f32 v32, v12;
	[tilespmem:s24+$0x930] =	vst v15;
	v15 =	vld [tilespmem:s24+$0xD20]  }
0xfc: {  	v3 =	vld [tilespmem:s24+$0xD570];
	v17 =	vadd.f32 v33, v17  }
0xfd: {  	v16 =	vadd.f32 v34, v16;
	[tilespmem:s24+$0x940] =	vst v12;
	v12 =	vld [tilespmem:s24+$0xD30]  }
0xfe: {  	[tilespmem:s24+$0x950] =	vst v17;
	v17 =	vld [tilespmem:s24+$0xD40];
	v14 =	vadd.f32 v36, v14  }
0xff: {  	v18 =	vadd.f32 v35, v18;
	[tilespmem:s24+$0x960] =	vst v16;
	v16 =	vld [tilespmem:s24+$0xD50]  }
0x100: {  	v13 =	vadd.f32 v37, v13;
	[tilespmem:s24+$0xD00] =	vst v14;
	v14 =	vadd.f32 v38, v15;
	v15 =	vld [tilespmem:s24+$0xD60]  }
0x101: {  	[tilespmem:s24+$0x970] =	vst v18;
	v18 =	vld [tilespmem:s24+$0xD70]  }
0x102: {  	[tilespmem:s24+$0xD10] =	vst v13;
	v13 =	vld [tilespmem:s24+$0x1100];
	v12 =	vadd.f32 v39, v12  }
0x103: {  	v17 =	vadd.f32 v40, v17;
	[tilespmem:s24+$0xD20] =	vst v14;
	v14 =	vld [tilespmem:s24+$0x1110]  }
0x104: {  	v16 =	vadd.f32 v41, v16;
	[tilespmem:s24+$0xD30] =	vst v12;
	v12 =	vld [tilespmem:s24+$0x1120]  }
0x105: {  	[tilespmem:s24+$0xD40] =	vst v17;
	v17 =	vld [tilespmem:s24+$0x1130];
	v15 =	vadd.f32 v42, v15  }
0x106: {  	v19 =	vld [tilespmem:s24+$0x1140];
	[tilespmem:s24+$0xD50] =	vst v16;
	v16 =	vadd.f32 v43, v18  }
0x107: {  	v18 =	vld [tilespmem:s24+$0x1150];
	v13 =	vadd.f32 v44, v13;
	[tilespmem:s24+$0xD60] =	vst v15  }
0x108: {  	v20 =	vld [tilespmem:s24+$0x1160];
	[tilespmem:s24+$0xD70] =	vst v16;
	v14 =	vadd.f32 v45, v14  }
0x109: {  	v16 =	vld [tilespmem:s24+$0x1170];
	[tilespmem:s24+$0x1100] =	vst v13;
	v12 =	vadd.f32 v46, v12  }
0x10a: {  	v15 =	vld [tilespmem:s24+$0x1500];
	v13 =	vadd.f32 v47, v17;
	[tilespmem:s24+$0x1110] =	vst v14  }
0x10b: {  	v14 =	vld [tilespmem:s24+$0x1510];
	[tilespmem:s24+$0x1120] =	vst v12;
	v12 =	vadd.f32 v48, v19  }
0x10c: {  	[tilespmem:s24+$0x1130] =	vst v13;
	v13 =	vld [tilespmem:s24+$0x1520];
	v18 =	vadd.f32 v49, v18  }
0x10d: {  	s25 =	simm.s32 $0x1;
	s26 =	simm.s32 $0x0;
	v17 =	vadd.f32 v50, v20;
	[tilespmem:s24+$0x1140] =	vst v12;
	v12 =	vld [tilespmem:s24+$0x1530]  }
.LBB2_2:
0x10e: {  	s28 =	sshrl.u32 s25, $0x3;
	p0 =	sne.s32 s25, $0x1F;
	[tilespmem:s24+$0x1150] =	vst v18;
	v11 =	vadd.f32 v11, v16;
	v16 =	vld [tilespmem:s24+$0x1540]  }
0x10f: {  	s26 =	sadd.s32 $0x80, s26;
	s28 =	smul.u32 $0x1800, s28;
	[tilespmem:s24+$0x1160] =	vst v17;
	v10 =	vadd.f32 v10, v15;
	v15 =	vld [tilespmem:s24+$0x1550]  }
0x110: {  	s29 =	sand.u32 $0x380, s26;
	[tilespmem:s24+$0x1170] =	vst v11;
	v9 =	vadd.f32 v9, v14;
	v11 =	vld [tilespmem:s24+$0x1560]  }
0x111: {  	s28 =	sor.u32 s29, s28;
	[tilespmem:s24+$0x1500] =	vst v10;
	v8 =	vadd.f32 v8, v13;
	v10 =	vld [tilespmem:s24+$0x1570]  }
0x112: {  	v39 =	vld [tilespmem:s28+$0xC100];
	[tilespmem:s24+$0x1510] =	vst v9;
	v7 =	vadd.f32 v7, v12  }
0x113: {  	v40 =	vld [tilespmem:s28+$0xC110];
	[tilespmem:s24+$0x1520] =	vst v8;
	v6 =	vadd.f32 v6, v16  }
0x114: {  	v41 =	vld [tilespmem:s28+$0xC120];
	[tilespmem:s24+$0x1530] =	vst v7;
	v5 =	vadd.f32 v5, v15  }
0x115: {  	v42 =	vld [tilespmem:s28+$0xC130];
	[tilespmem:s24+$0x1540] =	vst v6;
	v4 =	vadd.f32 v4, v11  }
0x116: {  	v43 =	vld [tilespmem:s28+$0xC140];
	[tilespmem:s24+$0x1550] =	vst v5;
	v3 =	vadd.f32 v3, v10  }
0x117: {  	v44 =	vld [tilespmem:s28+$0xC150];
	[tilespmem:s24+$0x1560] =	vst v4  }
0x118: {  	v45 =	vld [tilespmem:s28+$0xC160];
	[tilespmem:s24+$0x1570] =	vst v3;
	s24 =	smov.u32 s28  }
0x119: {  	v46 =	vld [tilespmem:s24+$0xC170]  }
0x11a: {  	v47 =	vld [tilespmem:s24+$0xC500]  }
0x11b: {  	v48 =	vld [tilespmem:s24+$0xC510]  }
0x11c: {  	v49 =	vld [tilespmem:s24+$0xC520]  }
0x11d: {  	v50 =	vld [tilespmem:s24+$0xC530]  }
0x11e: {  	v38 =	vld [tilespmem:s24+$0xC540]  }
0x11f: {  	v37 =	vld [tilespmem:s24+$0xC550]  }
0x120: {  	v36 =	vld [tilespmem:s24+$0xC560]  }
0x121: {  	v35 =	vld [tilespmem:s24+$0xC570]  }
0x122: {  	v34 =	vld [tilespmem:s24+$0xC900]  }
0x123: {  	v33 =	vld [tilespmem:s24+$0xC910]  }
0x124: {  	v32 =	vld [tilespmem:s24+$0xC920]  }
0x125: {  	v31 =	vld [tilespmem:s24+$0xC930]  }
0x126: {  	v30 =	vld [tilespmem:s24+$0xC940]  }
0x127: {  	v29 =	vld [tilespmem:s24+$0xC950]  }
0x128: {  	v28 =	vld [tilespmem:s24+$0xC960]  }
0x129: {  	v27 =	vld [tilespmem:s24+$0xC970]  }
0x12a: {  	v26 =	vld [tilespmem:s24+$0xCD00]  }
0x12b: {  	v25 =	vld [tilespmem:s24+$0xCD10]  }
0x12c: {  	v24 =	vld [tilespmem:s24+$0xCD20]  }
0x12d: {  	v23 =	vld [tilespmem:s24+$0xCD30]  }
0x12e: {  	v22 =	vld [tilespmem:s24+$0xCD40]  }
0x12f: {  	v21 =	vld [tilespmem:s24+$0xCD50]  }
0x130: {  	v20 =	vld [tilespmem:s24+$0xCD60]  }
0x131: {  	v19 =	vld [tilespmem:s24+$0xCD70]  }
0x132: {  	v18 =	vld [tilespmem:s24+$0xD100]  }
0x133: {  	v17 =	vld [tilespmem:s24+$0xD110]  }
0x134: {  	v16 =	vld [tilespmem:s24+$0xD120]  }
0x135: {  	v15 =	vld [tilespmem:s24+$0xD130]  }
0x136: {  	v14 =	vld [tilespmem:s24+$0xD140]  }
0x137: {  	v13 =	vld [tilespmem:s24+$0xD150]  }
0x138: {  	v12 =	vld [tilespmem:s24+$0xD160]  }
0x139: {  	v11 =	vld [tilespmem:s24+$0xD170]  }
0x13a: {  	v10 =	vld [tilespmem:s24+$0xD500]  }
0x13b: {  	v9 =	vld [tilespmem:s24+$0xD510]  }
0x13c: {  	v8 =	vld [tilespmem:s24+$0xD520]  }
0x13d: {  	v7 =	vld [tilespmem:s24+$0xD530]  }
0x13e: {  	v6 =	vld [tilespmem:s24+$0xD540]  }
0x13f: {  	v5 =	vld [tilespmem:s24+$0xD550]  }
0x140: {  	v4 =	vld [tilespmem:s24+$0xD560]  }
0x141: {  	v3 =	vld [tilespmem:s24+$0xD570]  }
0x142: {  	v51 =	vld [tilespmem:s24+$0x100]  }
0x143: {  	v52 =	vld [tilespmem:s24+$0x110]  }
0x144: {  	v53 =	vld [tilespmem:s24+$0x120]  }
0x145: {  	v54 =	vld [tilespmem:s24+$0x130]  }
0x146: {  	v55 =	vld [tilespmem:s24+$0x140]  }
0x147: {  	v39 =	vadd.f32 v39, v51;
	v51 =	vld [tilespmem:s24+$0x150]  }
0x148: {  	v40 =	vadd.f32 v40, v52;
	v52 =	vld [tilespmem:s24+$0x160]  }
0x149: {  	[tilespmem:s24+$0x100] =	vst v39;
	v39 =	vadd.f32 v41, v53;
	v41 =	vld [tilespmem:s24+$0x170]  }
0x14a: {  	[tilespmem:s24+$0x110] =	vst v40;
	v40 =	vadd.f32 v42, v54;
	v42 =	vld [tilespmem:s24+$0x500]  }
0x14b: {  	[tilespmem:s24+$0x120] =	vst v39;
	v39 =	vadd.f32 v43, v55;
	v43 =	vld [tilespmem:s24+$0x510]  }
0x14c: {  	[tilespmem:s24+$0x130] =	vst v40;
	v40 =	vadd.f32 v44, v51;
	v44 =	vld [tilespmem:s24+$0x520]  }
0x14d: {  	[tilespmem:s24+$0x140] =	vst v39;
	v39 =	vadd.f32 v45, v52;
	v45 =	vld [tilespmem:s24+$0x530]  }
0x14e: {  	[tilespmem:s24+$0x150] =	vst v40;
	v40 =	vadd.f32 v46, v41;
	v41 =	vld [tilespmem:s24+$0x540]  }
0x14f: {  	[tilespmem:s24+$0x160] =	vst v39;
	v39 =	vadd.f32 v47, v42;
	v42 =	vld [tilespmem:s24+$0x550]  }
0x150: {  	[tilespmem:s24+$0x170] =	vst v40;
	v40 =	vadd.f32 v48, v43;
	v43 =	vld [tilespmem:s24+$0x560]  }
0x151: {  	[tilespmem:s24+$0x500] =	vst v39;
	v39 =	vadd.f32 v49, v44;
	v44 =	vld [tilespmem:s24+$0x570]  }
0x152: {  	[tilespmem:s24+$0x510] =	vst v40;
	v40 =	vadd.f32 v50, v45;
	v45 =	vld [tilespmem:s24+$0x900]  }
0x153: {  	[tilespmem:s24+$0x520] =	vst v39;
	v38 =	vadd.f32 v38, v41;
	v39 =	vld [tilespmem:s24+$0x910]  }
0x154: {  	[tilespmem:s24+$0x530] =	vst v40;
	v37 =	vadd.f32 v37, v42;
	v40 =	vld [tilespmem:s24+$0x920]  }
0x155: {  	[tilespmem:s24+$0x540] =	vst v38;
	v36 =	vadd.f32 v36, v43;
	v38 =	vld [tilespmem:s24+$0x930]  }
0x156: {  	[tilespmem:s24+$0x550] =	vst v37;
	v35 =	vadd.f32 v35, v44;
	v37 =	vld [tilespmem:s24+$0x940]  }
0x157: {  	[tilespmem:s24+$0x560] =	vst v36;
	v34 =	vadd.f32 v34, v45;
	v36 =	vld [tilespmem:s24+$0x950]  }
0x158: {  	[tilespmem:s24+$0x570] =	vst v35;
	v33 =	vadd.f32 v33, v39;
	v35 =	vld [tilespmem:s24+$0x960]  }
0x159: {  	[tilespmem:s24+$0x900] =	vst v34;
	v32 =	vadd.f32 v32, v40;
	v34 =	vld [tilespmem:s24+$0x970]  }
0x15a: {  	[tilespmem:s24+$0x910] =	vst v33;
	v31 =	vadd.f32 v31, v38;
	v33 =	vld [tilespmem:s24+$0xD00]  }
0x15b: {  	[tilespmem:s24+$0x920] =	vst v32;
	v30 =	vadd.f32 v30, v37;
	v32 =	vld [tilespmem:s24+$0xD10]  }
0x15c: {  	[tilespmem:s24+$0x930] =	vst v31;
	v29 =	vadd.f32 v29, v36;
	v31 =	vld [tilespmem:s24+$0xD20]  }
0x15d: {  	[tilespmem:s24+$0x940] =	vst v30;
	v28 =	vadd.f32 v28, v35;
	v30 =	vld [tilespmem:s24+$0xD30]  }
0x15e: {  	[tilespmem:s24+$0x950] =	vst v29;
	v27 =	vadd.f32 v27, v34;
	v29 =	vld [tilespmem:s24+$0xD40]  }
0x15f: {  	[tilespmem:s24+$0x960] =	vst v28;
	v26 =	vadd.f32 v26, v33;
	v28 =	vld [tilespmem:s24+$0xD50]  }
0x160: {  	[tilespmem:s24+$0x970] =	vst v27;
	v25 =	vadd.f32 v25, v32;
	v27 =	vld [tilespmem:s24+$0xD60]  }
0x161: {  	[tilespmem:s24+$0xD00] =	vst v26;
	v24 =	vadd.f32 v24, v31;
	v26 =	vld [tilespmem:s24+$0xD70]  }
0x162: {  	[tilespmem:s24+$0xD10] =	vst v25;
	v23 =	vadd.f32 v23, v30;
	v25 =	vld [tilespmem:s24+$0x1100]  }
0x163: {  	[tilespmem:s24+$0xD20] =	vst v24;
	v22 =	vadd.f32 v22, v29;
	v24 =	vld [tilespmem:s24+$0x1110]  }
0x164: {  	[tilespmem:s24+$0xD30] =	vst v23;
	v21 =	vadd.f32 v21, v28;
	v23 =	vld [tilespmem:s24+$0x1120]  }
0x165: {  	[tilespmem:s24+$0xD40] =	vst v22;
	v20 =	vadd.f32 v20, v27;
	v22 =	vld [tilespmem:s24+$0x1130]  }
0x166: {  	[tilespmem:s24+$0xD50] =	vst v21;
	v19 =	vadd.f32 v19, v26;
	v21 =	vld [tilespmem:s24+$0x1140]  }
0x167: {  	[tilespmem:s24+$0xD60] =	vst v20;
	v18 =	vadd.f32 v18, v25;
	v20 =	vld [tilespmem:s24+$0x1150]  }
0x168: {  	[tilespmem:s24+$0xD70] =	vst v19;
	v17 =	vadd.f32 v17, v24;
	v19 =	vld [tilespmem:s24+$0x1160]  }
.Ltmp0:
0x169: {  	[tilespmem:s24+$0x1100] =	vst v18;
	v18 =	vadd.f32 v16, v23;
	v16 =	vld [tilespmem:s24+$0x1170];
	(pc) =	sbr.rel @p0 .LBB2_2-.Ltmp0, $4  }
0x16a: {  	[tilespmem:s24+$0x1110] =	vst v17;
	v17 =	vadd.f32 v15, v22;
	v15 =	vld [tilespmem:s24+$0x1500]  }
0x16b: {  	[tilespmem:s24+$0x1120] =	vst v18;
	v21 =	vadd.f32 v14, v21;
	v14 =	vld [tilespmem:s24+$0x1510]  }
0x16c: {  	[tilespmem:s24+$0x1130] =	vst v17;
	v18 =	vadd.f32 v13, v20;
	v13 =	vld [tilespmem:s24+$0x1520]  }
0x16d: {  	s25 =	sadd.s32 $0x1, s25;
	[tilespmem:s24+$0x1140] =	vst v21;
	v17 =	vadd.f32 v12, v19;
	v12 =	vld [tilespmem:s24+$0x1530]  }
0x16e: {  	[tilespmem:s24+$0x1150] =	vst v18;
	v18 =	vld [tilespmem:s24+$0x1540];
	v11 =	vadd.f32 v11, v16  }
0x16f: {  	v16 =	vld [tilespmem:s24+$0x1550];
	[tilespmem:s24+$0x1160] =	vst v17;
	v10 =	vadd.f32 v10, v15  }
0x170: {  	[tilespmem:s24+$0x1170] =	vst v11;
	v9 =	vadd.f32 v9, v14;
	v11 =	vld [tilespmem:s24+$0x1560]  }
0x171: {  	[tilespmem:s24+$0x1500] =	vst v10;
	v8 =	vadd.f32 v8, v13;
	v10 =	vld [tilespmem:s24+$0x1570]  }
0x172: {  	[tilespmem:s24+$0x1510] =	vst v9;
	v7 =	vadd.f32 v7, v12  }
0x173: {  	[tilespmem:s24+$0x1520] =	vst v8;
	v6 =	vadd.f32 v6, v18  }
0x174: {  	v5 =	vadd.f32 v5, v16;
	[tilespmem:s24+$0x1530] =	vst v7  }
0x175: {  	[tilespmem:s24+$0x1540] =	vst v6;
	v4 =	vadd.f32 v4, v11  }
0x176: {  	[tilespmem:s24+$0x1550] =	vst v5;
	v3 =	vadd.f32 v3, v10  }
0x177: {  	[tilespmem:s24+$0x1560] =	vst v4  }
0x178: {  	[tilespmem:s24+$0x1570] =	vst v3  }
0x179: {  	[hbm4b:s7+s2] =	stream.linear.scatter [tilespmem:s11], [sflag:$0x5], $0x6000, $0x38;
	[tilespmem:$0x18100] =	vst v63  }
0x17a: {  	_ =	swait.ge [sflag:s20], $0x6000  }
0x17b: {  	[sflag:s20] =	ssyncset.done $0x0  }
0x17c: {  	s29 =	simm.s32 $0x4;
	[sflag:s20] =	ssyncadd.s32 $0xFFFFA000  }
0x17d: {  	s25 =	simm.s32 $0x1000;
	s24 =	smul.u32 $0x1800, s29;
	_ =	swait.ge [sflag:s21], $0x6000  }
0x17e: {  	s26 =	sand.u32 $0x380, s25;
	[sflag:s21] =	ssyncset.done $0x0  }
0x17f: {  	s24 =	sor.u32 s26, s24;
	[sflag:s21] =	ssyncadd.s32 $0xFFFFA000  }
0x180: {  	v12 =	vld [tilespmem:s24+$0xC100]  }
0x181: {  	v13 =	vld [tilespmem:s24+$0xC110]  }
0x182: {  	v14 =	vld [tilespmem:s24+$0xC120]  }
0x183: {  	v15 =	vld [tilespmem:s24+$0xC130]  }
0x184: {  	v16 =	vld [tilespmem:s24+$0xC140]  }
0x185: {  	v17 =	vld [tilespmem:s24+$0xC150]  }
0x186: {  	v18 =	vld [tilespmem:s24+$0xC160]  }
0x187: {  	v19 =	vld [tilespmem:s24+$0xC170]  }
0x188: {  	v20 =	vld [tilespmem:s24+$0xC500]  }
0x189: {  	v21 =	vld [tilespmem:s24+$0xC510]  }
0x18a: {  	v22 =	vld [tilespmem:s24+$0xC520]  }
0x18b: {  	v23 =	vld [tilespmem:s24+$0xC530]  }
0x18c: {  	v24 =	vld [tilespmem:s24+$0xC540]  }
0x18d: {  	v25 =	vld [tilespmem:s24+$0xC550]  }
0x18e: {  	v26 =	vld [tilespmem:s24+$0xC560]  }
0x18f: {  	v27 =	vld [tilespmem:s24+$0xC570]  }
0x190: {  	v28 =	vld [tilespmem:s24+$0xC900]  }
0x191: {  	v29 =	vld [tilespmem:s24+$0xC910]  }
0x192: {  	v30 =	vld [tilespmem:s24+$0xC920]  }
0x193: {  	v31 =	vld [tilespmem:s24+$0xC930]  }
0x194: {  	v32 =	vld [tilespmem:s24+$0xC940]  }
0x195: {  	v33 =	vld [tilespmem:s24+$0xC950]  }
0x196: {  	v34 =	vld [tilespmem:s24+$0xC960]  }
0x197: {  	v35 =	vld [tilespmem:s24+$0xC970]  }
0x198: {  	v36 =	vld [tilespmem:s24+$0xCD00]  }
0x199: {  	v37 =	vld [tilespmem:s24+$0xCD10]  }
0x19a: {  	v38 =	vld [tilespmem:s24+$0xCD20]  }
0x19b: {  	v39 =	vld [tilespmem:s24+$0xCD30]  }
0x19c: {  	v40 =	vld [tilespmem:s24+$0xCD40]  }
0x19d: {  	v41 =	vld [tilespmem:s24+$0xCD50]  }
0x19e: {  	v42 =	vld [tilespmem:s24+$0xCD60]  }
0x19f: {  	v43 =	vld [tilespmem:s24+$0xCD70]  }
0x1a0: {  	v44 =	vld [tilespmem:s24+$0xD100]  }
0x1a1: {  	v45 =	vld [tilespmem:s24+$0xD110]  }
0x1a2: {  	v46 =	vld [tilespmem:s24+$0xD120]  }
0x1a3: {  	v47 =	vld [tilespmem:s24+$0xD130]  }
0x1a4: {  	v48 =	vld [tilespmem:s24+$0xD140]  }
0x1a5: {  	v49 =	vld [tilespmem:s24+$0xD150]  }
0x1a6: {  	v50 =	vld [tilespmem:s24+$0xD160]  }
0x1a7: {  	v11 =	vld [tilespmem:s24+$0xD170]  }
0x1a8: {  	v10 =	vld [tilespmem:s24+$0xD500]  }
0x1a9: {  	v9 =	vld [tilespmem:s24+$0xD510]  }
0x1aa: {  	v8 =	vld [tilespmem:s24+$0xD520]  }
0x1ab: {  	v7 =	vld [tilespmem:s24+$0xD530]  }
0x1ac: {  	v6 =	vld [tilespmem:s24+$0xD540]  }
0x1ad: {  	v51 =	vld [tilespmem:s24+$0x100]  }
0x1ae: {  	v52 =	vld [tilespmem:s24+$0x110]  }
0x1af: {  	v53 =	vld [tilespmem:s24+$0x120]  }
0x1b0: {  	v54 =	vld [tilespmem:s24+$0x130]  }
0x1b1: {  	v55 =	vld [tilespmem:s24+$0x140]  }
0x1b2: {  	v62 =	vld [tilespmem:s24+$0x150];
	v12 =	vadd.f32 v12, v51  }
0x1b3: {  	v63 =	vld [tilespmem:s24+$0x160];
	v13 =	vadd.f32 v13, v52  }
0x1b4: {  	[tilespmem:s24+$0x100] =	vst v12;
	v12 =	vadd.f32 v14, v53;
	v14 =	vld [tilespmem:s24+$0x170]  }
0x1b5: {  	[tilespmem:s24+$0x110] =	vst v13;
	v13 =	vadd.f32 v15, v54;
	v15 =	vld [tilespmem:s24+$0x500]  }
0x1b6: {  	[tilespmem:s24+$0x120] =	vst v12;
	v12 =	vadd.f32 v16, v55;
	v16 =	vld [tilespmem:s24+$0x510]  }
0x1b7: {  	[tilespmem:s24+$0x130] =	vst v13;
	v13 =	vadd.f32 v17, v62;
	v17 =	vld [tilespmem:s24+$0x520]  }
0x1b8: {  	v5 =	vld [tilespmem:s24+$0xD550]  }
0x1b9: {  	[tilespmem:s24+$0x140] =	vst v12;
	v12 =	vadd.f32 v18, v63;
	v18 =	vld [tilespmem:s24+$0x570]  }
0x1ba: {  	[tilespmem:s24+$0x150] =	vst v13;
	v13 =	vadd.f32 v19, v14;
	v14 =	vld [tilespmem:s24+$0x530]  }
0x1bb: {  	[tilespmem:s24+$0x160] =	vst v12;
	v12 =	vadd.f32 v20, v15;
	v15 =	vld [tilespmem:s24+$0x540]  }
0x1bc: {  	[tilespmem:s24+$0x170] =	vst v13;
	v13 =	vadd.f32 v21, v16;
	v16 =	vadd.f32 v22, v17;
	v17 =	vld [tilespmem:s24+$0x560]  }
0x1bd: {  	[tilespmem:s24+$0x500] =	vst v12;
	v12 =	vld [tilespmem:s24+$0x550]  }
0x1be: {  	[tilespmem:s24+$0x510] =	vst v13;
	v13 =	vld [tilespmem:s24+$0x900];
	v18 =	vadd.f32 v27, v18  }
0x1bf: {  	[tilespmem:s24+$0x520] =	vst v16;
	v16 =	vld [tilespmem:s24+$0x910];
	v14 =	vadd.f32 v23, v14  }
0x1c0: {  	v4 =	vld [tilespmem:s24+$0xD560];
	v15 =	vadd.f32 v24, v15;
	[tilespmem:s24+$0x570] =	vst v18  }
0x1c1: {  	[tilespmem:s24+$0x530] =	vst v14;
	v14 =	vld [tilespmem:s24+$0x920];
	v17 =	vadd.f32 v26, v17  }
0x1c2: {  	v12 =	vadd.f32 v25, v12;
	[tilespmem:s24+$0x540] =	vst v15;
	v15 =	vld [tilespmem:s24+$0x930]  }
0x1c3: {  	v18 =	vld [tilespmem:s24+$0x970];
	[tilespmem:s24+$0x560] =	vst v17;
	v13 =	vadd.f32 v28, v13  }
0x1c4: {  	v16 =	vadd.f32 v29, v16;
	[tilespmem:s24+$0x550] =	vst v12;
	v12 =	vld [tilespmem:s24+$0x940]  }
0x1c5: {  	v17 =	vld [tilespmem:s24+$0x950];
	[tilespmem:s24+$0x900] =	vst v13  }
0x1c6: {  	[tilespmem:s24+$0x910] =	vst v16;
	v16 =	vld [tilespmem:s24+$0x960];
	v13 =	vadd.f32 v30, v14  }
0x1c7: {  	v14 =	vld [tilespmem:s24+$0xD00];
	v15 =	vadd.f32 v31, v15  }
0x1c8: {  	[tilespmem:s24+$0x920] =	vst v13;
	v13 =	vld [tilespmem:s24+$0xD10]  }
0x1c9: {  	v12 =	vadd.f32 v32, v12;
	[tilespmem:s24+$0x930] =	vst v15;
	v15 =	vld [tilespmem:s24+$0xD20]  }
0x1ca: {  	v3 =	vld [tilespmem:s24+$0xD570];
	v17 =	vadd.f32 v33, v17  }
0x1cb: {  	v16 =	vadd.f32 v34, v16;
	[tilespmem:s24+$0x940] =	vst v12;
	v12 =	vld [tilespmem:s24+$0xD30]  }
0x1cc: {  	[tilespmem:s24+$0x950] =	vst v17;
	v17 =	vld [tilespmem:s24+$0xD40];
	v14 =	vadd.f32 v36, v14  }
0x1cd: {  	v18 =	vadd.f32 v35, v18;
	[tilespmem:s24+$0x960] =	vst v16;
	v16 =	vld [tilespmem:s24+$0xD50]  }
0x1ce: {  	v13 =	vadd.f32 v37, v13;
	[tilespmem:s24+$0xD00] =	vst v14;
	v14 =	vadd.f32 v38, v15;
	v15 =	vld [tilespmem:s24+$0xD60]  }
0x1cf: {  	[tilespmem:s24+$0x970] =	vst v18;
	v18 =	vld [tilespmem:s24+$0xD70]  }
0x1d0: {  	[tilespmem:s24+$0xD10] =	vst v13;
	v13 =	vld [tilespmem:s24+$0x1100];
	v12 =	vadd.f32 v39, v12  }
0x1d1: {  	v17 =	vadd.f32 v40, v17;
	[tilespmem:s24+$0xD20] =	vst v14;
	v14 =	vld [tilespmem:s24+$0x1110]  }
0x1d2: {  	v16 =	vadd.f32 v41, v16;
	[tilespmem:s24+$0xD30] =	vst v12;
	v12 =	vld [tilespmem:s24+$0x1120]  }
0x1d3: {  	[tilespmem:s24+$0xD40] =	vst v17;
	v17 =	vld [tilespmem:s24+$0x1130];
	v15 =	vadd.f32 v42, v15  }
0x1d4: {  	v19 =	vld [tilespmem:s24+$0x1140];
	[tilespmem:s24+$0xD50] =	vst v16;
	v16 =	vadd.f32 v43, v18  }
0x1d5: {  	v18 =	vld [tilespmem:s24+$0x1150];
	v13 =	vadd.f32 v44, v13;
	[tilespmem:s24+$0xD60] =	vst v15  }
0x1d6: {  	v20 =	vld [tilespmem:s24+$0x1160];
	[tilespmem:s24+$0xD70] =	vst v16;
	v14 =	vadd.f32 v45, v14  }
0x1d7: {  	v16 =	vld [tilespmem:s24+$0x1170];
	[tilespmem:s24+$0x1100] =	vst v13;
	v12 =	vadd.f32 v46, v12  }
0x1d8: {  	v15 =	vld [tilespmem:s24+$0x1500];
	v13 =	vadd.f32 v47, v17;
	[tilespmem:s24+$0x1110] =	vst v14  }
0x1d9: {  	v14 =	vld [tilespmem:s24+$0x1510];
	[tilespmem:s24+$0x1120] =	vst v12;
	v12 =	vadd.f32 v48, v19  }
0x1da: {  	[tilespmem:s24+$0x1130] =	vst v13;
	v13 =	vld [tilespmem:s24+$0x1520];
	v18 =	vadd.f32 v49, v18  }
0x1db: {  	s26 =	simm.s32 $0x21;
	v17 =	vadd.f32 v50, v20;
	[tilespmem:s24+$0x1140] =	vst v12;
	v12 =	vld [tilespmem:s24+$0x1530]  }
.LBB2_4:
0x1dc: {  	s28 =	sshrl.u32 s26, $0x3;
	p0 =	sne.s32 s26, $0x3F;
	[tilespmem:s24+$0x1150] =	vst v18;
	v11 =	vadd.f32 v11, v16;
	v16 =	vld [tilespmem:s24+$0x1540]  }
0x1dd: {  	s25 =	sadd.s32 $0x80, s25;
	s28 =	smul.u32 $0x1800, s28;
	[tilespmem:s24+$0x1160] =	vst v17;
	v10 =	vadd.f32 v10, v15;
	v15 =	vld [tilespmem:s24+$0x1550]  }
0x1de: {  	s29 =	sand.u32 $0x380, s25;
	[tilespmem:s24+$0x1170] =	vst v11;
	v9 =	vadd.f32 v9, v14;
	v11 =	vld [tilespmem:s24+$0x1560]  }
0x1df: {  	s28 =	sor.u32 s29, s28;
	[tilespmem:s24+$0x1500] =	vst v10;
	v8 =	vadd.f32 v8, v13;
	v10 =	vld [tilespmem:s24+$0x1570]  }
0x1e0: {  	v39 =	vld [tilespmem:s28+$0xC100];
	[tilespmem:s24+$0x1510] =	vst v9;
	v7 =	vadd.f32 v7, v12  }
0x1e1: {  	v40 =	vld [tilespmem:s28+$0xC110];
	[tilespmem:s24+$0x1520] =	vst v8;
	v6 =	vadd.f32 v6, v16  }
0x1e2: {  	v41 =	vld [tilespmem:s28+$0xC120];
	[tilespmem:s24+$0x1530] =	vst v7;
	v5 =	vadd.f32 v5, v15  }
0x1e3: {  	v42 =	vld [tilespmem:s28+$0xC130];
	[tilespmem:s24+$0x1540] =	vst v6;
	v4 =	vadd.f32 v4, v11  }
0x1e4: {  	v43 =	vld [tilespmem:s28+$0xC140];
	[tilespmem:s24+$0x1550] =	vst v5;
	v3 =	vadd.f32 v3, v10  }
0x1e5: {  	v44 =	vld [tilespmem:s28+$0xC150];
	[tilespmem:s24+$0x1560] =	vst v4  }
0x1e6: {  	v45 =	vld [tilespmem:s28+$0xC160];
	[tilespmem:s24+$0x1570] =	vst v3;
	s24 =	smov.u32 s28  }
0x1e7: {  	v46 =	vld [tilespmem:s24+$0xC170]  }
0x1e8: {  	v47 =	vld [tilespmem:s24+$0xC500]  }
0x1e9: {  	v48 =	vld [tilespmem:s24+$0xC510]  }
0x1ea: {  	v49 =	vld [tilespmem:s24+$0xC520]  }
0x1eb: {  	v50 =	vld [tilespmem:s24+$0xC530]  }
0x1ec: {  	v38 =	vld [tilespmem:s24+$0xC540]  }
0x1ed: {  	v37 =	vld [tilespmem:s24+$0xC550]  }
0x1ee: {  	v36 =	vld [tilespmem:s24+$0xC560]  }
0x1ef: {  	v35 =	vld [tilespmem:s24+$0xC570]  }
0x1f0: {  	v34 =	vld [tilespmem:s24+$0xC900]  }
0x1f1: {  	v33 =	vld [tilespmem:s24+$0xC910]  }
0x1f2: {  	v32 =	vld [tilespmem:s24+$0xC920]  }
0x1f3: {  	v31 =	vld [tilespmem:s24+$0xC930]  }
0x1f4: {  	v30 =	vld [tilespmem:s24+$0xC940]  }
0x1f5: {  	v29 =	vld [tilespmem:s24+$0xC950]  }
0x1f6: {  	v28 =	vld [tilespmem:s24+$0xC960]  }
0x1f7: {  	v27 =	vld [tilespmem:s24+$0xC970]  }
0x1f8: {  	v26 =	vld [tilespmem:s24+$0xCD00]  }
0x1f9: {  	v25 =	vld [tilespmem:s24+$0xCD10]  }
0x1fa: {  	v24 =	vld [tilespmem:s24+$0xCD20]  }
0x1fb: {  	v23 =	vld [tilespmem:s24+$0xCD30]  }
0x1fc: {  	v22 =	vld [tilespmem:s24+$0xCD40]  }
0x1fd: {  	v21 =	vld [tilespmem:s24+$0xCD50]  }
0x1fe: {  	v20 =	vld [tilespmem:s24+$0xCD60]  }
0x1ff: {  	v19 =	vld [tilespmem:s24+$0xCD70]  }
0x200: {  	v18 =	vld [tilespmem:s24+$0xD100]  }
0x201: {  	v17 =	vld [tilespmem:s24+$0xD110]  }
0x202: {  	v16 =	vld [tilespmem:s24+$0xD120]  }
0x203: {  	v15 =	vld [tilespmem:s24+$0xD130]  }
0x204: {  	v14 =	vld [tilespmem:s24+$0xD140]  }
0x205: {  	v13 =	vld [tilespmem:s24+$0xD150]  }
0x206: {  	v12 =	vld [tilespmem:s24+$0xD160]  }
0x207: {  	v11 =	vld [tilespmem:s24+$0xD170]  }
0x208: {  	v10 =	vld [tilespmem:s24+$0xD500]  }
0x209: {  	v9 =	vld [tilespmem:s24+$0xD510]  }
0x20a: {  	v8 =	vld [tilespmem:s24+$0xD520]  }
0x20b: {  	v7 =	vld [tilespmem:s24+$0xD530]  }
0x20c: {  	v6 =	vld [tilespmem:s24+$0xD540]  }
0x20d: {  	v5 =	vld [tilespmem:s24+$0xD550]  }
0x20e: {  	v4 =	vld [tilespmem:s24+$0xD560]  }
0x20f: {  	v3 =	vld [tilespmem:s24+$0xD570]  }
0x210: {  	v51 =	vld [tilespmem:s24+$0x100]  }
0x211: {  	v52 =	vld [tilespmem:s24+$0x110]  }
0x212: {  	v53 =	vld [tilespmem:s24+$0x120]  }
0x213: {  	v54 =	vld [tilespmem:s24+$0x130]  }
0x214: {  	v55 =	vld [tilespmem:s24+$0x140]  }
0x215: {  	v39 =	vadd.f32 v39, v51;
	v51 =	vld [tilespmem:s24+$0x150]  }
0x216: {  	v40 =	vadd.f32 v40, v52;
	v52 =	vld [tilespmem:s24+$0x160]  }
0x217: {  	[tilespmem:s24+$0x100] =	vst v39;
	v39 =	vadd.f32 v41, v53;
	v41 =	vld [tilespmem:s24+$0x170]  }
0x218: {  	[tilespmem:s24+$0x110] =	vst v40;
	v40 =	vadd.f32 v42, v54;
	v42 =	vld [tilespmem:s24+$0x500]  }
0x219: {  	[tilespmem:s24+$0x120] =	vst v39;
	v39 =	vadd.f32 v43, v55;
	v43 =	vld [tilespmem:s24+$0x510]  }
0x21a: {  	[tilespmem:s24+$0x130] =	vst v40;
	v40 =	vadd.f32 v44, v51;
	v44 =	vld [tilespmem:s24+$0x520]  }
0x21b: {  	[tilespmem:s24+$0x140] =	vst v39;
	v39 =	vadd.f32 v45, v52;
	v45 =	vld [tilespmem:s24+$0x530]  }
0x21c: {  	[tilespmem:s24+$0x150] =	vst v40;
	v40 =	vadd.f32 v46, v41;
	v41 =	vld [tilespmem:s24+$0x540]  }
0x21d: {  	[tilespmem:s24+$0x160] =	vst v39;
	v39 =	vadd.f32 v47, v42;
	v42 =	vld [tilespmem:s24+$0x550]  }
0x21e: {  	[tilespmem:s24+$0x170] =	vst v40;
	v40 =	vadd.f32 v48, v43;
	v43 =	vld [tilespmem:s24+$0x560]  }
0x21f: {  	[tilespmem:s24+$0x500] =	vst v39;
	v39 =	vadd.f32 v49, v44;
	v44 =	vld [tilespmem:s24+$0x570]  }
0x220: {  	[tilespmem:s24+$0x510] =	vst v40;
	v40 =	vadd.f32 v50, v45;
	v45 =	vld [tilespmem:s24+$0x900]  }
0x221: {  	[tilespmem:s24+$0x520] =	vst v39;
	v38 =	vadd.f32 v38, v41;
	v39 =	vld [tilespmem:s24+$0x910]  }
0x222: {  	[tilespmem:s24+$0x530] =	vst v40;
	v37 =	vadd.f32 v37, v42;
	v40 =	vld [tilespmem:s24+$0x920]  }
0x223: {  	[tilespmem:s24+$0x540] =	vst v38;
	v36 =	vadd.f32 v36, v43;
	v38 =	vld [tilespmem:s24+$0x930]  }
0x224: {  	[tilespmem:s24+$0x550] =	vst v37;
	v35 =	vadd.f32 v35, v44;
	v37 =	vld [tilespmem:s24+$0x940]  }
0x225: {  	[tilespmem:s24+$0x560] =	vst v36;
	v34 =	vadd.f32 v34, v45;
	v36 =	vld [tilespmem:s24+$0x950]  }
0x226: {  	[tilespmem:s24+$0x570] =	vst v35;
	v33 =	vadd.f32 v33, v39;
	v35 =	vld [tilespmem:s24+$0x960]  }
0x227: {  	[tilespmem:s24+$0x900] =	vst v34;
	v32 =	vadd.f32 v32, v40;
	v34 =	vld [tilespmem:s24+$0x970]  }
0x228: {  	[tilespmem:s24+$0x910] =	vst v33;
	v31 =	vadd.f32 v31, v38;
	v33 =	vld [tilespmem:s24+$0xD00]  }
0x229: {  	[tilespmem:s24+$0x920] =	vst v32;
	v30 =	vadd.f32 v30, v37;
	v32 =	vld [tilespmem:s24+$0xD10]  }
0x22a: {  	[tilespmem:s24+$0x930] =	vst v31;
	v29 =	vadd.f32 v29, v36;
	v31 =	vld [tilespmem:s24+$0xD20]  }
0x22b: {  	[tilespmem:s24+$0x940] =	vst v30;
	v28 =	vadd.f32 v28, v35;
	v30 =	vld [tilespmem:s24+$0xD30]  }
0x22c: {  	[tilespmem:s24+$0x950] =	vst v29;
	v27 =	vadd.f32 v27, v34;
	v29 =	vld [tilespmem:s24+$0xD40]  }
0x22d: {  	[tilespmem:s24+$0x960] =	vst v28;
	v26 =	vadd.f32 v26, v33;
	v28 =	vld [tilespmem:s24+$0xD50]  }
0x22e: {  	[tilespmem:s24+$0x970] =	vst v27;
	v25 =	vadd.f32 v25, v32;
	v27 =	vld [tilespmem:s24+$0xD60]  }
0x22f: {  	[tilespmem:s24+$0xD00] =	vst v26;
	v24 =	vadd.f32 v24, v31;
	v26 =	vld [tilespmem:s24+$0xD70]  }
0x230: {  	[tilespmem:s24+$0xD10] =	vst v25;
	v23 =	vadd.f32 v23, v30;
	v25 =	vld [tilespmem:s24+$0x1100]  }
0x231: {  	[tilespmem:s24+$0xD20] =	vst v24;
	v22 =	vadd.f32 v22, v29;
	v24 =	vld [tilespmem:s24+$0x1110]  }
0x232: {  	[tilespmem:s24+$0xD30] =	vst v23;
	v21 =	vadd.f32 v21, v28;
	v23 =	vld [tilespmem:s24+$0x1120]  }
0x233: {  	[tilespmem:s24+$0xD40] =	vst v22;
	v20 =	vadd.f32 v20, v27;
	v22 =	vld [tilespmem:s24+$0x1130]  }
0x234: {  	[tilespmem:s24+$0xD50] =	vst v21;
	v19 =	vadd.f32 v19, v26;
	v21 =	vld [tilespmem:s24+$0x1140]  }
0x235: {  	[tilespmem:s24+$0xD60] =	vst v20;
	v18 =	vadd.f32 v18, v25;
	v20 =	vld [tilespmem:s24+$0x1150]  }
0x236: {  	[tilespmem:s24+$0xD70] =	vst v19;
	v17 =	vadd.f32 v17, v24;
	v19 =	vld [tilespmem:s24+$0x1160]  }
.Ltmp1:
0x237: {  	[tilespmem:s24+$0x1100] =	vst v18;
	v18 =	vadd.f32 v16, v23;
	v16 =	vld [tilespmem:s24+$0x1170];
	(pc) =	sbr.rel @p0 .LBB2_4-.Ltmp1, $4  }
0x238: {  	[tilespmem:s24+$0x1110] =	vst v17;
	v17 =	vadd.f32 v15, v22;
	v15 =	vld [tilespmem:s24+$0x1500]  }
0x239: {  	[tilespmem:s24+$0x1120] =	vst v18;
	v21 =	vadd.f32 v14, v21;
	v14 =	vld [tilespmem:s24+$0x1510]  }
0x23a: {  	[tilespmem:s24+$0x1130] =	vst v17;
	v18 =	vadd.f32 v13, v20;
	v13 =	vld [tilespmem:s24+$0x1520]  }
0x23b: {  	s26 =	sadd.s32 $0x1, s26;
	[tilespmem:s24+$0x1140] =	vst v21;
	v17 =	vadd.f32 v12, v19;
	v12 =	vld [tilespmem:s24+$0x1530]  }
0x23c: {  	[tilespmem:s24+$0x1150] =	vst v18;
	v60 =	vld [tilespmem:s24+$0x1540];
	v11 =	vadd.f32 v11, v16  }
0x23d: {  	v61 =	vld [tilespmem:s24+$0x1550];
	[tilespmem:s24+$0x1160] =	vst v17;
	v10 =	vadd.f32 v10, v15  }
0x23e: {  	v62 =	vld [tilespmem:s24+$0x1560];
	[tilespmem:s24+$0x1170] =	vst v11;
	v9 =	vadd.f32 v9, v14  }
0x23f: {  	v63 =	vld [tilespmem:s24+$0x1570];
	[tilespmem:s24+$0x1500] =	vst v10;
	v8 =	vadd.f32 v8, v13  }
0x240: {  	[tilespmem:s24+$0x1510] =	vst v9;
	v7 =	vadd.f32 v7, v12  }
0x241: {  	[tilespmem:s24+$0x1520] =	vst v8;
	v6 =	vadd.f32 v6, v60  }
0x242: {  	v5 =	vadd.f32 v5, v61;
	[tilespmem:s24+$0x1530] =	vst v7  }
0x243: {  	v4 =	vadd.f32 v4, v62;
	[tilespmem:s24+$0x1540] =	vst v6  }
0x244: {  	v3 =	vadd.f32 v3, v63;
	[tilespmem:s24+$0x1550] =	vst v5  }
0x245: {  	[tilespmem:s24+$0x1560] =	vst v4  }
0x246: {  	s23 =	sadd.s32 $0x1, s23;
	[tilespmem:s24+$0x1570] =	vst v3  }
0x247: {  	[hbm4b:s8+s2] =	stream.linear.scatter [tilespmem:s14], [sflag:$0x5], $0x6000, $0x38;
	[tilespmem:$0x18100] =	vst v63  }
0x248: {  	p0 =	sne.s32 s23, s9;
	_ =	swait.ge [sflag:s22], $0x6000  }
.Ltmp2:
0x249: {  	[sflag:s22] =	ssyncset.done $0x0;
	(pc) =	sbr.rel @p0 .LBB2_1-.Ltmp2, $4  }
0x24a: {  	[sflag:s22] =	ssyncadd.s32 $0xFFFFA000  }
0x24b: {  	_ =	swait.ge [sflag:s22], $0x6000  }
0x24c: {  	[sflag:s22] =	ssyncset.done $0x0  }
0x24d: {  	[sflag:s22] =	ssyncadd.s32 $0xFFFFA000  }
0x24e: {  	_ =	sfence.sel $0x180000  }
0x24f: {  	[bflag:$0x0] =	sbarrier.arrive $0xFFFF  }
0x250: {  	_ =	strace $0x9000004A  }
0x251: {  	s0 =	stileid.u32;
	[bflag:$0x2] =	sbarrier.arrive $0xFFFF  }
0x252: {  	p0 =	sne.s32 s0, $0x0;
	s0 =	rddreg [dreg:$0x2]  }
0x253: {  	s0 =	sadd.s32 @!p0 $0x100000, s0  }
0x254: {  	[sflag:s0] =	ssyncadd.tile.s32 @!p0 $0x1;
	_ =	shalt  }
.Lfunc_end2:
_tile_overlayer_lowered:
.L_overlay_start_2:
0x255: {  	(tag) =	ssettag $0x2  }
0x256: {  	s0 =	rddreg [dreg:$0x0];
	s2 =	stileid.u32  }
0x257: {  	s1 =	rddreg [dreg:$0x1];
	p0 =	sne.s32 s2, $0x0  }
0x258: {  	s3 =	rddreg [dreg:$0x2];
	[bflag:$0x3] =	sbarrier.arrive $0xFFFF;
	s2 =	simm.s32 @!p0 $0x1C06  }
0x259: {  	[timem:s3], [sflag:s2] =	dma.local @!p0 [hbm:s0], s1  }
0x25a: {  	s0 =	simm.s32 @!p0 $0x6  }
0x25b: {  	_ =	swait.ge @!p0 [sflag:s0], s1  }
0x25c: {  	s1 =	ssub.s32 @!p0 $0x0, s1;
	[sflag:s0] =	ssyncset.done @!p0 $0x0  }
0x25d: {  	[sflag:s0] =	ssyncadd.s32 @!p0 s1  }
0x25e: {  	[bflag:$0x3] =	sbarrier.arrive $0xFFFF  }
0x25f: {  	_ =	shalt  }

</sc_bundles>
